<compile_context>
chip_gen: v7x
topology: tpu7x:2x2x1
jax: 0.10.2.dev20260603
libtpu: 0.0.44.dev20260713+nightly
codegen_flags: <defaults>
</compile_context>

<pallas_src>
import jax
import jax.numpy as jnp
from jax import lax
from jax.experimental import pallas as pl
from jax.experimental.pallas import tpu as pltpu
from jax.experimental.pallas import tpu_sc as plsc

N = 50000
E = 1600000
T = 12
IN = 16
H = 32

LANES = 128
CH = 14
NC, NS = 2, 16
NW = NC * NS
ER = E // LANES
ROWS_C0 = 448
ROWS_C1 = 336
ERP = NS * (ROWS_C0 + ROWS_C1)
PADE = ERP * LANES - E
DUMP_ROW = N + 8
NP = 51200
TILE_N = NP // NS
ZCH = 320
DEG_TILE = 3200
DEG_PAD = NS * DEG_TILE

NB2 = 512
NB = 400
GRID2 = (N + NB2 - 1) // NB2
GRID = N // NB

_MESH = plsc.VectorSubcoreMesh(core_axis_name="c", subcore_axis_name="s")
_SC_PARAMS = pltpu.CompilerParams(use_tc_tiling_on_sc=False)



def _deg_body(dst_hbm, out_hbm, didx, ones_v, buf, acc, semS):
    c = lax.axis_index("c")
    s = lax.axis_index("s")
    wid = c * NS + s

    for j in range(LANES // 16):
        ones_v[pl.ds(j * 16, 16)] = jnp.ones((16,), jnp.float32)

    @pl.loop(0, DEG_TILE, step=16)
    def _zb(i):
        buf[pl.ds(i, 16)] = jnp.zeros((16,), jnp.float32)

    pltpu.sync_copy(buf, acc.at[pl.ds(s * DEG_TILE, DEG_TILE)])
    plsc.subcore_barrier()

    start = jnp.where(c == 0, s * ROWS_C0, NS * ROWS_C0 + s * ROWS_C1)
    nch = jnp.where(c == 0, ROWS_C0 // CH, ROWS_C1 // CH)

    @pl.loop(0, nch)
    def _edges(i):
        pltpu.sync_copy(dst_hbm.at[pl.ds(start + i * CH, CH)], didx)

        @pl.loop(0, CH)
        def _fire(k):
            pltpu.async_copy(ones_v, acc.at[didx.at[k]], semS, add=True)

        @pl.loop(0, CH)
        def _drain(k):
            pltpu.make_async_copy(ones_v, acc.at[didx.at[k]], semS).wait()

    plsc.subcore_barrier()
    pltpu.sync_copy(acc.at[pl.ds(s * DEG_TILE, DEG_TILE)], buf)
    pltpu.sync_copy(buf, out_hbm.at[c].at[s])


_deg_call = pl.kernel(
    _deg_body,
    out_type=jax.ShapeDtypeStruct((NC, NS, DEG_TILE), jnp.float32),
    mesh=_MESH,
    compiler_params=_SC_PARAMS,
    scratch_types=[
        pltpu.VMEM((CH, LANES), jnp.int32),
        pltpu.VMEM((LANES,), jnp.float32),
        pltpu.VMEM((DEG_TILE,), jnp.float32),
        pltpu.VMEM_SHARED((DEG_PAD,), jnp.float32),
        pltpu.SemaphoreType.DMA,
    ],
)



def _agg_body(src_hbm, dst_hbm, y_hbm, out_hbm, sidxA, didxA, sidxtA, rowsA,
              sidxB, didxB, sidxtB, rowsB, zbuf, obuf, acc, semGA, semGB,
              semS):
    c = lax.axis_index("c")
    s = lax.axis_index("s")
    wid = c * NS + s

    @pl.loop(0, ZCH)
    def _zb(r):
        zbuf[r] = jnp.zeros((16,), jnp.float32)

    start = jnp.where(c == 0, s * ROWS_C0, NS * ROWS_C0 + s * ROWS_C1)
    npair = jnp.where(c == 0, ROWS_C0 // (2 * CH), ROWS_C1 // (2 * CH))

    @pl.loop(0, T)
    def _t(t):
        @pl.loop(0, TILE_N // ZCH)
        def _z(k):
            pltpu.sync_copy(zbuf, acc.at[pl.ds(s * TILE_N + k * ZCH, ZCH)])

        plsc.subcore_barrier()

        def load_fire(i, sidx, didx, sidxt, rows, semG):
            r0 = start + i * CH
            pltpu.sync_copy(src_hbm.at[pl.ds(r0, CH)], sidx)
            pltpu.sync_copy(dst_hbm.at[pl.ds(r0, CH)], didx)

            @pl.loop(0, CH)
            def _idx(k):
                for j in range(LANES // 16):
                    sl = pl.ds(j * 16, 16)
                    sidxt[k, sl] = sidx[k, sl] * T + t

            @pl.loop(0, CH)
            def _fire(k):
                pltpu.async_copy(y_hbm.at[sidxt.at[k]], rows.at[k], semG)

        def wait_scatter(sidxt, didx, rows, semG):
            @pl.loop(0, CH)
            def _wg(k):
                pltpu.make_async_copy(y_hbm.at[sidxt.at[k]], rows.at[k],
                                      semG).wait()

            @pl.loop(0, CH)
            def _fs(k):
                pltpu.async_copy(rows.at[k], acc.at[didx.at[k]], semS,
                                 add=True)

        def drain_scatter(didx, rows):
            @pl.loop(0, CH)
            def _ds(k):
                pltpu.make_async_copy(rows.at[k], acc.at[didx.at[k]],
                                      semS).wait()

        @pl.loop(0, npair)
        def _pair(j):
            load_fire(2 * j, sidxA, didxA, sidxtA, rowsA, semGA)
            load_fire(2 * j + 1, sidxB, didxB, sidxtB, rowsB, semGB)
            wait_scatter(sidxtA, didxA, rowsA, semGA)
            wait_scatter(sidxtB, didxB, rowsB, semGB)
            drain_scatter(didxA, rowsA)
            drain_scatter(didxB, rowsB)

        plsc.subcore_barrier()

        @pl.loop(0, TILE_N // ZCH)
        def _o(k):
            base = s * TILE_N + k * ZCH
            pltpu.sync_copy(acc.at[pl.ds(base, ZCH)],
                            out_hbm.at[t].at[c].at[pl.ds(base, ZCH)])


_agg_call = pl.kernel(
    _agg_body,
    out_type=jax.ShapeDtypeStruct((T, NC, NP, IN), jnp.float32),
    mesh=_MESH,
    compiler_params=_SC_PARAMS,
    scratch_types=[
        pltpu.VMEM((CH, LANES), jnp.int32),
        pltpu.VMEM((CH, LANES), jnp.int32),
        pltpu.VMEM((CH, LANES), jnp.int32),
        pltpu.VMEM((CH, LANES, IN), jnp.float32),
        pltpu.VMEM((CH, LANES), jnp.int32),
        pltpu.VMEM((CH, LANES), jnp.int32),
        pltpu.VMEM((CH, LANES), jnp.int32),
        pltpu.VMEM((CH, LANES, IN), jnp.float32),
        pltpu.VMEM((ZCH, IN), jnp.float32),
        pltpu.VMEM((ZCH, IN), jnp.float32),
        pltpu.VMEM_SHARED((NP, IN), jnp.float32),
        pltpu.SemaphoreType.DMA,
        pltpu.SemaphoreType.DMA,
        pltpu.SemaphoreType.DMA,
    ],
)



def _prep_body(degp_ref, x_ref, dinv_ref, y_ref):
    deg = degp_ref[:, 0] + degp_ref[:, 1] + 1.0
    dinv = lax.rsqrt(deg)[:, None]
    dinv_ref[...] = dinv
    y_ref[...] = x_ref[...] * dinv[:, None]


_prep_call = pl.pallas_call(
    _prep_body,
    grid=(GRID2,),
    in_specs=[
        pl.BlockSpec((NB2, 2), lambda i: (i, 0)),
        pl.BlockSpec((NB2, T, IN), lambda i: (i, 0, 0)),
    ],
    out_specs=[
        pl.BlockSpec((NB2, 1), lambda i: (i, 0)),
        pl.BlockSpec((NB2, T, IN), lambda i: (i, 0, 0)),
    ],
    out_shape=[
        jax.ShapeDtypeStruct((N, 1), jnp.float32),
        jax.ShapeDtypeStruct((N, T, IN), jnp.float32),
    ],
)



def _gru_body(agg_ref, y_ref, dinv_ref, W1_ref, b1_ref, Wih_ref, bih_ref,
              Whh_ref, bhh_ref, Wfc_ref, bfc_ref, out_ref):
    dinv = dinv_ref[...]
    W1 = W1_ref[...]
    b1 = b1_ref[...]
    Wih = Wih_ref[...]
    bih = bih_ref[...]
    Whh = Whh_ref[...]
    bhh = bhh_ref[...]

    h = jnp.zeros((NB, H), jnp.float32)
    for t in range(T):
        z = dinv * (agg_ref[t, 0] + agg_ref[t, 1] + y_ref[:, t, :])
        u = jnp.maximum(
            jnp.dot(z, W1, preferred_element_type=jnp.float32) + b1, 0.0)
        gi = jnp.dot(u, Wih, preferred_element_type=jnp.float32) + bih
        gh = jnp.dot(h, Whh, preferred_element_type=jnp.float32) + bhh
        r = jax.nn.sigmoid(gi[:, :H] + gh[:, :H])
        zz = jax.nn.sigmoid(gi[:, H:2 * H] + gh[:, H:2 * H])
        n = jnp.tanh(gi[:, 2 * H:] + r * gh[:, 2 * H:])
        h = (1.0 - zz) * n + zz * h

    out_ref[...] = (
        jnp.dot(h, Wfc_ref[...], preferred_element_type=jnp.float32)
        + bfc_ref[...])


_gru_call = pl.pallas_call(
    _gru_body,
    grid=(GRID,),
    in_specs=[
        pl.BlockSpec((T, NC, NB, IN), lambda i: (0, 0, i, 0)),
        pl.BlockSpec((NB, T, IN), lambda i: (i, 0, 0)),
        pl.BlockSpec((NB, 1), lambda i: (i, 0)),
        pl.BlockSpec((IN, H), lambda i: (0, 0)),
        pl.BlockSpec((1, H), lambda i: (0, 0)),
        pl.BlockSpec((H, 3 * H), lambda i: (0, 0)),
        pl.BlockSpec((1, 3 * H), lambda i: (0, 0)),
        pl.BlockSpec((H, 3 * H), lambda i: (0, 0)),
        pl.BlockSpec((1, 3 * H), lambda i: (0, 0)),
        pl.BlockSpec((H, 1), lambda i: (0, 0)),
        pl.BlockSpec((1, 1), lambda i: (0, 0)),
    ],
    out_specs=pl.BlockSpec((NB, 1), lambda i: (i, 0)),
    out_shape=jax.ShapeDtypeStruct((N, 1), jnp.float32),
)


def kernel(x, edge_index, W1, b1, W_ih, W_hh, b_ih, b_hh, W_fc, b_fc):
    src_pad = jnp.concatenate(
        [edge_index[0], jnp.zeros((PADE,), jnp.int32)])
    dst_pad = jnp.concatenate(
        [edge_index[1], jnp.full((PADE,), DUMP_ROW, jnp.int32)])
    src2d = src_pad.reshape(ERP, LANES)
    dst2d = dst_pad.reshape(ERP, LANES)

    deg_parts = _deg_call(dst2d)
    degp = deg_parts.reshape(NC, DEG_PAD)[:, :N].T

    dinv, y = _prep_call(degp, x)
    agg = _agg_call(src2d, dst2d, y.reshape(N * T, IN))

    pred = _gru_call(
        agg, y, dinv,
        W1, b1.reshape(1, H),
        W_ih.T, b_ih.reshape(1, 3 * H),
        W_hh.T, b_hh.reshape(1, 3 * H),
        W_fc, b_fc.reshape(1, 1),
    )
    return pred.reshape(N)

# --- scband reference (transcript-rebuilt; emitter-appended) ---
"""Pipeline reference for scband-stgcn-like-baseline-4896262717770 (READ-ONLY COPY).

The authoritative reference and input builder live on the scoring server;
editing this copy changes nothing except your own understanding.
"""

import jax, jax.numpy as jnp
import numpy as np

N = 50000
E = 1600000
T = 12
IN = 16
H = 32
OUT = 1

def setup_inputs(seed: int = 0) -> dict:
    key = jax.random.key(seed)
    ks = jax.random.split(key, 10)
    x = jax.random.normal(ks[0], (N, T, IN), dtype=jnp.float32)
    edge_index = jax.random.randint(ks[1], (2, E), 0, N, dtype=jnp.int32)
    W1 = jax.random.normal(ks[2], (IN, H), dtype=jnp.float32) * 0.1
    b1 = jnp.zeros((H,), dtype=jnp.float32)
    W_ih = jax.random.normal(ks[3], (3 * H, H), dtype=jnp.float32) * 0.1
    W_hh = jax.random.normal(ks[4], (3 * H, H), dtype=jnp.float32) * 0.1
    b_ih = jnp.zeros((3 * H,), dtype=jnp.float32)
    b_hh = jnp.zeros((3 * H,), dtype=jnp.float32)
    W_fc = jax.random.normal(ks[5], (H, OUT), dtype=jnp.float32) * 0.1
    b_fc = jnp.zeros((OUT,), dtype=jnp.float32)
    return {"x": x, "edge_index": edge_index, "W1": W1, "b1": b1,
            "W_ih": W_ih, "W_hh": W_hh, "b_ih": b_ih, "b_hh": b_hh,
            "W_fc": W_fc, "b_fc": b_fc}

def reference(x, edge_index, W1, b1, W_ih, W_hh, b_ih, b_hh, W_fc, b_fc):
    src = edge_index[0]
    dst = edge_index[1]
    loop = jnp.arange(N, dtype=src.dtype)
    s = jnp.concatenate([src, loop])
    d = jnp.concatenate([dst, loop])
    deg = jnp.zeros((N,), dtype=jnp.float32).at[d].add(1.0)
    dinv = jax.lax.rsqrt(deg)
    norm = dinv[s] * dinv[d]

    def gcn(xt):
        xw = xt @ W1
        msg = xw[s] * norm[:, None]
        agg = jnp.zeros((N, H), dtype=xt.dtype).at[d].add(msg)
        return jax.nn.relu(agg + b1)

    # spatial GCN applied per timestep -> [T, N, H]
    seq = jax.vmap(gcn, in_axes=1, out_axes=0)(x)

    def step(h, xt):
        gi = xt @ W_ih.T + b_ih
        gh = h @ W_hh.T + b_hh
        ir, iz, i_n = jnp.split(gi, 3, axis=-1)
        hr, hz, h_n = jnp.split(gh, 3, axis=-1)
        r = jax.nn.sigmoid(ir + hr)
        z = jax.nn.sigmoid(iz + hz)
        n = jnp.tanh(i_n + r * h_n)
        h_new = (1.0 - z) * n + z * h
        return h_new, None

    h0 = jnp.zeros((N, H), dtype=x.dtype)
    h_last, _ = jax.lax.scan(step, h0, seq)
    pred = h_last @ W_fc + b_fc
    return pred.squeeze()

if __name__ == "__main__":
    import jax
    _d = setup_inputs()
    print(jax.jit(kernel)(*tuple(_d.values())))

</pallas_src>

<mosaic_0001>
#map = affine_map<(d0, d1) -> (0, 0)>
#map1 = affine_map<(d0, d1) -> (0, 0, 0, 0)>
module attributes {stable_mosaic.version = 14 : i64} {
  func.func @_agg_body(%arg0: i32, %arg1: i32, %arg2: memref<12544x128xi32, #tpu.memory_space<hbm>>, %arg3: memref<12544x128xi32, #tpu.memory_space<hbm>>, %arg4: memref<600000x16xf32, #tpu.memory_space<hbm>>, %arg5: memref<12x2x51200x16xf32, #tpu.memory_space<hbm>>, %arg6: memref<14x128xi32, #tpu.memory_space<vmem>>, %arg7: memref<14x128xi32, #tpu.memory_space<vmem>>, %arg8: memref<14x128xi32, #tpu.memory_space<vmem>>, %arg9: memref<14x128x16xf32, #tpu.memory_space<vmem>>, %arg10: memref<14x128xi32, #tpu.memory_space<vmem>>, %arg11: memref<14x128xi32, #tpu.memory_space<vmem>>, %arg12: memref<14x128xi32, #tpu.memory_space<vmem>>, %arg13: memref<14x128x16xf32, #tpu.memory_space<vmem>>, %arg14: memref<320x16xf32, #tpu.memory_space<vmem>>, %arg15: memref<320x16xf32, #tpu.memory_space<vmem>>, %arg16: memref<51200x16xf32, #tpu.memory_space<vmem_shared>>, %arg17: memref<!tpu.dma_semaphore, #tpu.memory_space<semaphore_mem>>, %arg18: memref<!tpu.dma_semaphore, #tpu.memory_space<semaphore_mem>>, %arg19: memref<!tpu.dma_semaphore, #tpu.memory_space<semaphore_mem>>) attributes {dimension_semantics = [#tpu.dimension_semantics<core_parallel>, #tpu.dimension_semantics<subcore_parallel>], iteration_bounds = array<i64: 2, 16>, scalar_prefetch = 0 : i64, scratch_operands = 14 : i64, tpu.core_type = #tpu.core_type<sc_vector_subcore>, window_params = [{transform_indices = #map}, {transform_indices = #map}, {transform_indices = #map}, {transform_indices = #map1}]} {
    %mul3A = arith.constant 16 : i32
    %mul3A_0 = arith.muli %arg0, %mul3A : i32
    %add3A = arith.addi %mul3A_0, %arg1 : i32
    %scan3A = arith.constant 0 : i32
    %scan3A_1 = arith.constant 320 : i32
    %scan3A_2 = arith.addi %scan3A, %scan3A_1 : i32
    %scan3A_3 = arith.constant 1 : i32
    scf.for %scan3A_21 = %scan3A to %scan3A_2 step %scan3A_3  : i32 {
      %mul3A_22 = arith.constant 1 : i32
      %mul3A_23 = arith.muli %scan3A_21, %mul3A_22 : i32
      %add3A_24 = arith.constant 0 : i32
      %add3A_25 = arith.addi %add3A_24, %mul3A_23 : i32
      %broadcast_in_dim3A = arith.constant 0.000000e+00 : f32
      %broadcast_in_dim3A_26 = vector.broadcast %broadcast_in_dim3A : f32 to vector<16xf32>
      %swap3A = arith.index_cast %add3A_25 : i32 to index
      %swap3A_27 = arith.constant 0 : index
      %swap3A_28 = tpu.vector_load %arg14[%swap3A, %swap3A_27] {strides = array<i32>} : memref<320x16xf32, #tpu.memory_space<vmem>>, vector<1x16xf32>,
      %swap3A_29 = vector.shape_cast %swap3A_28 : vector<1x16xf32> to vector<16xf32>
      %swap3A_30 = vector.shape_cast %broadcast_in_dim3A_26 : vector<16xf32> to vector<1x16xf32>
      tpu.vector_store %arg14[%swap3A, %swap3A_27], %swap3A_30 {strides = array<i32>} : memref<320x16xf32, #tpu.memory_space<vmem>>, vector<1x16xf32>,
    }
    %scan3A_4 = arith.constant 320 : i32
    %eq3A = arith.constant 0 : i32
    %eq3A_5 = arith.cmpi eq, %arg0, %eq3A : i32
    %mul3A_6 = arith.constant 448 : i32
    %mul3A_7 = arith.muli %arg1, %mul3A_6 : i32
    %mul3A_8 = arith.constant 336 : i32
    %mul3A_9 = arith.muli %arg1, %mul3A_8 : i32
    %add3A_10 = arith.constant 7168 : i32
    %add3A_11 = arith.addi %add3A_10, %mul3A_9 : i32
    %select_n3A = arith.select %eq3A_5, %mul3A_7, %add3A_11 : i32
    %eq3A_12 = arith.constant 0 : i32
    %eq3A_13 = arith.cmpi eq, %arg0, %eq3A_12 : i32
    %jit3A = arith.constant 16 : i32
    %jit3A_14 = arith.constant 12 : i32
    %select_n3A_15 = arith.select %eq3A_13, %jit3A, %jit3A_14 : i32
    %scan3A_16 = arith.constant 0 : i32
    %scan3A_17 = arith.constant 12 : i32
    %scan3A_18 = arith.addi %scan3A_16, %scan3A_17 : i32
    %scan3A_19 = arith.constant 1 : i32
    scf.for %scan3A_21 = %scan3A_16 to %scan3A_18 step %scan3A_19  : i32 {
      %mul3A_22 = arith.constant 1 : i32
      %mul3A_23 = arith.muli %scan3A_21, %mul3A_22 : i32
      %add3A_24 = arith.constant 0 : i32
      %add3A_25 = arith.addi %add3A_24, %mul3A_23 : i32
      %scan3A_26 = arith.constant 0 : i32
      %scan3A_27 = arith.constant 10 : i32
      %scan3A_28 = arith.addi %scan3A_26, %scan3A_27 : i32
      %scan3A_29 = arith.constant 1 : i32
      scf.for %scan3A_53 = %scan3A_26 to %scan3A_28 step %scan3A_29  : i32 {
        %mul3A_54 = arith.constant 1 : i32
        %mul3A_55 = arith.muli %scan3A_53, %mul3A_54 : i32
        %add3A_56 = arith.constant 0 : i32
        %add3A_57 = arith.addi %add3A_56, %mul3A_55 : i32
        %mul3A_58 = arith.constant 3200 : i32
        %mul3A_59 = arith.muli %arg1, %mul3A_58 : i32
        %mul3A_60 = arith.constant 320 : i32
        %mul3A_61 = arith.muli %add3A_57, %mul3A_60 : i32
        %add3A_62 = arith.addi %mul3A_59, %mul3A_61 : i32
        "tpu.region"() ({
          %run_scoped3A = tpu.sem_alloc : memref<!tpu.dma_semaphore, #tpu.memory_space<semaphore_mem>>
          %dma_start3A = arith.constant 0 : i32
          %dma_start3A_63 = tpu.memref_slice %arg16[%add3A_62, %dma_start3A] : memref<51200x16xf32, #tpu.memory_space<vmem_shared>> -> memref<320x16xf32, #tpu.memory_space<vmem_shared>>
          %dma_start3A_64 = arith.constant 0 : i32
          %dma_start3A_65 = tpu.memref_slice %arg16[%add3A_62, %dma_start3A_64] : memref<51200x16xf32, #tpu.memory_space<vmem_shared>> -> memref<320x16xf32, #tpu.memory_space<vmem_shared>>
          tpu.enqueue_dma source(%arg14 : memref<320x16xf32, #tpu.memory_space<vmem>>) target(%dma_start3A_65 : memref<320x16xf32, #tpu.memory_space<vmem_shared>>) target_semaphore(%run_scoped3A : memref<!tpu.dma_semaphore, #tpu.memory_space<semaphore_mem>>)
          %dma_wait3A = arith.constant 0 : i32
          %dma_wait3A_66 = tpu.memref_slice %arg16[%add3A_62, %dma_wait3A] : memref<51200x16xf32, #tpu.memory_space<vmem_shared>> -> memref<320x16xf32, #tpu.memory_space<vmem_shared>>
          %dma_wait3A_67 = arith.constant 0 : i32
          %dma_wait3A_68 = tpu.memref_slice %arg16[%add3A_62, %dma_wait3A_67] : memref<51200x16xf32, #tpu.memory_space<vmem_shared>> -> memref<320x16xf32, #tpu.memory_space<vmem_shared>>
          tpu.wait_dma2 semaphore(%run_scoped3A : memref<!tpu.dma_semaphore, #tpu.memory_space<semaphore_mem>>) src(%arg14 : memref<320x16xf32, #tpu.memory_space<vmem>>) dst(%dma_wait3A_68 : memref<320x16xf32, #tpu.memory_space<vmem_shared>>)
          tpu.yield
        }) : () -> ()
      }
      %scan3A_30 = arith.constant 10 : i32
      %barrier3A = arith.constant 0 : index
      tpu.barrier barrier_id(%barrier3A)
      %sub3A = arith.constant 0 : i32
      %sub3A_31 = arith.subi %select_n3A_15, %sub3A : i32
      %sub3A_32 = arith.constant 1 : i32
      %sub3A_33 = arith.constant 1 : i32
      %sub3A_34 = arith.subi %sub3A_32, %sub3A_33 : i32
      %add3A_35 = arith.addi %sub3A_31, %sub3A_34 : i32
      %div3A = arith.constant 1 : i32
      %div3A_36 = arith.divsi %add3A_35, %div3A : i32
      %while3A = arith.constant 1 : i32
      %while3A_37 = arith.constant 0 : i32
      %while3A_38 = arith.constant 0 : i32
      %while3A_39 = arith.subi %div3A_36, %while3A_38 : i32
      %while3A_40 = arith.addi %while3A_38, %while3A_39 : i32
      %while3A_41 = arith.constant 1 : i32
      %while3A_42 = arith.divsi %while3A_39, %while3A_41 : i32
      %while3A_43 = arith.muli %while3A_42, %while3A_41 : i32
      %while3A_44 = arith.addi %while3A_38, %while3A_43 : i32
      %while3A_45 = arith.constant 1 : i32
      scf.for %while3A_53 = %while3A_38 to %while3A_44 step %while3A_45  : i32 {
        %mul3A_54 = arith.muli %while3A_53, %while3A : i32
        %add3A_55 = arith.addi %while3A_37, %mul3A_54 : i32
        %mul3A_56 = arith.constant 2 : i32
        %mul3A_57 = arith.muli %mul3A_56, %add3A_55 : i32
        %mul3A_58 = arith.constant 14 : i32
        %mul3A_59 = arith.muli %mul3A_57, %mul3A_58 : i32
        %add3A_60 = arith.addi %select_n3A, %mul3A_59 : i32
        "tpu.region"() ({
          %run_scoped3A = tpu.sem_alloc : memref<!tpu.dma_semaphore, #tpu.memory_space<semaphore_mem>>
          %dma_start3A = arith.constant 0 : i32
          %dma_start3A_118 = tpu.memref_slice %arg2[%add3A_60, %dma_start3A] : memref<12544x128xi32, #tpu.memory_space<hbm>> -> memref<14x128xi32, #tpu.memory_space<hbm>>
          %dma_start3A_119 = arith.constant 0 : i32
          %dma_start3A_120 = tpu.memref_slice %arg2[%add3A_60, %dma_start3A_119] : memref<12544x128xi32, #tpu.memory_space<hbm>> -> memref<14x128xi32, #tpu.memory_space<hbm>>
          tpu.enqueue_dma source(%dma_start3A_120 : memref<14x128xi32, #tpu.memory_space<hbm>>) target(%arg6 : memref<14x128xi32, #tpu.memory_space<vmem>>) target_semaphore(%run_scoped3A : memref<!tpu.dma_semaphore, #tpu.memory_space<semaphore_mem>>)
          %dma_wait3A = arith.constant 0 : i32
          %dma_wait3A_121 = tpu.memref_slice %arg2[%add3A_60, %dma_wait3A] : memref<12544x128xi32, #tpu.memory_space<hbm>> -> memref<14x128xi32, #tpu.memory_space<hbm>>
          %dma_wait3A_122 = arith.constant 0 : i32
          %dma_wait3A_123 = tpu.memref_slice %arg2[%add3A_60, %dma_wait3A_122] : memref<12544x128xi32, #tpu.memory_space<hbm>> -> memref<14x128xi32, #tpu.memory_space<hbm>>
          tpu.wait_dma2 semaphore(%run_scoped3A : memref<!tpu.dma_semaphore, #tpu.memory_space<semaphore_mem>>) src(%dma_wait3A_123 : memref<14x128xi32, #tpu.memory_space<hbm>>) dst(%arg6 : memref<14x128xi32, #tpu.memory_space<vmem>>)
          tpu.yield
        }) : () -> ()
        "tpu.region"() ({
          %run_scoped3A = tpu.sem_alloc : memref<!tpu.dma_semaphore, #tpu.memory_space<semaphore_mem>>
          %dma_start3A = arith.constant 0 : i32
          %dma_start3A_118 = tpu.memref_slice %arg3[%add3A_60, %dma_start3A] : memref<12544x128xi32, #tpu.memory_space<hbm>> -> memref<14x128xi32, #tpu.memory_space<hbm>>
          %dma_start3A_119 = arith.constant 0 : i32
          %dma_start3A_120 = tpu.memref_slice %arg3[%add3A_60, %dma_start3A_119] : memref<12544x128xi32, #tpu.memory_space<hbm>> -> memref<14x128xi32, #tpu.memory_space<hbm>>
          tpu.enqueue_dma source(%dma_start3A_120 : memref<14x128xi32, #tpu.memory_space<hbm>>) target(%arg7 : memref<14x128xi32, #tpu.memory_space<vmem>>) target_semaphore(%run_scoped3A : memref<!tpu.dma_semaphore, #tpu.memory_space<semaphore_mem>>)
          %dma_wait3A = arith.constant 0 : i32
          %dma_wait3A_121 = tpu.memref_slice %arg3[%add3A_60, %dma_wait3A] : memref<12544x128xi32, #tpu.memory_space<hbm>> -> memref<14x128xi32, #tpu.memory_space<hbm>>
          %dma_wait3A_122 = arith.constant 0 : i32
          %dma_wait3A_123 = tpu.memref_slice %arg3[%add3A_60, %dma_wait3A_122] : memref<12544x128xi32, #tpu.memory_space<hbm>> -> memref<14x128xi32, #tpu.memory_space<hbm>>
          tpu.wait_dma2 semaphore(%run_scoped3A : memref<!tpu.dma_semaphore, #tpu.memory_space<semaphore_mem>>) src(%dma_wait3A_123 : memref<14x128xi32, #tpu.memory_space<hbm>>) dst(%arg7 : memref<14x128xi32, #tpu.memory_space<vmem>>)
          tpu.yield
        }) : () -> ()
        %scan3A_61 = arith.constant 0 : i32
        %scan3A_62 = arith.constant 14 : i32
        %scan3A_63 = arith.addi %scan3A_61, %scan3A_62 : i32
        %scan3A_64 = arith.constant 1 : i32
        scf.for %scan3A_118 = %scan3A_61 to %scan3A_63 step %scan3A_64  : i32 {
          %mul3A_119 = arith.constant 1 : i32
          %mul3A_120 = arith.muli %scan3A_118, %mul3A_119 : i32
          %add3A_121 = arith.constant 0 : i32
          %add3A_122 = arith.addi %add3A_121, %mul3A_120 : i32
          %get3A = arith.index_cast %add3A_122 : i32 to index
          %get3A_123 = arith.constant 0 : index
          %get3A_124 = tpu.vector_load %arg6[%get3A, %get3A_123] {strides = array<i32>} : memref<14x128xi32, #tpu.memory_space<vmem>>, vector<1x16xi32>,
          %get3A_125 = vector.shape_cast %get3A_124 : vector<1x16xi32> to vector<16xi32>
          %mul3A_126 = arith.constant 12 : i32
          %mul3A_127 = vector.broadcast %mul3A_126 : i32 to vector<16xi32>
          %mul3A_128 = arith.muli %get3A_125, %mul3A_127 : vector<16xi32>
          %add3A_129 = vector.broadcast %add3A_25 : i32 to vector<16xi32>
          %add3A_130 = arith.addi %mul3A_128, %add3A_129 : vector<16xi32>
          %swap3A = arith.index_cast %add3A_122 : i32 to index
          %swap3A_131 = arith.constant 0 : index
          %swap3A_132 = tpu.vector_load %arg8[%swap3A, %swap3A_131] {strides = array<i32>} : memref<14x128xi32, #tpu.memory_space<vmem>>, vector<1x16xi32>,
          %swap3A_133 = vector.shape_cast %swap3A_132 : vector<1x16xi32> to vector<16xi32>
          %swap3A_134 = vector.shape_cast %add3A_130 : vector<16xi32> to vector<1x16xi32>
          tpu.vector_store %arg8[%swap3A, %swap3A_131], %swap3A_134 {strides = array<i32>} : memref<14x128xi32, #tpu.memory_space<vmem>>, vector<1x16xi32>,
          %get3A_135 = arith.index_cast %add3A_122 : i32 to index
          %get3A_136 = arith.constant 16 : index
          %get3A_137 = tpu.vector_load %arg6[%get3A_135, %get3A_136] {strides = array<i32>} : memref<14x128xi32, #tpu.memory_space<vmem>>, vector<1x16xi32>,
          %get3A_138 = vector.shape_cast %get3A_137 : vector<1x16xi32> to vector<16xi32>
          %mul3A_139 = arith.constant 12 : i32
          %mul3A_140 = vector.broadcast %mul3A_139 : i32 to vector<16xi32>
          %mul3A_141 = arith.muli %get3A_138, %mul3A_140 : vector<16xi32>
          %add3A_142 = vector.broadcast %add3A_25 : i32 to vector<16xi32>
          %add3A_143 = arith.addi %mul3A_141, %add3A_142 : vector<16xi32>
          %swap3A_144 = arith.index_cast %add3A_122 : i32 to index
          %swap3A_145 = arith.constant 16 : index
          %swap3A_146 = tpu.vector_load %arg8[%swap3A_144, %swap3A_145] {strides = array<i32>} : memref<14x128xi32, #tpu.memory_space<vmem>>, vector<1x16xi32>,
          %swap3A_147 = vector.shape_cast %swap3A_146 : vector<1x16xi32> to vector<16xi32>
          %swap3A_148 = vector.shape_cast %add3A_143 : vector<16xi32> to vector<1x16xi32>
          tpu.vector_store %arg8[%swap3A_144, %swap3A_145], %swap3A_148 {strides = array<i32>} : memref<14x128xi32, #tpu.memory_space<vmem>>, vector<1x16xi32>,
          %get3A_149 = arith.index_cast %add3A_122 : i32 to index
          %get3A_150 = arith.constant 32 : index
          %get3A_151 = tpu.vector_load %arg6[%get3A_149, %get3A_150] {strides = array<i32>} : memref<14x128xi32, #tpu.memory_space<vmem>>, vector<1x16xi32>,
          %get3A_152 = vector.shape_cast %get3A_151 : vector<1x16xi32> to vector<16xi32>
          %mul3A_153 = arith.constant 12 : i32
          %mul3A_154 = vector.broadcast %mul3A_153 : i32 to vector<16xi32>
          %mul3A_155 = arith.muli %get3A_152, %mul3A_154 : vector<16xi32>
          %add3A_156 = vector.broadcast %add3A_25 : i32 to vector<16xi32>
          %add3A_157 = arith.addi %mul3A_155, %add3A_156 : vector<16xi32>
          %swap3A_158 = arith.index_cast %add3A_122 : i32 to index
          %swap3A_159 = arith.constant 32 : index
          %swap3A_160 = tpu.vector_load %arg8[%swap3A_158, %swap3A_159] {strides = array<i32>} : memref<14x128xi32, #tpu.memory_space<vmem>>, vector<1x16xi32>,
          %swap3A_161 = vector.shape_cast %swap3A_160 : vector<1x16xi32> to vector<16xi32>
          %swap3A_162 = vector.shape_cast %add3A_157 : vector<16xi32> to vector<1x16xi32>
          tpu.vector_store %arg8[%swap3A_158, %swap3A_159], %swap3A_162 {strides = array<i32>} : memref<14x128xi32, #tpu.memory_space<vmem>>, vector<1x16xi32>,
          %get3A_163 = arith.index_cast %add3A_122 : i32 to index
          %get3A_164 = arith.constant 48 : index
          %get3A_165 = tpu.vector_load %arg6[%get3A_163, %get3A_164] {strides = array<i32>} : memref<14x128xi32, #tpu.memory_space<vmem>>, vector<1x16xi32>,
          %get3A_166 = vector.shape_cast %get3A_165 : vector<1x16xi32> to vector<16xi32>
          %mul3A_167 = arith.constant 12 : i32
          %mul3A_168 = vector.broadcast %mul3A_167 : i32 to vector<16xi32>
          %mul3A_169 = arith.muli %get3A_166, %mul3A_168 : vector<16xi32>
          %add3A_170 = vector.broadcast %add3A_25 : i32 to vector<16xi32>
          %add3A_171 = arith.addi %mul3A_169, %add3A_170 : vector<16xi32>
          %swap3A_172 = arith.index_cast %add3A_122 : i32 to index
          %swap3A_173 = arith.constant 48 : index
          %swap3A_174 = tpu.vector_load %arg8[%swap3A_172, %swap3A_173] {strides = array<i32>} : memref<14x128xi32, #tpu.memory_space<vmem>>, vector<1x16xi32>,
          %swap3A_175 = vector.shape_cast %swap3A_174 : vector<1x16xi32> to vector<16xi32>
          %swap3A_176 = vector.shape_cast %add3A_171 : vector<16xi32> to vector<1x16xi32>
          tpu.vector_store %arg8[%swap3A_172, %swap3A_173], %swap3A_176 {strides = array<i32>} : memref<14x128xi32, #tpu.memory_space<vmem>>, vector<1x16xi32>,
          %get3A_177 = arith.index_cast %add3A_122 : i32 to index
          %get3A_178 = arith.constant 64 : index
          %get3A_179 = tpu.vector_load %arg6[%get3A_177, %get3A_178] {strides = array<i32>} : memref<14x128xi32, #tpu.memory_space<vmem>>, vector<1x16xi32>,
          %get3A_180 = vector.shape_cast %get3A_179 : vector<1x16xi32> to vector<16xi32>
          %mul3A_181 = arith.constant 12 : i32
          %mul3A_182 = vector.broadcast %mul3A_181 : i32 to vector<16xi32>
          %mul3A_183 = arith.muli %get3A_180, %mul3A_182 : vector<16xi32>
          %add3A_184 = vector.broadcast %add3A_25 : i32 to vector<16xi32>
          %add3A_185 = arith.addi %mul3A_183, %add3A_184 : vector<16xi32>
          %swap3A_186 = arith.index_cast %add3A_122 : i32 to index
          %swap3A_187 = arith.constant 64 : index
          %swap3A_188 = tpu.vector_load %arg8[%swap3A_186, %swap3A_187] {strides = array<i32>} : memref<14x128xi32, #tpu.memory_space<vmem>>, vector<1x16xi32>,
          %swap3A_189 = vector.shape_cast %swap3A_188 : vector<1x16xi32> to vector<16xi32>
          %swap3A_190 = vector.shape_cast %add3A_185 : vector<16xi32> to vector<1x16xi32>
          tpu.vector_store %arg8[%swap3A_186, %swap3A_187], %swap3A_190 {strides = array<i32>} : memref<14x128xi32, #tpu.memory_space<vmem>>, vector<1x16xi32>,
          %get3A_191 = arith.index_cast %add3A_122 : i32 to index
          %get3A_192 = arith.constant 80 : index
          %get3A_193 = tpu.vector_load %arg6[%get3A_191, %get3A_192] {strides = array<i32>} : memref<14x128xi32, #tpu.memory_space<vmem>>, vector<1x16xi32>,
          %get3A_194 = vector.shape_cast %get3A_193 : vector<1x16xi32> to vector<16xi32>
          %mul3A_195 = arith.constant 12 : i32
          %mul3A_196 = vector.broadcast %mul3A_195 : i32 to vector<16xi32>
          %mul3A_197 = arith.muli %get3A_194, %mul3A_196 : vector<16xi32>
          %add3A_198 = vector.broadcast %add3A_25 : i32 to vector<16xi32>
          %add3A_199 = arith.addi %mul3A_197, %add3A_198 : vector<16xi32>
          %swap3A_200 = arith.index_cast %add3A_122 : i32 to index
          %swap3A_201 = arith.constant 80 : index
          %swap3A_202 = tpu.vector_load %arg8[%swap3A_200, %swap3A_201] {strides = array<i32>} : memref<14x128xi32, #tpu.memory_space<vmem>>, vector<1x16xi32>,
          %swap3A_203 = vector.shape_cast %swap3A_202 : vector<1x16xi32> to vector<16xi32>
          %swap3A_204 = vector.shape_cast %add3A_199 : vector<16xi32> to vector<1x16xi32>
          tpu.vector_store %arg8[%swap3A_200, %swap3A_201], %swap3A_204 {strides = array<i32>} : memref<14x128xi32, #tpu.memory_space<vmem>>, vector<1x16xi32>,
          %get3A_205 = arith.index_cast %add3A_122 : i32 to index
          %get3A_206 = arith.constant 96 : index
          %get3A_207 = tpu.vector_load %arg6[%get3A_205, %get3A_206] {strides = array<i32>} : memref<14x128xi32, #tpu.memory_space<vmem>>, vector<1x16xi32>,
          %get3A_208 = vector.shape_cast %get3A_207 : vector<1x16xi32> to vector<16xi32>
          %mul3A_209 = arith.constant 12 : i32
          %mul3A_210 = vector.broadcast %mul3A_209 : i32 to vector<16xi32>
          %mul3A_211 = arith.muli %get3A_208, %mul3A_210 : vector<16xi32>
          %add3A_212 = vector.broadcast %add3A_25 : i32 to vector<16xi32>
          %add3A_213 = arith.addi %mul3A_211, %add3A_212 : vector<16xi32>
          %swap3A_214 = arith.index_cast %add3A_122 : i32 to index
          %swap3A_215 = arith.constant 96 : index
          %swap3A_216 = tpu.vector_load %arg8[%swap3A_214, %swap3A_215] {strides = array<i32>} : memref<14x128xi32, #tpu.memory_space<vmem>>, vector<1x16xi32>,
          %swap3A_217 = vector.shape_cast %swap3A_216 : vector<1x16xi32> to vector<16xi32>
          %swap3A_218 = vector.shape_cast %add3A_213 : vector<16xi32> to vector<1x16xi32>
          tpu.vector_store %arg8[%swap3A_214, %swap3A_215], %swap3A_218 {strides = array<i32>} : memref<14x128xi32, #tpu.memory_space<vmem>>, vector<1x16xi32>,
          %get3A_219 = arith.index_cast %add3A_122 : i32 to index
          %get3A_220 = arith.constant 112 : index
          %get3A_221 = tpu.vector_load %arg6[%get3A_219, %get3A_220] {strides = array<i32>} : memref<14x128xi32, #tpu.memory_space<vmem>>, vector<1x16xi32>,
          %get3A_222 = vector.shape_cast %get3A_221 : vector<1x16xi32> to vector<16xi32>
          %mul3A_223 = arith.constant 12 : i32
          %mul3A_224 = vector.broadcast %mul3A_223 : i32 to vector<16xi32>
          %mul3A_225 = arith.muli %get3A_222, %mul3A_224 : vector<16xi32>
          %add3A_226 = vector.broadcast %add3A_25 : i32 to vector<16xi32>
          %add3A_227 = arith.addi %mul3A_225, %add3A_226 : vector<16xi32>
          %swap3A_228 = arith.index_cast %add3A_122 : i32 to index
          %swap3A_229 = arith.constant 112 : index
          %swap3A_230 = tpu.vector_load %arg8[%swap3A_228, %swap3A_229] {strides = array<i32>} : memref<14x128xi32, #tpu.memory_space<vmem>>, vector<1x16xi32>,
          %swap3A_231 = vector.shape_cast %swap3A_230 : vector<1x16xi32> to vector<16xi32>
          %swap3A_232 = vector.shape_cast %add3A_227 : vector<16xi32> to vector<1x16xi32>
          tpu.vector_store %arg8[%swap3A_228, %swap3A_229], %swap3A_232 {strides = array<i32>} : memref<14x128xi32, #tpu.memory_space<vmem>>, vector<1x16xi32>,
        }
        %scan3A_65 = arith.constant 14 : i32
        %scan3A_66 = arith.constant 0 : i32
        %scan3A_67 = arith.constant 14 : i32
        %scan3A_68 = arith.addi %scan3A_66, %scan3A_67 : i32
        %scan3A_69 = arith.constant 1 : i32
        scf.for %scan3A_118 = %scan3A_66 to %scan3A_68 step %scan3A_69  : i32 {
          %mul3A_119 = arith.constant 1 : i32
          %mul3A_120 = arith.muli %scan3A_118, %mul3A_119 : i32
          %add3A_121 = arith.constant 0 : i32
          %add3A_122 = arith.addi %add3A_121, %mul3A_120 : i32
          %dma_start3A = arith.constant 0 : i32
          %dma_start3A_123 = arith.constant 0 : i32
          %dma_start3A_124 = tpu.memref_slice %arg9[%add3A_122, %dma_start3A, %dma_start3A_123] : memref<14x128x16xf32, #tpu.memory_space<vmem>> -> memref<1x128x16xf32, #tpu.memory_space<vmem>>
          %dma_start3A_125 = tpu.memref_squeeze %dma_start3A_124 : memref<1x128x16xf32, #tpu.memory_space<vmem>> -> memref<128x16xf32, #tpu.memory_space<vmem>>
          %dma_start3A_126 = arith.constant 0 : i32
          %dma_start3A_127 = tpu.memref_slice %arg8[%add3A_122, %dma_start3A_126] : memref<14x128xi32, #tpu.memory_space<vmem>> -> memref<1x128xi32, #tpu.memory_space<vmem>>
          %dma_start3A_128 = tpu.memref_squeeze %dma_start3A_127 : memref<1x128xi32, #tpu.memory_space<vmem>> -> memref<128xi32, #tpu.memory_space<vmem>>
          %dma_start3A_129 = arith.constant 0 : i32
          %dma_start3A_130 = arith.constant 0 : i32
          %dma_start3A_131 = tpu.memref_slice %arg4[%dma_start3A_129, %dma_start3A_130] : memref<600000x16xf32, #tpu.memory_space<hbm>> -> memref<600000x16xf32, #tpu.memory_space<hbm>>
          tpu.enqueue_indirect_dma source(%dma_start3A_131 : memref<600000x16xf32, #tpu.memory_space<hbm>>) target(%dma_start3A_125 : memref<128x16xf32, #tpu.memory_space<vmem>>) offsets(%dma_start3A_128 : memref<128xi32, #tpu.memory_space<vmem>>) semaphore(%arg17 : memref<!tpu.dma_semaphore, #tpu.memory_space<semaphore_mem>>)
        }
        %scan3A_70 = arith.constant 14 : i32
        %mul3A_71 = arith.constant 2 : i32
        %mul3A_72 = arith.muli %mul3A_71, %add3A_55 : i32
        %add3A_73 = arith.constant 1 : i32
        %add3A_74 = arith.addi %mul3A_72, %add3A_73 : i32
        %mul3A_75 = arith.constant 14 : i32
        %mul3A_76 = arith.muli %add3A_74, %mul3A_75 : i32
        %add3A_77 = arith.addi %select_n3A, %mul3A_76 : i32
        "tpu.region"() ({
          %run_scoped3A = tpu.sem_alloc : memref<!tpu.dma_semaphore, #tpu.memory_space<semaphore_mem>>
          %dma_start3A = arith.constant 0 : i32
          %dma_start3A_118 = tpu.memref_slice %arg2[%add3A_77, %dma_start3A] : memref<12544x128xi32, #tpu.memory_space<hbm>> -> memref<14x128xi32, #tpu.memory_space<hbm>>
          %dma_start3A_119 = arith.constant 0 : i32
          %dma_start3A_120 = tpu.memref_slice %arg2[%add3A_77, %dma_start3A_119] : memref<12544x128xi32, #tpu.memory_space<hbm>> -> memref<14x128xi32, #tpu.memory_space<hbm>>
          tpu.enqueue_dma source(%dma_start3A_120 : memref<14x128xi32, #tpu.memory_space<hbm>>) target(%arg10 : memref<14x128xi32, #tpu.memory_space<vmem>>) target_semaphore(%run_scoped3A : memref<!tpu.dma_semaphore, #tpu.memory_space<semaphore_mem>>)
          %dma_wait3A = arith.constant 0 : i32
          %dma_wait3A_121 = tpu.memref_slice %arg2[%add3A_77, %dma_wait3A] : memref<12544x128xi32, #tpu.memory_space<hbm>> -> memref<14x128xi32, #tpu.memory_space<hbm>>
          %dma_wait3A_122 = arith.constant 0 : i32
          %dma_wait3A_123 = tpu.memref_slice %arg2[%add3A_77, %dma_wait3A_122] : memref<12544x128xi32, #tpu.memory_space<hbm>> -> memref<14x128xi32, #tpu.memory_space<hbm>>
          tpu.wait_dma2 semaphore(%run_scoped3A : memref<!tpu.dma_semaphore, #tpu.memory_space<semaphore_mem>>) src(%dma_wait3A_123 : memref<14x128xi32, #tpu.memory_space<hbm>>) dst(%arg10 : memref<14x128xi32, #tpu.memory_space<vmem>>)
          tpu.yield
        }) : () -> ()
        "tpu.region"() ({
          %run_scoped3A = tpu.sem_alloc : memref<!tpu.dma_semaphore, #tpu.memory_space<semaphore_mem>>
          %dma_start3A = arith.constant 0 : i32
          %dma_start3A_118 = tpu.memref_slice %arg3[%add3A_77, %dma_start3A] : memref<12544x128xi32, #tpu.memory_space<hbm>> -> memref<14x128xi32, #tpu.memory_space<hbm>>
          %dma_start3A_119 = arith.constant 0 : i32
          %dma_start3A_120 = tpu.memref_slice %arg3[%add3A_77, %dma_start3A_119] : memref<12544x128xi32, #tpu.memory_space<hbm>> -> memref<14x128xi32, #tpu.memory_space<hbm>>
          tpu.enqueue_dma source(%dma_start3A_120 : memref<14x128xi32, #tpu.memory_space<hbm>>) target(%arg11 : memref<14x128xi32, #tpu.memory_space<vmem>>) target_semaphore(%run_scoped3A : memref<!tpu.dma_semaphore, #tpu.memory_space<semaphore_mem>>)
          %dma_wait3A = arith.constant 0 : i32
          %dma_wait3A_121 = tpu.memref_slice %arg3[%add3A_77, %dma_wait3A] : memref<12544x128xi32, #tpu.memory_space<hbm>> -> memref<14x128xi32, #tpu.memory_space<hbm>>
          %dma_wait3A_122 = arith.constant 0 : i32
          %dma_wait3A_123 = tpu.memref_slice %arg3[%add3A_77, %dma_wait3A_122] : memref<12544x128xi32, #tpu.memory_space<hbm>> -> memref<14x128xi32, #tpu.memory_space<hbm>>
          tpu.wait_dma2 semaphore(%run_scoped3A : memref<!tpu.dma_semaphore, #tpu.memory_space<semaphore_mem>>) src(%dma_wait3A_123 : memref<14x128xi32, #tpu.memory_space<hbm>>) dst(%arg11 : memref<14x128xi32, #tpu.memory_space<vmem>>)
          tpu.yield
        }) : () -> ()
        %scan3A_78 = arith.constant 0 : i32
        %scan3A_79 = arith.constant 14 : i32
        %scan3A_80 = arith.addi %scan3A_78, %scan3A_79 : i32
        %scan3A_81 = arith.constant 1 : i32
        scf.for %scan3A_118 = %scan3A_78 to %scan3A_80 step %scan3A_81  : i32 {
          %mul3A_119 = arith.constant 1 : i32
          %mul3A_120 = arith.muli %scan3A_118, %mul3A_119 : i32
          %add3A_121 = arith.constant 0 : i32
          %add3A_122 = arith.addi %add3A_121, %mul3A_120 : i32
          %get3A = arith.index_cast %add3A_122 : i32 to index
          %get3A_123 = arith.constant 0 : index
          %get3A_124 = tpu.vector_load %arg10[%get3A, %get3A_123] {strides = array<i32>} : memref<14x128xi32, #tpu.memory_space<vmem>>, vector<1x16xi32>,
          %get3A_125 = vector.shape_cast %get3A_124 : vector<1x16xi32> to vector<16xi32>
          %mul3A_126 = arith.constant 12 : i32
          %mul3A_127 = vector.broadcast %mul3A_126 : i32 to vector<16xi32>
          %mul3A_128 = arith.muli %get3A_125, %mul3A_127 : vector<16xi32>
          %add3A_129 = vector.broadcast %add3A_25 : i32 to vector<16xi32>
          %add3A_130 = arith.addi %mul3A_128, %add3A_129 : vector<16xi32>
          %swap3A = arith.index_cast %add3A_122 : i32 to index
          %swap3A_131 = arith.constant 0 : index
          %swap3A_132 = tpu.vector_load %arg12[%swap3A, %swap3A_131] {strides = array<i32>} : memref<14x128xi32, #tpu.memory_space<vmem>>, vector<1x16xi32>,
          %swap3A_133 = vector.shape_cast %swap3A_132 : vector<1x16xi32> to vector<16xi32>
          %swap3A_134 = vector.shape_cast %add3A_130 : vector<16xi32> to vector<1x16xi32>
          tpu.vector_store %arg12[%swap3A, %swap3A_131], %swap3A_134 {strides = array<i32>} : memref<14x128xi32, #tpu.memory_space<vmem>>, vector<1x16xi32>,
          %get3A_135 = arith.index_cast %add3A_122 : i32 to index
          %get3A_136 = arith.constant 16 : index
          %get3A_137 = tpu.vector_load %arg10[%get3A_135, %get3A_136] {strides = array<i32>} : memref<14x128xi32, #tpu.memory_space<vmem>>, vector<1x16xi32>,
          %get3A_138 = vector.shape_cast %get3A_137 : vector<1x16xi32> to vector<16xi32>
          %mul3A_139 = arith.constant 12 : i32
          %mul3A_140 = vector.broadcast %mul3A_139 : i32 to vector<16xi32>
          %mul3A_141 = arith.muli %get3A_138, %mul3A_140 : vector<16xi32>
          %add3A_142 = vector.broadcast %add3A_25 : i32 to vector<16xi32>
          %add3A_143 = arith.addi %mul3A_141, %add3A_142 : vector<16xi32>
          %swap3A_144 = arith.index_cast %add3A_122 : i32 to index
          %swap3A_145 = arith.constant 16 : index
          %swap3A_146 = tpu.vector_load %arg12[%swap3A_144, %swap3A_145] {strides = array<i32>} : memref<14x128xi32, #tpu.memory_space<vmem>>, vector<1x16xi32>,
          %swap3A_147 = vector.shape_cast %swap3A_146 : vector<1x16xi32> to vector<16xi32>
          %swap3A_148 = vector.shape_cast %add3A_143 : vector<16xi32> to vector<1x16xi32>
          tpu.vector_store %arg12[%swap3A_144, %swap3A_145], %swap3A_148 {strides = array<i32>} : memref<14x128xi32, #tpu.memory_space<vmem>>, vector<1x16xi32>,
          %get3A_149 = arith.index_cast %add3A_122 : i32 to index
          %get3A_150 = arith.constant 32 : index
          %get3A_151 = tpu.vector_load %arg10[%get3A_149, %get3A_150] {strides = array<i32>} : memref<14x128xi32, #tpu.memory_space<vmem>>, vector<1x16xi32>,
          %get3A_152 = vector.shape_cast %get3A_151 : vector<1x16xi32> to vector<16xi32>
          %mul3A_153 = arith.constant 12 : i32
          %mul3A_154 = vector.broadcast %mul3A_153 : i32 to vector<16xi32>
          %mul3A_155 = arith.muli %get3A_152, %mul3A_154 : vector<16xi32>
          %add3A_156 = vector.broadcast %add3A_25 : i32 to vector<16xi32>
          %add3A_157 = arith.addi %mul3A_155, %add3A_156 : vector<16xi32>
          %swap3A_158 = arith.index_cast %add3A_122 : i32 to index
          %swap3A_159 = arith.constant 32 : index
          %swap3A_160 = tpu.vector_load %arg12[%swap3A_158, %swap3A_159] {strides = array<i32>} : memref<14x128xi32, #tpu.memory_space<vmem>>, vector<1x16xi32>,
          %swap3A_161 = vector.shape_cast %swap3A_160 : vector<1x16xi32> to vector<16xi32>
          %swap3A_162 = vector.shape_cast %add3A_157 : vector<16xi32> to vector<1x16xi32>
          tpu.vector_store %arg12[%swap3A_158, %swap3A_159], %swap3A_162 {strides = array<i32>} : memref<14x128xi32, #tpu.memory_space<vmem>>, vector<1x16xi32>,
          %get3A_163 = arith.index_cast %add3A_122 : i32 to index
          %get3A_164 = arith.constant 48 : index
          %get3A_165 = tpu.vector_load %arg10[%get3A_163, %get3A_164] {strides = array<i32>} : memref<14x128xi32, #tpu.memory_space<vmem>>, vector<1x16xi32>,
          %get3A_166 = vector.shape_cast %get3A_165 : vector<1x16xi32> to vector<16xi32>
          %mul3A_167 = arith.constant 12 : i32
          %mul3A_168 = vector.broadcast %mul3A_167 : i32 to vector<16xi32>
          %mul3A_169 = arith.muli %get3A_166, %mul3A_168 : vector<16xi32>
          %add3A_170 = vector.broadcast %add3A_25 : i32 to vector<16xi32>
          %add3A_171 = arith.addi %mul3A_169, %add3A_170 : vector<16xi32>
          %swap3A_172 = arith.index_cast %add3A_122 : i32 to index
          %swap3A_173 = arith.constant 48 : index
          %swap3A_174 = tpu.vector_load %arg12[%swap3A_172, %swap3A_173] {strides = array<i32>} : memref<14x128xi32, #tpu.memory_space<vmem>>, vector<1x16xi32>,
          %swap3A_175 = vector.shape_cast %swap3A_174 : vector<1x16xi32> to vector<16xi32>
          %swap3A_176 = vector.shape_cast %add3A_171 : vector<16xi32> to vector<1x16xi32>
          tpu.vector_store %arg12[%swap3A_172, %swap3A_173], %swap3A_176 {strides = array<i32>} : memref<14x128xi32, #tpu.memory_space<vmem>>, vector<1x16xi32>,
          %get3A_177 = arith.index_cast %add3A_122 : i32 to index
          %get3A_178 = arith.constant 64 : index
          %get3A_179 = tpu.vector_load %arg10[%get3A_177, %get3A_178] {strides = array<i32>} : memref<14x128xi32, #tpu.memory_space<vmem>>, vector<1x16xi32>,
          %get3A_180 = vector.shape_cast %get3A_179 : vector<1x16xi32> to vector<16xi32>
          %mul3A_181 = arith.constant 12 : i32
          %mul3A_182 = vector.broadcast %mul3A_181 : i32 to vector<16xi32>
          %mul3A_183 = arith.muli %get3A_180, %mul3A_182 : vector<16xi32>
          %add3A_184 = vector.broadcast %add3A_25 : i32 to vector<16xi32>
          %add3A_185 = arith.addi %mul3A_183, %add3A_184 : vector<16xi32>
          %swap3A_186 = arith.index_cast %add3A_122 : i32 to index
          %swap3A_187 = arith.constant 64 : index
          %swap3A_188 = tpu.vector_load %arg12[%swap3A_186, %swap3A_187] {strides = array<i32>} : memref<14x128xi32, #tpu.memory_space<vmem>>, vector<1x16xi32>,
          %swap3A_189 = vector.shape_cast %swap3A_188 : vector<1x16xi32> to vector<16xi32>
          %swap3A_190 = vector.shape_cast %add3A_185 : vector<16xi32> to vector<1x16xi32>
          tpu.vector_store %arg12[%swap3A_186, %swap3A_187], %swap3A_190 {strides = array<i32>} : memref<14x128xi32, #tpu.memory_space<vmem>>, vector<1x16xi32>,
          %get3A_191 = arith.index_cast %add3A_122 : i32 to index
          %get3A_192 = arith.constant 80 : index
          %get3A_193 = tpu.vector_load %arg10[%get3A_191, %get3A_192] {strides = array<i32>} : memref<14x128xi32, #tpu.memory_space<vmem>>, vector<1x16xi32>,
          %get3A_194 = vector.shape_cast %get3A_193 : vector<1x16xi32> to vector<16xi32>
          %mul3A_195 = arith.constant 12 : i32
          %mul3A_196 = vector.broadcast %mul3A_195 : i32 to vector<16xi32>
          %mul3A_197 = arith.muli %get3A_194, %mul3A_196 : vector<16xi32>
          %add3A_198 = vector.broadcast %add3A_25 : i32 to vector<16xi32>
          %add3A_199 = arith.addi %mul3A_197, %add3A_198 : vector<16xi32>
          %swap3A_200 = arith.index_cast %add3A_122 : i32 to index
          %swap3A_201 = arith.constant 80 : index
          %swap3A_202 = tpu.vector_load %arg12[%swap3A_200, %swap3A_201] {strides = array<i32>} : memref<14x128xi32, #tpu.memory_space<vmem>>, vector<1x16xi32>,
          %swap3A_203 = vector.shape_cast %swap3A_202 : vector<1x16xi32> to vector<16xi32>
          %swap3A_204 = vector.shape_cast %add3A_199 : vector<16xi32> to vector<1x16xi32>
          tpu.vector_store %arg12[%swap3A_200, %swap3A_201], %swap3A_204 {strides = array<i32>} : memref<14x128xi32, #tpu.memory_space<vmem>>, vector<1x16xi32>,
          %get3A_205 = arith.index_cast %add3A_122 : i32 to index
          %get3A_206 = arith.constant 96 : index
          %get3A_207 = tpu.vector_load %arg10[%get3A_205, %get3A_206] {strides = array<i32>} : memref<14x128xi32, #tpu.memory_space<vmem>>, vector<1x16xi32>,
          %get3A_208 = vector.shape_cast %get3A_207 : vector<1x16xi32> to vector<16xi32>
          %mul3A_209 = arith.constant 12 : i32
          %mul3A_210 = vector.broadcast %mul3A_209 : i32 to vector<16xi32>
          %mul3A_211 = arith.muli %get3A_208, %mul3A_210 : vector<16xi32>
          %add3A_212 = vector.broadcast %add3A_25 : i32 to vector<16xi32>
          %add3A_213 = arith.addi %mul3A_211, %add3A_212 : vector<16xi32>
          %swap3A_214 = arith.index_cast %add3A_122 : i32 to index
          %swap3A_215 = arith.constant 96 : index
          %swap3A_216 = tpu.vector_load %arg12[%swap3A_214, %swap3A_215] {strides = array<i32>} : memref<14x128xi32, #tpu.memory_space<vmem>>, vector<1x16xi32>,
          %swap3A_217 = vector.shape_cast %swap3A_216 : vector<1x16xi32> to vector<16xi32>
          %swap3A_218 = vector.shape_cast %add3A_213 : vector<16xi32> to vector<1x16xi32>
          tpu.vector_store %arg12[%swap3A_214, %swap3A_215], %swap3A_218 {strides = array<i32>} : memref<14x128xi32, #tpu.memory_space<vmem>>, vector<1x16xi32>,
          %get3A_219 = arith.index_cast %add3A_122 : i32 to index
          %get3A_220 = arith.constant 112 : index
          %get3A_221 = tpu.vector_load %arg10[%get3A_219, %get3A_220] {strides = array<i32>} : memref<14x128xi32, #tpu.memory_space<vmem>>, vector<1x16xi32>,
          %get3A_222 = vector.shape_cast %get3A_221 : vector<1x16xi32> to vector<16xi32>
          %mul3A_223 = arith.constant 12 : i32
          %mul3A_224 = vector.broadcast %mul3A_223 : i32 to vector<16xi32>
          %mul3A_225 = arith.muli %get3A_222, %mul3A_224 : vector<16xi32>
          %add3A_226 = vector.broadcast %add3A_25 : i32 to vector<16xi32>
          %add3A_227 = arith.addi %mul3A_225, %add3A_226 : vector<16xi32>
          %swap3A_228 = arith.index_cast %add3A_122 : i32 to index
          %swap3A_229 = arith.constant 112 : index
          %swap3A_230 = tpu.vector_load %arg12[%swap3A_228, %swap3A_229] {strides = array<i32>} : memref<14x128xi32, #tpu.memory_space<vmem>>, vector<1x16xi32>,
          %swap3A_231 = vector.shape_cast %swap3A_230 : vector<1x16xi32> to vector<16xi32>
          %swap3A_232 = vector.shape_cast %add3A_227 : vector<16xi32> to vector<1x16xi32>
          tpu.vector_store %arg12[%swap3A_228, %swap3A_229], %swap3A_232 {strides = array<i32>} : memref<14x128xi32, #tpu.memory_space<vmem>>, vector<1x16xi32>,
        }
        %scan3A_82 = arith.constant 14 : i32
        %scan3A_83 = arith.constant 0 : i32
        %scan3A_84 = arith.constant 14 : i32
        %scan3A_85 = arith.addi %scan3A_83, %scan3A_84 : i32
        %scan3A_86 = arith.constant 1 : i32
        scf.for %scan3A_118 = %scan3A_83 to %scan3A_85 step %scan3A_86  : i32 {
          %mul3A_119 = arith.constant 1 : i32
          %mul3A_120 = arith.muli %scan3A_118, %mul3A_119 : i32
          %add3A_121 = arith.constant 0 : i32
          %add3A_122 = arith.addi %add3A_121, %mul3A_120 : i32
          %dma_start3A = arith.constant 0 : i32
          %dma_start3A_123 = arith.constant 0 : i32
          %dma_start3A_124 = tpu.memref_slice %arg13[%add3A_122, %dma_start3A, %dma_start3A_123] : memref<14x128x16xf32, #tpu.memory_space<vmem>> -> memref<1x128x16xf32, #tpu.memory_space<vmem>>
          %dma_start3A_125 = tpu.memref_squeeze %dma_start3A_124 : memref<1x128x16xf32, #tpu.memory_space<vmem>> -> memref<128x16xf32, #tpu.memory_space<vmem>>
          %dma_start3A_126 = arith.constant 0 : i32
          %dma_start3A_127 = tpu.memref_slice %arg12[%add3A_122, %dma_start3A_126] : memref<14x128xi32, #tpu.memory_space<vmem>> -> memref<1x128xi32, #tpu.memory_space<vmem>>
          %dma_start3A_128 = tpu.memref_squeeze %dma_start3A_127 : memref<1x128xi32, #tpu.memory_space<vmem>> -> memref<128xi32, #tpu.memory_space<vmem>>
          %dma_start3A_129 = arith.constant 0 : i32
          %dma_start3A_130 = arith.constant 0 : i32
          %dma_start3A_131 = tpu.memref_slice %arg4[%dma_start3A_129, %dma_start3A_130] : memref<600000x16xf32, #tpu.memory_space<hbm>> -> memref<600000x16xf32, #tpu.memory_space<hbm>>
          tpu.enqueue_indirect_dma source(%dma_start3A_131 : memref<600000x16xf32, #tpu.memory_space<hbm>>) target(%dma_start3A_125 : memref<128x16xf32, #tpu.memory_space<vmem>>) offsets(%dma_start3A_128 : memref<128xi32, #tpu.memory_space<vmem>>) semaphore(%arg18 : memref<!tpu.dma_semaphore, #tpu.memory_space<semaphore_mem>>)
        }
        %scan3A_87 = arith.constant 14 : i32
        %scan3A_88 = arith.constant 0 : i32
        %scan3A_89 = arith.constant 14 : i32
        %scan3A_90 = arith.addi %scan3A_88, %scan3A_89 : i32
        %scan3A_91 = arith.constant 1 : i32
        scf.for %scan3A_118 = %scan3A_88 to %scan3A_90 step %scan3A_91  : i32 {
          %mul3A_119 = arith.constant 1 : i32
          %mul3A_120 = arith.muli %scan3A_118, %mul3A_119 : i32
          %add3A_121 = arith.constant 0 : i32
          %add3A_122 = arith.addi %add3A_121, %mul3A_120 : i32
          %dma_wait3A = arith.constant 0 : i32
          %dma_wait3A_123 = arith.constant 0 : i32
          %dma_wait3A_124 = tpu.memref_slice %arg9[%add3A_122, %dma_wait3A, %dma_wait3A_123] : memref<14x128x16xf32, #tpu.memory_space<vmem>> -> memref<1x128x16xf32, #tpu.memory_space<vmem>>
          %dma_wait3A_125 = tpu.memref_squeeze %dma_wait3A_124 : memref<1x128x16xf32, #tpu.memory_space<vmem>> -> memref<128x16xf32, #tpu.memory_space<vmem>>
          %dma_wait3A_126 = arith.constant 0 : i32
          %dma_wait3A_127 = tpu.memref_slice %arg8[%add3A_122, %dma_wait3A_126] : memref<14x128xi32, #tpu.memory_space<vmem>> -> memref<1x128xi32, #tpu.memory_space<vmem>>
          %dma_wait3A_128 = tpu.memref_squeeze %dma_wait3A_127 : memref<1x128xi32, #tpu.memory_space<vmem>> -> memref<128xi32, #tpu.memory_space<vmem>>
          %dma_wait3A_129 = arith.constant 0 : i32
          %dma_wait3A_130 = arith.constant 0 : i32
          %dma_wait3A_131 = tpu.memref_slice %arg4[%dma_wait3A_129, %dma_wait3A_130] : memref<600000x16xf32, #tpu.memory_space<hbm>> -> memref<600000x16xf32, #tpu.memory_space<hbm>>
          tpu.wait_indirect_dma semaphore(%arg17 : memref<!tpu.dma_semaphore, #tpu.memory_space<semaphore_mem>>) src(%dma_wait3A_131 : memref<600000x16xf32, #tpu.memory_space<hbm>>) dst(%dma_wait3A_125 : memref<128x16xf32, #tpu.memory_space<vmem>>)
        }
        %scan3A_92 = arith.constant 14 : i32
        %scan3A_93 = arith.constant 0 : i32
        %scan3A_94 = arith.constant 14 : i32
        %scan3A_95 = arith.addi %scan3A_93, %scan3A_94 : i32
        %scan3A_96 = arith.constant 1 : i32
        scf.for %scan3A_118 = %scan3A_93 to %scan3A_95 step %scan3A_96  : i32 {
          %mul3A_119 = arith.constant 1 : i32
          %mul3A_120 = arith.muli %scan3A_118, %mul3A_119 : i32
          %add3A_121 = arith.constant 0 : i32
          %add3A_122 = arith.addi %add3A_121, %mul3A_120 : i32
          %dma_start3A = arith.constant 0 : i32
          %dma_start3A_123 = arith.constant 0 : i32
          %dma_start3A_124 = tpu.memref_slice %arg9[%add3A_122, %dma_start3A, %dma_start3A_123] : memref<14x128x16xf32, #tpu.memory_space<vmem>> -> memref<1x128x16xf32, #tpu.memory_space<vmem>>
          %dma_start3A_125 = tpu.memref_squeeze %dma_start3A_124 : memref<1x128x16xf32, #tpu.memory_space<vmem>> -> memref<128x16xf32, #tpu.memory_space<vmem>>
          %dma_start3A_126 = arith.constant 0 : i32
          %dma_start3A_127 = tpu.memref_slice %arg7[%add3A_122, %dma_start3A_126] : memref<14x128xi32, #tpu.memory_space<vmem>> -> memref<1x128xi32, #tpu.memory_space<vmem>>
          %dma_start3A_128 = tpu.memref_squeeze %dma_start3A_127 : memref<1x128xi32, #tpu.memory_space<vmem>> -> memref<128xi32, #tpu.memory_space<vmem>>
          %dma_start3A_129 = arith.constant 0 : i32
          %dma_start3A_130 = arith.constant 0 : i32
          %dma_start3A_131 = tpu.memref_slice %arg16[%dma_start3A_129, %dma_start3A_130] : memref<51200x16xf32, #tpu.memory_space<vmem_shared>> -> memref<51200x16xf32, #tpu.memory_space<vmem_shared>>
          tpu.enqueue_indirect_dma source(%dma_start3A_125 : memref<128x16xf32, #tpu.memory_space<vmem>>) target(%dma_start3A_131 : memref<51200x16xf32, #tpu.memory_space<vmem_shared>>) offsets(%dma_start3A_128 : memref<128xi32, #tpu.memory_space<vmem>>) semaphore(%arg19 : memref<!tpu.dma_semaphore, #tpu.memory_space<semaphore_mem>>) {add = true}
        }
        %scan3A_97 = arith.constant 14 : i32
        %scan3A_98 = arith.constant 0 : i32
        %scan3A_99 = arith.constant 14 : i32
        %scan3A_100 = arith.addi %scan3A_98, %scan3A_99 : i32
        %scan3A_101 = arith.constant 1 : i32
        scf.for %scan3A_118 = %scan3A_98 to %scan3A_100 step %scan3A_101  : i32 {
          %mul3A_119 = arith.constant 1 : i32
          %mul3A_120 = arith.muli %scan3A_118, %mul3A_119 : i32
          %add3A_121 = arith.constant 0 : i32
          %add3A_122 = arith.addi %add3A_121, %mul3A_120 : i32
          %dma_wait3A = arith.constant 0 : i32
          %dma_wait3A_123 = arith.constant 0 : i32
          %dma_wait3A_124 = tpu.memref_slice %arg13[%add3A_122, %dma_wait3A, %dma_wait3A_123] : memref<14x128x16xf32, #tpu.memory_space<vmem>> -> memref<1x128x16xf32, #tpu.memory_space<vmem>>
          %dma_wait3A_125 = tpu.memref_squeeze %dma_wait3A_124 : memref<1x128x16xf32, #tpu.memory_space<vmem>> -> memref<128x16xf32, #tpu.memory_space<vmem>>
          %dma_wait3A_126 = arith.constant 0 : i32
          %dma_wait3A_127 = tpu.memref_slice %arg12[%add3A_122, %dma_wait3A_126] : memref<14x128xi32, #tpu.memory_space<vmem>> -> memref<1x128xi32, #tpu.memory_space<vmem>>
          %dma_wait3A_128 = tpu.memref_squeeze %dma_wait3A_127 : memref<1x128xi32, #tpu.memory_space<vmem>> -> memref<128xi32, #tpu.memory_space<vmem>>
          %dma_wait3A_129 = arith.constant 0 : i32
          %dma_wait3A_130 = arith.constant 0 : i32
          %dma_wait3A_131 = tpu.memref_slice %arg4[%dma_wait3A_129, %dma_wait3A_130] : memref<600000x16xf32, #tpu.memory_space<hbm>> -> memref<600000x16xf32, #tpu.memory_space<hbm>>
          tpu.wait_indirect_dma semaphore(%arg18 : memref<!tpu.dma_semaphore, #tpu.memory_space<semaphore_mem>>) src(%dma_wait3A_131 : memref<600000x16xf32, #tpu.memory_space<hbm>>) dst(%dma_wait3A_125 : memref<128x16xf32, #tpu.memory_space<vmem>>)
        }
        %scan3A_102 = arith.constant 14 : i32
        %scan3A_103 = arith.constant 0 : i32
        %scan3A_104 = arith.constant 14 : i32
        %scan3A_105 = arith.addi %scan3A_103, %scan3A_104 : i32
        %scan3A_106 = arith.constant 1 : i32
        scf.for %scan3A_118 = %scan3A_103 to %scan3A_105 step %scan3A_106  : i32 {
          %mul3A_119 = arith.constant 1 : i32
          %mul3A_120 = arith.muli %scan3A_118, %mul3A_119 : i32
          %add3A_121 = arith.constant 0 : i32
          %add3A_122 = arith.addi %add3A_121, %mul3A_120 : i32
          %dma_start3A = arith.constant 0 : i32
          %dma_start3A_123 = arith.constant 0 : i32
          %dma_start3A_124 = tpu.memref_slice %arg13[%add3A_122, %dma_start3A, %dma_start3A_123] : memref<14x128x16xf32, #tpu.memory_space<vmem>> -> memref<1x128x16xf32, #tpu.memory_space<vmem>>
          %dma_start3A_125 = tpu.memref_squeeze %dma_start3A_124 : memref<1x128x16xf32, #tpu.memory_space<vmem>> -> memref<128x16xf32, #tpu.memory_space<vmem>>
          %dma_start3A_126 = arith.constant 0 : i32
          %dma_start3A_127 = tpu.memref_slice %arg11[%add3A_122, %dma_start3A_126] : memref<14x128xi32, #tpu.memory_space<vmem>> -> memref<1x128xi32, #tpu.memory_space<vmem>>
          %dma_start3A_128 = tpu.memref_squeeze %dma_start3A_127 : memref<1x128xi32, #tpu.memory_space<vmem>> -> memref<128xi32, #tpu.memory_space<vmem>>
          %dma_start3A_129 = arith.constant 0 : i32
          %dma_start3A_130 = arith.constant 0 : i32
          %dma_start3A_131 = tpu.memref_slice %arg16[%dma_start3A_129, %dma_start3A_130] : memref<51200x16xf32, #tpu.memory_space<vmem_shared>> -> memref<51200x16xf32, #tpu.memory_space<vmem_shared>>
          tpu.enqueue_indirect_dma source(%dma_start3A_125 : memref<128x16xf32, #tpu.memory_space<vmem>>) target(%dma_start3A_131 : memref<51200x16xf32, #tpu.memory_space<vmem_shared>>) offsets(%dma_start3A_128 : memref<128xi32, #tpu.memory_space<vmem>>) semaphore(%arg19 : memref<!tpu.dma_semaphore, #tpu.memory_space<semaphore_mem>>) {add = true}
        }
        %scan3A_107 = arith.constant 14 : i32
        %scan3A_108 = arith.constant 0 : i32
        %scan3A_109 = arith.constant 14 : i32
        %scan3A_110 = arith.addi %scan3A_108, %scan3A_109 : i32
        %scan3A_111 = arith.constant 1 : i32
        scf.for %scan3A_118 = %scan3A_108 to %scan3A_110 step %scan3A_111  : i32 {
          %mul3A_119 = arith.constant 1 : i32
          %mul3A_120 = arith.muli %scan3A_118, %mul3A_119 : i32
          %add3A_121 = arith.constant 0 : i32
          %add3A_122 = arith.addi %add3A_121, %mul3A_120 : i32
          %dma_wait3A = arith.constant 0 : i32
          %dma_wait3A_123 = arith.constant 0 : i32
          %dma_wait3A_124 = tpu.memref_slice %arg9[%add3A_122, %dma_wait3A, %dma_wait3A_123] : memref<14x128x16xf32, #tpu.memory_space<vmem>> -> memref<1x128x16xf32, #tpu.memory_space<vmem>>
          %dma_wait3A_125 = tpu.memref_squeeze %dma_wait3A_124 : memref<1x128x16xf32, #tpu.memory_space<vmem>> -> memref<128x16xf32, #tpu.memory_space<vmem>>
          %dma_wait3A_126 = arith.constant 0 : i32
          %dma_wait3A_127 = tpu.memref_slice %arg7[%add3A_122, %dma_wait3A_126] : memref<14x128xi32, #tpu.memory_space<vmem>> -> memref<1x128xi32, #tpu.memory_space<vmem>>
          %dma_wait3A_128 = tpu.memref_squeeze %dma_wait3A_127 : memref<1x128xi32, #tpu.memory_space<vmem>> -> memref<128xi32, #tpu.memory_space<vmem>>
          %dma_wait3A_129 = arith.constant 0 : i32
          %dma_wait3A_130 = arith.constant 0 : i32
          %dma_wait3A_131 = tpu.memref_slice %arg16[%dma_wait3A_129, %dma_wait3A_130] : memref<51200x16xf32, #tpu.memory_space<vmem_shared>> -> memref<51200x16xf32, #tpu.memory_space<vmem_shared>>
          tpu.wait_indirect_dma semaphore(%arg19 : memref<!tpu.dma_semaphore, #tpu.memory_space<semaphore_mem>>) src(%dma_wait3A_125 : memref<128x16xf32, #tpu.memory_space<vmem>>) dst(%dma_wait3A_131 : memref<51200x16xf32, #tpu.memory_space<vmem_shared>>)
        }
        %scan3A_112 = arith.constant 14 : i32
        %scan3A_113 = arith.constant 0 : i32
        %scan3A_114 = arith.constant 14 : i32
        %scan3A_115 = arith.addi %scan3A_113, %scan3A_114 : i32
        %scan3A_116 = arith.constant 1 : i32
        scf.for %scan3A_118 = %scan3A_113 to %scan3A_115 step %scan3A_116  : i32 {
          %mul3A_119 = arith.constant 1 : i32
          %mul3A_120 = arith.muli %scan3A_118, %mul3A_119 : i32
          %add3A_121 = arith.constant 0 : i32
          %add3A_122 = arith.addi %add3A_121, %mul3A_120 : i32
          %dma_wait3A = arith.constant 0 : i32
          %dma_wait3A_123 = arith.constant 0 : i32
          %dma_wait3A_124 = tpu.memref_slice %arg13[%add3A_122, %dma_wait3A, %dma_wait3A_123] : memref<14x128x16xf32, #tpu.memory_space<vmem>> -> memref<1x128x16xf32, #tpu.memory_space<vmem>>
          %dma_wait3A_125 = tpu.memref_squeeze %dma_wait3A_124 : memref<1x128x16xf32, #tpu.memory_space<vmem>> -> memref<128x16xf32, #tpu.memory_space<vmem>>
          %dma_wait3A_126 = arith.constant 0 : i32
          %dma_wait3A_127 = tpu.memref_slice %arg11[%add3A_122, %dma_wait3A_126] : memref<14x128xi32, #tpu.memory_space<vmem>> -> memref<1x128xi32, #tpu.memory_space<vmem>>
          %dma_wait3A_128 = tpu.memref_squeeze %dma_wait3A_127 : memref<1x128xi32, #tpu.memory_space<vmem>> -> memref<128xi32, #tpu.memory_space<vmem>>
          %dma_wait3A_129 = arith.constant 0 : i32
          %dma_wait3A_130 = arith.constant 0 : i32
          %dma_wait3A_131 = tpu.memref_slice %arg16[%dma_wait3A_129, %dma_wait3A_130] : memref<51200x16xf32, #tpu.memory_space<vmem_shared>> -> memref<51200x16xf32, #tpu.memory_space<vmem_shared>>
          tpu.wait_indirect_dma semaphore(%arg19 : memref<!tpu.dma_semaphore, #tpu.memory_space<semaphore_mem>>) src(%dma_wait3A_125 : memref<128x16xf32, #tpu.memory_space<vmem>>) dst(%dma_wait3A_131 : memref<51200x16xf32, #tpu.memory_space<vmem_shared>>)
        }
        %scan3A_117 = arith.constant 14 : i32
      }
      %while3A_46 = arith.constant 1 : i32
      scf.for %while3A_53 = %while3A_44 to %while3A_40 step %while3A_46  : i32 {
        %mul3A_54 = arith.muli %while3A_53, %while3A : i32
        %add3A_55 = arith.addi %while3A_37, %mul3A_54 : i32
        %mul3A_56 = arith.constant 2 : i32
        %mul3A_57 = arith.muli %mul3A_56, %add3A_55 : i32
        %mul3A_58 = arith.constant 14 : i32
        %mul3A_59 = arith.muli %mul3A_57, %mul3A_58 : i32
        %add3A_60 = arith.addi %select_n3A, %mul3A_59 : i32
        "tpu.region"() ({
          %run_scoped3A = tpu.sem_alloc : memref<!tpu.dma_semaphore, #tpu.memory_space<semaphore_mem>>
          %dma_start3A = arith.constant 0 : i32
          %dma_start3A_118 = tpu.memref_slice %arg2[%add3A_60, %dma_start3A] : memref<12544x128xi32, #tpu.memory_space<hbm>> -> memref<14x128xi32, #tpu.memory_space<hbm>>
          %dma_start3A_119 = arith.constant 0 : i32
          %dma_start3A_120 = tpu.memref_slice %arg2[%add3A_60, %dma_start3A_119] : memref<12544x128xi32, #tpu.memory_space<hbm>> -> memref<14x128xi32, #tpu.memory_space<hbm>>
          tpu.enqueue_dma source(%dma_start3A_120 : memref<14x128xi32, #tpu.memory_space<hbm>>) target(%arg6 : memref<14x128xi32, #tpu.memory_space<vmem>>) target_semaphore(%run_scoped3A : memref<!tpu.dma_semaphore, #tpu.memory_space<semaphore_mem>>)
          %dma_wait3A = arith.constant 0 : i32
          %dma_wait3A_121 = tpu.memref_slice %arg2[%add3A_60, %dma_wait3A] : memref<12544x128xi32, #tpu.memory_space<hbm>> -> memref<14x128xi32, #tpu.memory_space<hbm>>
          %dma_wait3A_122 = arith.constant 0 : i32
          %dma_wait3A_123 = tpu.memref_slice %arg2[%add3A_60, %dma_wait3A_122] : memref<12544x128xi32, #tpu.memory_space<hbm>> -> memref<14x128xi32, #tpu.memory_space<hbm>>
          tpu.wait_dma2 semaphore(%run_scoped3A : memref<!tpu.dma_semaphore, #tpu.memory_space<semaphore_mem>>) src(%dma_wait3A_123 : memref<14x128xi32, #tpu.memory_space<hbm>>) dst(%arg6 : memref<14x128xi32, #tpu.memory_space<vmem>>)
          tpu.yield
        }) : () -> ()
        "tpu.region"() ({
          %run_scoped3A = tpu.sem_alloc : memref<!tpu.dma_semaphore, #tpu.memory_space<semaphore_mem>>
          %dma_start3A = arith.constant 0 : i32
          %dma_start3A_118 = tpu.memref_slice %arg3[%add3A_60, %dma_start3A] : memref<12544x128xi32, #tpu.memory_space<hbm>> -> memref<14x128xi32, #tpu.memory_space<hbm>>
          %dma_start3A_119 = arith.constant 0 : i32
          %dma_start3A_120 = tpu.memref_slice %arg3[%add3A_60, %dma_start3A_119] : memref<12544x128xi32, #tpu.memory_space<hbm>> -> memref<14x128xi32, #tpu.memory_space<hbm>>
          tpu.enqueue_dma source(%dma_start3A_120 : memref<14x128xi32, #tpu.memory_space<hbm>>) target(%arg7 : memref<14x128xi32, #tpu.memory_space<vmem>>) target_semaphore(%run_scoped3A : memref<!tpu.dma_semaphore, #tpu.memory_space<semaphore_mem>>)
          %dma_wait3A = arith.constant 0 : i32
          %dma_wait3A_121 = tpu.memref_slice %arg3[%add3A_60, %dma_wait3A] : memref<12544x128xi32, #tpu.memory_space<hbm>> -> memref<14x128xi32, #tpu.memory_space<hbm>>
          %dma_wait3A_122 = arith.constant 0 : i32
          %dma_wait3A_123 = tpu.memref_slice %arg3[%add3A_60, %dma_wait3A_122] : memref<12544x128xi32, #tpu.memory_space<hbm>> -> memref<14x128xi32, #tpu.memory_space<hbm>>
          tpu.wait_dma2 semaphore(%run_scoped3A : memref<!tpu.dma_semaphore, #tpu.memory_space<semaphore_mem>>) src(%dma_wait3A_123 : memref<14x128xi32, #tpu.memory_space<hbm>>) dst(%arg7 : memref<14x128xi32, #tpu.memory_space<vmem>>)
          tpu.yield
        }) : () -> ()
        %scan3A_61 = arith.constant 0 : i32
        %scan3A_62 = arith.constant 14 : i32
        %scan3A_63 = arith.addi %scan3A_61, %scan3A_62 : i32
        %scan3A_64 = arith.constant 1 : i32
        scf.for %scan3A_118 = %scan3A_61 to %scan3A_63 step %scan3A_64  : i32 {
          %mul3A_119 = arith.constant 1 : i32
          %mul3A_120 = arith.muli %scan3A_118, %mul3A_119 : i32
          %add3A_121 = arith.constant 0 : i32
          %add3A_122 = arith.addi %add3A_121, %mul3A_120 : i32
          %get3A = arith.index_cast %add3A_122 : i32 to index
          %get3A_123 = arith.constant 0 : index
          %get3A_124 = tpu.vector_load %arg6[%get3A, %get3A_123] {strides = array<i32>} : memref<14x128xi32, #tpu.memory_space<vmem>>, vector<1x16xi32>,
          %get3A_125 = vector.shape_cast %get3A_124 : vector<1x16xi32> to vector<16xi32>
          %mul3A_126 = arith.constant 12 : i32
          %mul3A_127 = vector.broadcast %mul3A_126 : i32 to vector<16xi32>
          %mul3A_128 = arith.muli %get3A_125, %mul3A_127 : vector<16xi32>
          %add3A_129 = vector.broadcast %add3A_25 : i32 to vector<16xi32>
          %add3A_130 = arith.addi %mul3A_128, %add3A_129 : vector<16xi32>
          %swap3A = arith.index_cast %add3A_122 : i32 to index
          %swap3A_131 = arith.constant 0 : index
          %swap3A_132 = tpu.vector_load %arg8[%swap3A, %swap3A_131] {strides = array<i32>} : memref<14x128xi32, #tpu.memory_space<vmem>>, vector<1x16xi32>,
          %swap3A_133 = vector.shape_cast %swap3A_132 : vector<1x16xi32> to vector<16xi32>
          %swap3A_134 = vector.shape_cast %add3A_130 : vector<16xi32> to vector<1x16xi32>
          tpu.vector_store %arg8[%swap3A, %swap3A_131], %swap3A_134 {strides = array<i32>} : memref<14x128xi32, #tpu.memory_space<vmem>>, vector<1x16xi32>,
          %get3A_135 = arith.index_cast %add3A_122 : i32 to index
          %get3A_136 = arith.constant 16 : index
          %get3A_137 = tpu.vector_load %arg6[%get3A_135, %get3A_136] {strides = array<i32>} : memref<14x128xi32, #tpu.memory_space<vmem>>, vector<1x16xi32>,
          %get3A_138 = vector.shape_cast %get3A_137 : vector<1x16xi32> to vector<16xi32>
          %mul3A_139 = arith.constant 12 : i32
          %mul3A_140 = vector.broadcast %mul3A_139 : i32 to vector<16xi32>
          %mul3A_141 = arith.muli %get3A_138, %mul3A_140 : vector<16xi32>
          %add3A_142 = vector.broadcast %add3A_25 : i32 to vector<16xi32>
          %add3A_143 = arith.addi %mul3A_141, %add3A_142 : vector<16xi32>
          %swap3A_144 = arith.index_cast %add3A_122 : i32 to index
          %swap3A_145 = arith.constant 16 : index
          %swap3A_146 = tpu.vector_load %arg8[%swap3A_144, %swap3A_145] {strides = array<i32>} : memref<14x128xi32, #tpu.memory_space<vmem>>, vector<1x16xi32>,
          %swap3A_147 = vector.shape_cast %swap3A_146 : vector<1x16xi32> to vector<16xi32>
          %swap3A_148 = vector.shape_cast %add3A_143 : vector<16xi32> to vector<1x16xi32>
          tpu.vector_store %arg8[%swap3A_144, %swap3A_145], %swap3A_148 {strides = array<i32>} : memref<14x128xi32, #tpu.memory_space<vmem>>, vector<1x16xi32>,
          %get3A_149 = arith.index_cast %add3A_122 : i32 to index
          %get3A_150 = arith.constant 32 : index
          %get3A_151 = tpu.vector_load %arg6[%get3A_149, %get3A_150] {strides = array<i32>} : memref<14x128xi32, #tpu.memory_space<vmem>>, vector<1x16xi32>,
          %get3A_152 = vector.shape_cast %get3A_151 : vector<1x16xi32> to vector<16xi32>
          %mul3A_153 = arith.constant 12 : i32
          %mul3A_154 = vector.broadcast %mul3A_153 : i32 to vector<16xi32>
          %mul3A_155 = arith.muli %get3A_152, %mul3A_154 : vector<16xi32>
          %add3A_156 = vector.broadcast %add3A_25 : i32 to vector<16xi32>
          %add3A_157 = arith.addi %mul3A_155, %add3A_156 : vector<16xi32>
          %swap3A_158 = arith.index_cast %add3A_122 : i32 to index
          %swap3A_159 = arith.constant 32 : index
          %swap3A_160 = tpu.vector_load %arg8[%swap3A_158, %swap3A_159] {strides = array<i32>} : memref<14x128xi32, #tpu.memory_space<vmem>>, vector<1x16xi32>,
          %swap3A_161 = vector.shape_cast %swap3A_160 : vector<1x16xi32> to vector<16xi32>
          %swap3A_162 = vector.shape_cast %add3A_157 : vector<16xi32> to vector<1x16xi32>
          tpu.vector_store %arg8[%swap3A_158, %swap3A_159], %swap3A_162 {strides = array<i32>} : memref<14x128xi32, #tpu.memory_space<vmem>>, vector<1x16xi32>,
          %get3A_163 = arith.index_cast %add3A_122 : i32 to index
          %get3A_164 = arith.constant 48 : index
          %get3A_165 = tpu.vector_load %arg6[%get3A_163, %get3A_164] {strides = array<i32>} : memref<14x128xi32, #tpu.memory_space<vmem>>, vector<1x16xi32>,
          %get3A_166 = vector.shape_cast %get3A_165 : vector<1x16xi32> to vector<16xi32>
          %mul3A_167 = arith.constant 12 : i32
          %mul3A_168 = vector.broadcast %mul3A_167 : i32 to vector<16xi32>
          %mul3A_169 = arith.muli %get3A_166, %mul3A_168 : vector<16xi32>
          %add3A_170 = vector.broadcast %add3A_25 : i32 to vector<16xi32>
          %add3A_171 = arith.addi %mul3A_169, %add3A_170 : vector<16xi32>
          %swap3A_172 = arith.index_cast %add3A_122 : i32 to index
          %swap3A_173 = arith.constant 48 : index
          %swap3A_174 = tpu.vector_load %arg8[%swap3A_172, %swap3A_173] {strides = array<i32>} : memref<14x128xi32, #tpu.memory_space<vmem>>, vector<1x16xi32>,
          %swap3A_175 = vector.shape_cast %swap3A_174 : vector<1x16xi32> to vector<16xi32>
          %swap3A_176 = vector.shape_cast %add3A_171 : vector<16xi32> to vector<1x16xi32>
          tpu.vector_store %arg8[%swap3A_172, %swap3A_173], %swap3A_176 {strides = array<i32>} : memref<14x128xi32, #tpu.memory_space<vmem>>, vector<1x16xi32>,
          %get3A_177 = arith.index_cast %add3A_122 : i32 to index
          %get3A_178 = arith.constant 64 : index
          %get3A_179 = tpu.vector_load %arg6[%get3A_177, %get3A_178] {strides = array<i32>} : memref<14x128xi32, #tpu.memory_space<vmem>>, vector<1x16xi32>,
          %get3A_180 = vector.shape_cast %get3A_179 : vector<1x16xi32> to vector<16xi32>
          %mul3A_181 = arith.constant 12 : i32
          %mul3A_182 = vector.broadcast %mul3A_181 : i32 to vector<16xi32>
          %mul3A_183 = arith.muli %get3A_180, %mul3A_182 : vector<16xi32>
          %add3A_184 = vector.broadcast %add3A_25 : i32 to vector<16xi32>
          %add3A_185 = arith.addi %mul3A_183, %add3A_184 : vector<16xi32>
          %swap3A_186 = arith.index_cast %add3A_122 : i32 to index
          %swap3A_187 = arith.constant 64 : index
          %swap3A_188 = tpu.vector_load %arg8[%swap3A_186, %swap3A_187] {strides = array<i32>} : memref<14x128xi32, #tpu.memory_space<vmem>>, vector<1x16xi32>,
          %swap3A_189 = vector.shape_cast %swap3A_188 : vector<1x16xi32> to vector<16xi32>
          %swap3A_190 = vector.shape_cast %add3A_185 : vector<16xi32> to vector<1x16xi32>
          tpu.vector_store %arg8[%swap3A_186, %swap3A_187], %swap3A_190 {strides = array<i32>} : memref<14x128xi32, #tpu.memory_space<vmem>>, vector<1x16xi32>,
          %get3A_191 = arith.index_cast %add3A_122 : i32 to index
          %get3A_192 = arith.constant 80 : index
          %get3A_193 = tpu.vector_load %arg6[%get3A_191, %get3A_192] {strides = array<i32>} : memref<14x128xi32, #tpu.memory_space<vmem>>, vector<1x16xi32>,
          %get3A_194 = vector.shape_cast %get3A_193 : vector<1x16xi32> to vector<16xi32>
          %mul3A_195 = arith.constant 12 : i32
          %mul3A_196 = vector.broadcast %mul3A_195 : i32 to vector<16xi32>
          %mul3A_197 = arith.muli %get3A_194, %mul3A_196 : vector<16xi32>
          %add3A_198 = vector.broadcast %add3A_25 : i32 to vector<16xi32>
          %add3A_199 = arith.addi %mul3A_197, %add3A_198 : vector<16xi32>
          %swap3A_200 = arith.index_cast %add3A_122 : i32 to index
          %swap3A_201 = arith.constant 80 : index
          %swap3A_202 = tpu.vector_load %arg8[%swap3A_200, %swap3A_201] {strides = array<i32>} : memref<14x128xi32, #tpu.memory_space<vmem>>, vector<1x16xi32>,
          %swap3A_203 = vector.shape_cast %swap3A_202 : vector<1x16xi32> to vector<16xi32>
          %swap3A_204 = vector.shape_cast %add3A_199 : vector<16xi32> to vector<1x16xi32>
          tpu.vector_store %arg8[%swap3A_200, %swap3A_201], %swap3A_204 {strides = array<i32>} : memref<14x128xi32, #tpu.memory_space<vmem>>, vector<1x16xi32>,
          %get3A_205 = arith.index_cast %add3A_122 : i32 to index
          %get3A_206 = arith.constant 96 : index
          %get3A_207 = tpu.vector_load %arg6[%get3A_205, %get3A_206] {strides = array<i32>} : memref<14x128xi32, #tpu.memory_space<vmem>>, vector<1x16xi32>,
          %get3A_208 = vector.shape_cast %get3A_207 : vector<1x16xi32> to vector<16xi32>
          %mul3A_209 = arith.constant 12 : i32
          %mul3A_210 = vector.broadcast %mul3A_209 : i32 to vector<16xi32>
          %mul3A_211 = arith.muli %get3A_208, %mul3A_210 : vector<16xi32>
          %add3A_212 = vector.broadcast %add3A_25 : i32 to vector<16xi32>
          %add3A_213 = arith.addi %mul3A_211, %add3A_212 : vector<16xi32>
          %swap3A_214 = arith.index_cast %add3A_122 : i32 to index
          %swap3A_215 = arith.constant 96 : index
          %swap3A_216 = tpu.vector_load %arg8[%swap3A_214, %swap3A_215] {strides = array<i32>} : memref<14x128xi32, #tpu.memory_space<vmem>>, vector<1x16xi32>,
          %swap3A_217 = vector.shape_cast %swap3A_216 : vector<1x16xi32> to vector<16xi32>
          %swap3A_218 = vector.shape_cast %add3A_213 : vector<16xi32> to vector<1x16xi32>
          tpu.vector_store %arg8[%swap3A_214, %swap3A_215], %swap3A_218 {strides = array<i32>} : memref<14x128xi32, #tpu.memory_space<vmem>>, vector<1x16xi32>,
          %get3A_219 = arith.index_cast %add3A_122 : i32 to index
          %get3A_220 = arith.constant 112 : index
          %get3A_221 = tpu.vector_load %arg6[%get3A_219, %get3A_220] {strides = array<i32>} : memref<14x128xi32, #tpu.memory_space<vmem>>, vector<1x16xi32>,
          %get3A_222 = vector.shape_cast %get3A_221 : vector<1x16xi32> to vector<16xi32>
          %mul3A_223 = arith.constant 12 : i32
          %mul3A_224 = vector.broadcast %mul3A_223 : i32 to vector<16xi32>
          %mul3A_225 = arith.muli %get3A_222, %mul3A_224 : vector<16xi32>
          %add3A_226 = vector.broadcast %add3A_25 : i32 to vector<16xi32>
          %add3A_227 = arith.addi %mul3A_225, %add3A_226 : vector<16xi32>
          %swap3A_228 = arith.index_cast %add3A_122 : i32 to index
          %swap3A_229 = arith.constant 112 : index
          %swap3A_230 = tpu.vector_load %arg8[%swap3A_228, %swap3A_229] {strides = array<i32>} : memref<14x128xi32, #tpu.memory_space<vmem>>, vector<1x16xi32>,
          %swap3A_231 = vector.shape_cast %swap3A_230 : vector<1x16xi32> to vector<16xi32>
          %swap3A_232 = vector.shape_cast %add3A_227 : vector<16xi32> to vector<1x16xi32>
          tpu.vector_store %arg8[%swap3A_228, %swap3A_229], %swap3A_232 {strides = array<i32>} : memref<14x128xi32, #tpu.memory_space<vmem>>, vector<1x16xi32>,
        }
        %scan3A_65 = arith.constant 14 : i32
        %scan3A_66 = arith.constant 0 : i32
        %scan3A_67 = arith.constant 14 : i32
        %scan3A_68 = arith.addi %scan3A_66, %scan3A_67 : i32
        %scan3A_69 = arith.constant 1 : i32
        scf.for %scan3A_118 = %scan3A_66 to %scan3A_68 step %scan3A_69  : i32 {
          %mul3A_119 = arith.constant 1 : i32
          %mul3A_120 = arith.muli %scan3A_118, %mul3A_119 : i32
          %add3A_121 = arith.constant 0 : i32
          %add3A_122 = arith.addi %add3A_121, %mul3A_120 : i32
          %dma_start3A = arith.constant 0 : i32
          %dma_start3A_123 = arith.constant 0 : i32
          %dma_start3A_124 = tpu.memref_slice %arg9[%add3A_122, %dma_start3A, %dma_start3A_123] : memref<14x128x16xf32, #tpu.memory_space<vmem>> -> memref<1x128x16xf32, #tpu.memory_space<vmem>>
          %dma_start3A_125 = tpu.memref_squeeze %dma_start3A_124 : memref<1x128x16xf32, #tpu.memory_space<vmem>> -> memref<128x16xf32, #tpu.memory_space<vmem>>
          %dma_start3A_126 = arith.constant 0 : i32
          %dma_start3A_127 = tpu.memref_slice %arg8[%add3A_122, %dma_start3A_126] : memref<14x128xi32, #tpu.memory_space<vmem>> -> memref<1x128xi32, #tpu.memory_space<vmem>>
          %dma_start3A_128 = tpu.memref_squeeze %dma_start3A_127 : memref<1x128xi32, #tpu.memory_space<vmem>> -> memref<128xi32, #tpu.memory_space<vmem>>
          %dma_start3A_129 = arith.constant 0 : i32
          %dma_start3A_130 = arith.constant 0 : i32
          %dma_start3A_131 = tpu.memref_slice %arg4[%dma_start3A_129, %dma_start3A_130] : memref<600000x16xf32, #tpu.memory_space<hbm>> -> memref<600000x16xf32, #tpu.memory_space<hbm>>
          tpu.enqueue_indirect_dma source(%dma_start3A_131 : memref<600000x16xf32, #tpu.memory_space<hbm>>) target(%dma_start3A_125 : memref<128x16xf32, #tpu.memory_space<vmem>>) offsets(%dma_start3A_128 : memref<128xi32, #tpu.memory_space<vmem>>) semaphore(%arg17 : memref<!tpu.dma_semaphore, #tpu.memory_space<semaphore_mem>>)
        }
        %scan3A_70 = arith.constant 14 : i32
        %mul3A_71 = arith.constant 2 : i32
        %mul3A_72 = arith.muli %mul3A_71, %add3A_55 : i32
        %add3A_73 = arith.constant 1 : i32
        %add3A_74 = arith.addi %mul3A_72, %add3A_73 : i32
        %mul3A_75 = arith.constant 14 : i32
        %mul3A_76 = arith.muli %add3A_74, %mul3A_75 : i32
        %add3A_77 = arith.addi %select_n3A, %mul3A_76 : i32
        "tpu.region"() ({
          %run_scoped3A = tpu.sem_alloc : memref<!tpu.dma_semaphore, #tpu.memory_space<semaphore_mem>>
          %dma_start3A = arith.constant 0 : i32
          %dma_start3A_118 = tpu.memref_slice %arg2[%add3A_77, %dma_start3A] : memref<12544x128xi32, #tpu.memory_space<hbm>> -> memref<14x128xi32, #tpu.memory_space<hbm>>
          %dma_start3A_119 = arith.constant 0 : i32
          %dma_start3A_120 = tpu.memref_slice %arg2[%add3A_77, %dma_start3A_119] : memref<12544x128xi32, #tpu.memory_space<hbm>> -> memref<14x128xi32, #tpu.memory_space<hbm>>
          tpu.enqueue_dma source(%dma_start3A_120 : memref<14x128xi32, #tpu.memory_space<hbm>>) target(%arg10 : memref<14x128xi32, #tpu.memory_space<vmem>>) target_semaphore(%run_scoped3A : memref<!tpu.dma_semaphore, #tpu.memory_space<semaphore_mem>>)
          %dma_wait3A = arith.constant 0 : i32
          %dma_wait3A_121 = tpu.memref_slice %arg2[%add3A_77, %dma_wait3A] : memref<12544x128xi32, #tpu.memory_space<hbm>> -> memref<14x128xi32, #tpu.memory_space<hbm>>
          %dma_wait3A_122 = arith.constant 0 : i32
          %dma_wait3A_123 = tpu.memref_slice %arg2[%add3A_77, %dma_wait3A_122] : memref<12544x128xi32, #tpu.memory_space<hbm>> -> memref<14x128xi32, #tpu.memory_space<hbm>>
          tpu.wait_dma2 semaphore(%run_scoped3A : memref<!tpu.dma_semaphore, #tpu.memory_space<semaphore_mem>>) src(%dma_wait3A_123 : memref<14x128xi32, #tpu.memory_space<hbm>>) dst(%arg10 : memref<14x128xi32, #tpu.memory_space<vmem>>)
          tpu.yield
        }) : () -> ()
        "tpu.region"() ({
          %run_scoped3A = tpu.sem_alloc : memref<!tpu.dma_semaphore, #tpu.memory_space<semaphore_mem>>
          %dma_start3A = arith.constant 0 : i32
          %dma_start3A_118 = tpu.memref_slice %arg3[%add3A_77, %dma_start3A] : memref<12544x128xi32, #tpu.memory_space<hbm>> -> memref<14x128xi32, #tpu.memory_space<hbm>>
          %dma_start3A_119 = arith.constant 0 : i32
          %dma_start3A_120 = tpu.memref_slice %arg3[%add3A_77, %dma_start3A_119] : memref<12544x128xi32, #tpu.memory_space<hbm>> -> memref<14x128xi32, #tpu.memory_space<hbm>>
          tpu.enqueue_dma source(%dma_start3A_120 : memref<14x128xi32, #tpu.memory_space<hbm>>) target(%arg11 : memref<14x128xi32, #tpu.memory_space<vmem>>) target_semaphore(%run_scoped3A : memref<!tpu.dma_semaphore, #tpu.memory_space<semaphore_mem>>)
          %dma_wait3A = arith.constant 0 : i32
          %dma_wait3A_121 = tpu.memref_slice %arg3[%add3A_77, %dma_wait3A] : memref<12544x128xi32, #tpu.memory_space<hbm>> -> memref<14x128xi32, #tpu.memory_space<hbm>>
          %dma_wait3A_122 = arith.constant 0 : i32
          %dma_wait3A_123 = tpu.memref_slice %arg3[%add3A_77, %dma_wait3A_122] : memref<12544x128xi32, #tpu.memory_space<hbm>> -> memref<14x128xi32, #tpu.memory_space<hbm>>
          tpu.wait_dma2 semaphore(%run_scoped3A : memref<!tpu.dma_semaphore, #tpu.memory_space<semaphore_mem>>) src(%dma_wait3A_123 : memref<14x128xi32, #tpu.memory_space<hbm>>) dst(%arg11 : memref<14x128xi32, #tpu.memory_space<vmem>>)
          tpu.yield
        }) : () -> ()
        %scan3A_78 = arith.constant 0 : i32
        %scan3A_79 = arith.constant 14 : i32
        %scan3A_80 = arith.addi %scan3A_78, %scan3A_79 : i32
        %scan3A_81 = arith.constant 1 : i32
        scf.for %scan3A_118 = %scan3A_78 to %scan3A_80 step %scan3A_81  : i32 {
          %mul3A_119 = arith.constant 1 : i32
          %mul3A_120 = arith.muli %scan3A_118, %mul3A_119 : i32
          %add3A_121 = arith.constant 0 : i32
          %add3A_122 = arith.addi %add3A_121, %mul3A_120 : i32
          %get3A = arith.index_cast %add3A_122 : i32 to index
          %get3A_123 = arith.constant 0 : index
          %get3A_124 = tpu.vector_load %arg10[%get3A, %get3A_123] {strides = array<i32>} : memref<14x128xi32, #tpu.memory_space<vmem>>, vector<1x16xi32>,
          %get3A_125 = vector.shape_cast %get3A_124 : vector<1x16xi32> to vector<16xi32>
          %mul3A_126 = arith.constant 12 : i32
          %mul3A_127 = vector.broadcast %mul3A_126 : i32 to vector<16xi32>
          %mul3A_128 = arith.muli %get3A_125, %mul3A_127 : vector<16xi32>
          %add3A_129 = vector.broadcast %add3A_25 : i32 to vector<16xi32>
          %add3A_130 = arith.addi %mul3A_128, %add3A_129 : vector<16xi32>
          %swap3A = arith.index_cast %add3A_122 : i32 to index
          %swap3A_131 = arith.constant 0 : index
          %swap3A_132 = tpu.vector_load %arg12[%swap3A, %swap3A_131] {strides = array<i32>} : memref<14x128xi32, #tpu.memory_space<vmem>>, vector<1x16xi32>,
          %swap3A_133 = vector.shape_cast %swap3A_132 : vector<1x16xi32> to vector<16xi32>
          %swap3A_134 = vector.shape_cast %add3A_130 : vector<16xi32> to vector<1x16xi32>
          tpu.vector_store %arg12[%swap3A, %swap3A_131], %swap3A_134 {strides = array<i32>} : memref<14x128xi32, #tpu.memory_space<vmem>>, vector<1x16xi32>,
          %get3A_135 = arith.index_cast %add3A_122 : i32 to index
          %get3A_136 = arith.constant 16 : index
          %get3A_137 = tpu.vector_load %arg10[%get3A_135, %get3A_136] {strides = array<i32>} : memref<14x128xi32, #tpu.memory_space<vmem>>, vector<1x16xi32>,
          %get3A_138 = vector.shape_cast %get3A_137 : vector<1x16xi32> to vector<16xi32>
          %mul3A_139 = arith.constant 12 : i32
          %mul3A_140 = vector.broadcast %mul3A_139 : i32 to vector<16xi32>
          %mul3A_141 = arith.muli %get3A_138, %mul3A_140 : vector<16xi32>
          %add3A_142 = vector.broadcast %add3A_25 : i32 to vector<16xi32>
          %add3A_143 = arith.addi %mul3A_141, %add3A_142 : vector<16xi32>
          %swap3A_144 = arith.index_cast %add3A_122 : i32 to index
          %swap3A_145 = arith.constant 16 : index
          %swap3A_146 = tpu.vector_load %arg12[%swap3A_144, %swap3A_145] {strides = array<i32>} : memref<14x128xi32, #tpu.memory_space<vmem>>, vector<1x16xi32>,
          %swap3A_147 = vector.shape_cast %swap3A_146 : vector<1x16xi32> to vector<16xi32>
          %swap3A_148 = vector.shape_cast %add3A_143 : vector<16xi32> to vector<1x16xi32>
          tpu.vector_store %arg12[%swap3A_144, %swap3A_145], %swap3A_148 {strides = array<i32>} : memref<14x128xi32, #tpu.memory_space<vmem>>, vector<1x16xi32>,
          %get3A_149 = arith.index_cast %add3A_122 : i32 to index
          %get3A_150 = arith.constant 32 : index
          %get3A_151 = tpu.vector_load %arg10[%get3A_149, %get3A_150] {strides = array<i32>} : memref<14x128xi32, #tpu.memory_space<vmem>>, vector<1x16xi32>,
          %get3A_152 = vector.shape_cast %get3A_151 : vector<1x16xi32> to vector<16xi32>
          %mul3A_153 = arith.constant 12 : i32
          %mul3A_154 = vector.broadcast %mul3A_153 : i32 to vector<16xi32>
          %mul3A_155 = arith.muli %get3A_152, %mul3A_154 : vector<16xi32>
          %add3A_156 = vector.broadcast %add3A_25 : i32 to vector<16xi32>
          %add3A_157 = arith.addi %mul3A_155, %add3A_156 : vector<16xi32>
          %swap3A_158 = arith.index_cast %add3A_122 : i32 to index
          %swap3A_159 = arith.constant 32 : index
          %swap3A_160 = tpu.vector_load %arg12[%swap3A_158, %swap3A_159] {strides = array<i32>} : memref<14x128xi32, #tpu.memory_space<vmem>>, vector<1x16xi32>,
          %swap3A_161 = vector.shape_cast %swap3A_160 : vector<1x16xi32> to vector<16xi32>
          %swap3A_162 = vector.shape_cast %add3A_157 : vector<16xi32> to vector<1x16xi32>
          tpu.vector_store %arg12[%swap3A_158, %swap3A_159], %swap3A_162 {strides = array<i32>} : memref<14x128xi32, #tpu.memory_space<vmem>>, vector<1x16xi32>,
          %get3A_163 = arith.index_cast %add3A_122 : i32 to index
          %get3A_164 = arith.constant 48 : index
          %get3A_165 = tpu.vector_load %arg10[%get3A_163, %get3A_164] {strides = array<i32>} : memref<14x128xi32, #tpu.memory_space<vmem>>, vector<1x16xi32>,
          %get3A_166 = vector.shape_cast %get3A_165 : vector<1x16xi32> to vector<16xi32>
          %mul3A_167 = arith.constant 12 : i32
          %mul3A_168 = vector.broadcast %mul3A_167 : i32 to vector<16xi32>
          %mul3A_169 = arith.muli %get3A_166, %mul3A_168 : vector<16xi32>
          %add3A_170 = vector.broadcast %add3A_25 : i32 to vector<16xi32>
          %add3A_171 = arith.addi %mul3A_169, %add3A_170 : vector<16xi32>
          %swap3A_172 = arith.index_cast %add3A_122 : i32 to index
          %swap3A_173 = arith.constant 48 : index
          %swap3A_174 = tpu.vector_load %arg12[%swap3A_172, %swap3A_173] {strides = array<i32>} : memref<14x128xi32, #tpu.memory_space<vmem>>, vector<1x16xi32>,
          %swap3A_175 = vector.shape_cast %swap3A_174 : vector<1x16xi32> to vector<16xi32>
          %swap3A_176 = vector.shape_cast %add3A_171 : vector<16xi32> to vector<1x16xi32>
          tpu.vector_store %arg12[%swap3A_172, %swap3A_173], %swap3A_176 {strides = array<i32>} : memref<14x128xi32, #tpu.memory_space<vmem>>, vector<1x16xi32>,
          %get3A_177 = arith.index_cast %add3A_122 : i32 to index
          %get3A_178 = arith.constant 64 : index
          %get3A_179 = tpu.vector_load %arg10[%get3A_177, %get3A_178] {strides = array<i32>} : memref<14x128xi32, #tpu.memory_space<vmem>>, vector<1x16xi32>,
          %get3A_180 = vector.shape_cast %get3A_179 : vector<1x16xi32> to vector<16xi32>
          %mul3A_181 = arith.constant 12 : i32
          %mul3A_182 = vector.broadcast %mul3A_181 : i32 to vector<16xi32>
          %mul3A_183 = arith.muli %get3A_180, %mul3A_182 : vector<16xi32>
          %add3A_184 = vector.broadcast %add3A_25 : i32 to vector<16xi32>
          %add3A_185 = arith.addi %mul3A_183, %add3A_184 : vector<16xi32>
          %swap3A_186 = arith.index_cast %add3A_122 : i32 to index
          %swap3A_187 = arith.constant 64 : index
          %swap3A_188 = tpu.vector_load %arg12[%swap3A_186, %swap3A_187] {strides = array<i32>} : memref<14x128xi32, #tpu.memory_space<vmem>>, vector<1x16xi32>,
          %swap3A_189 = vector.shape_cast %swap3A_188 : vector<1x16xi32> to vector<16xi32>
          %swap3A_190 = vector.shape_cast %add3A_185 : vector<16xi32> to vector<1x16xi32>
          tpu.vector_store %arg12[%swap3A_186, %swap3A_187], %swap3A_190 {strides = array<i32>} : memref<14x128xi32, #tpu.memory_space<vmem>>, vector<1x16xi32>,
          %get3A_191 = arith.index_cast %add3A_122 : i32 to index
          %get3A_192 = arith.constant 80 : index
          %get3A_193 = tpu.vector_load %arg10[%get3A_191, %get3A_192] {strides = array<i32>} : memref<14x128xi32, #tpu.memory_space<vmem>>, vector<1x16xi32>,
          %get3A_194 = vector.shape_cast %get3A_193 : vector<1x16xi32> to vector<16xi32>
          %mul3A_195 = arith.constant 12 : i32
          %mul3A_196 = vector.broadcast %mul3A_195 : i32 to vector<16xi32>
          %mul3A_197 = arith.muli %get3A_194, %mul3A_196 : vector<16xi32>
          %add3A_198 = vector.broadcast %add3A_25 : i32 to vector<16xi32>
          %add3A_199 = arith.addi %mul3A_197, %add3A_198 : vector<16xi32>
          %swap3A_200 = arith.index_cast %add3A_122 : i32 to index
          %swap3A_201 = arith.constant 80 : index
          %swap3A_202 = tpu.vector_load %arg12[%swap3A_200, %swap3A_201] {strides = array<i32>} : memref<14x128xi32, #tpu.memory_space<vmem>>, vector<1x16xi32>,
          %swap3A_203 = vector.shape_cast %swap3A_202 : vector<1x16xi32> to vector<16xi32>
          %swap3A_204 = vector.shape_cast %add3A_199 : vector<16xi32> to vector<1x16xi32>
          tpu.vector_store %arg12[%swap3A_200, %swap3A_201], %swap3A_204 {strides = array<i32>} : memref<14x128xi32, #tpu.memory_space<vmem>>, vector<1x16xi32>,
          %get3A_205 = arith.index_cast %add3A_122 : i32 to index
          %get3A_206 = arith.constant 96 : index
          %get3A_207 = tpu.vector_load %arg10[%get3A_205, %get3A_206] {strides = array<i32>} : memref<14x128xi32, #tpu.memory_space<vmem>>, vector<1x16xi32>,
          %get3A_208 = vector.shape_cast %get3A_207 : vector<1x16xi32> to vector<16xi32>
          %mul3A_209 = arith.constant 12 : i32
          %mul3A_210 = vector.broadcast %mul3A_209 : i32 to vector<16xi32>
          %mul3A_211 = arith.muli %get3A_208, %mul3A_210 : vector<16xi32>
          %add3A_212 = vector.broadcast %add3A_25 : i32 to vector<16xi32>
          %add3A_213 = arith.addi %mul3A_211, %add3A_212 : vector<16xi32>
          %swap3A_214 = arith.index_cast %add3A_122 : i32 to index
          %swap3A_215 = arith.constant 96 : index
          %swap3A_216 = tpu.vector_load %arg12[%swap3A_214, %swap3A_215] {strides = array<i32>} : memref<14x128xi32, #tpu.memory_space<vmem>>, vector<1x16xi32>,
          %swap3A_217 = vector.shape_cast %swap3A_216 : vector<1x16xi32> to vector<16xi32>
          %swap3A_218 = vector.shape_cast %add3A_213 : vector<16xi32> to vector<1x16xi32>
          tpu.vector_store %arg12[%swap3A_214, %swap3A_215], %swap3A_218 {strides = array<i32>} : memref<14x128xi32, #tpu.memory_space<vmem>>, vector<1x16xi32>,
          %get3A_219 = arith.index_cast %add3A_122 : i32 to index
          %get3A_220 = arith.constant 112 : index
          %get3A_221 = tpu.vector_load %arg10[%get3A_219, %get3A_220] {strides = array<i32>} : memref<14x128xi32, #tpu.memory_space<vmem>>, vector<1x16xi32>,
          %get3A_222 = vector.shape_cast %get3A_221 : vector<1x16xi32> to vector<16xi32>
          %mul3A_223 = arith.constant 12 : i32
          %mul3A_224 = vector.broadcast %mul3A_223 : i32 to vector<16xi32>
          %mul3A_225 = arith.muli %get3A_222, %mul3A_224 : vector<16xi32>
          %add3A_226 = vector.broadcast %add3A_25 : i32 to vector<16xi32>
          %add3A_227 = arith.addi %mul3A_225, %add3A_226 : vector<16xi32>
          %swap3A_228 = arith.index_cast %add3A_122 : i32 to index
          %swap3A_229 = arith.constant 112 : index
          %swap3A_230 = tpu.vector_load %arg12[%swap3A_228, %swap3A_229] {strides = array<i32>} : memref<14x128xi32, #tpu.memory_space<vmem>>, vector<1x16xi32>,
          %swap3A_231 = vector.shape_cast %swap3A_230 : vector<1x16xi32> to vector<16xi32>
          %swap3A_232 = vector.shape_cast %add3A_227 : vector<16xi32> to vector<1x16xi32>
          tpu.vector_store %arg12[%swap3A_228, %swap3A_229], %swap3A_232 {strides = array<i32>} : memref<14x128xi32, #tpu.memory_space<vmem>>, vector<1x16xi32>,
        }
        %scan3A_82 = arith.constant 14 : i32
        %scan3A_83 = arith.constant 0 : i32
        %scan3A_84 = arith.constant 14 : i32
        %scan3A_85 = arith.addi %scan3A_83, %scan3A_84 : i32
        %scan3A_86 = arith.constant 1 : i32
        scf.for %scan3A_118 = %scan3A_83 to %scan3A_85 step %scan3A_86  : i32 {
          %mul3A_119 = arith.constant 1 : i32
          %mul3A_120 = arith.muli %scan3A_118, %mul3A_119 : i32
          %add3A_121 = arith.constant 0 : i32
          %add3A_122 = arith.addi %add3A_121, %mul3A_120 : i32
          %dma_start3A = arith.constant 0 : i32
          %dma_start3A_123 = arith.constant 0 : i32
          %dma_start3A_124 = tpu.memref_slice %arg13[%add3A_122, %dma_start3A, %dma_start3A_123] : memref<14x128x16xf32, #tpu.memory_space<vmem>> -> memref<1x128x16xf32, #tpu.memory_space<vmem>>
          %dma_start3A_125 = tpu.memref_squeeze %dma_start3A_124 : memref<1x128x16xf32, #tpu.memory_space<vmem>> -> memref<128x16xf32, #tpu.memory_space<vmem>>
          %dma_start3A_126 = arith.constant 0 : i32
          %dma_start3A_127 = tpu.memref_slice %arg12[%add3A_122, %dma_start3A_126] : memref<14x128xi32, #tpu.memory_space<vmem>> -> memref<1x128xi32, #tpu.memory_space<vmem>>
          %dma_start3A_128 = tpu.memref_squeeze %dma_start3A_127 : memref<1x128xi32, #tpu.memory_space<vmem>> -> memref<128xi32, #tpu.memory_space<vmem>>
          %dma_start3A_129 = arith.constant 0 : i32
          %dma_start3A_130 = arith.constant 0 : i32
          %dma_start3A_131 = tpu.memref_slice %arg4[%dma_start3A_129, %dma_start3A_130] : memref<600000x16xf32, #tpu.memory_space<hbm>> -> memref<600000x16xf32, #tpu.memory_space<hbm>>
          tpu.enqueue_indirect_dma source(%dma_start3A_131 : memref<600000x16xf32, #tpu.memory_space<hbm>>) target(%dma_start3A_125 : memref<128x16xf32, #tpu.memory_space<vmem>>) offsets(%dma_start3A_128 : memref<128xi32, #tpu.memory_space<vmem>>) semaphore(%arg18 : memref<!tpu.dma_semaphore, #tpu.memory_space<semaphore_mem>>)
        }
        %scan3A_87 = arith.constant 14 : i32
        %scan3A_88 = arith.constant 0 : i32
        %scan3A_89 = arith.constant 14 : i32
        %scan3A_90 = arith.addi %scan3A_88, %scan3A_89 : i32
        %scan3A_91 = arith.constant 1 : i32
        scf.for %scan3A_118 = %scan3A_88 to %scan3A_90 step %scan3A_91  : i32 {
          %mul3A_119 = arith.constant 1 : i32
          %mul3A_120 = arith.muli %scan3A_118, %mul3A_119 : i32
          %add3A_121 = arith.constant 0 : i32
          %add3A_122 = arith.addi %add3A_121, %mul3A_120 : i32
          %dma_wait3A = arith.constant 0 : i32
          %dma_wait3A_123 = arith.constant 0 : i32
          %dma_wait3A_124 = tpu.memref_slice %arg9[%add3A_122, %dma_wait3A, %dma_wait3A_123] : memref<14x128x16xf32, #tpu.memory_space<vmem>> -> memref<1x128x16xf32, #tpu.memory_space<vmem>>
          %dma_wait3A_125 = tpu.memref_squeeze %dma_wait3A_124 : memref<1x128x16xf32, #tpu.memory_space<vmem>> -> memref<128x16xf32, #tpu.memory_space<vmem>>
          %dma_wait3A_126 = arith.constant 0 : i32
          %dma_wait3A_127 = tpu.memref_slice %arg8[%add3A_122, %dma_wait3A_126] : memref<14x128xi32, #tpu.memory_space<vmem>> -> memref<1x128xi32, #tpu.memory_space<vmem>>
          %dma_wait3A_128 = tpu.memref_squeeze %dma_wait3A_127 : memref<1x128xi32, #tpu.memory_space<vmem>> -> memref<128xi32, #tpu.memory_space<vmem>>
          %dma_wait3A_129 = arith.constant 0 : i32
          %dma_wait3A_130 = arith.constant 0 : i32
          %dma_wait3A_131 = tpu.memref_slice %arg4[%dma_wait3A_129, %dma_wait3A_130] : memref<600000x16xf32, #tpu.memory_space<hbm>> -> memref<600000x16xf32, #tpu.memory_space<hbm>>
          tpu.wait_indirect_dma semaphore(%arg17 : memref<!tpu.dma_semaphore, #tpu.memory_space<semaphore_mem>>) src(%dma_wait3A_131 : memref<600000x16xf32, #tpu.memory_space<hbm>>) dst(%dma_wait3A_125 : memref<128x16xf32, #tpu.memory_space<vmem>>)
        }
        %scan3A_92 = arith.constant 14 : i32
        %scan3A_93 = arith.constant 0 : i32
        %scan3A_94 = arith.constant 14 : i32
        %scan3A_95 = arith.addi %scan3A_93, %scan3A_94 : i32
        %scan3A_96 = arith.constant 1 : i32
        scf.for %scan3A_118 = %scan3A_93 to %scan3A_95 step %scan3A_96  : i32 {
          %mul3A_119 = arith.constant 1 : i32
          %mul3A_120 = arith.muli %scan3A_118, %mul3A_119 : i32
          %add3A_121 = arith.constant 0 : i32
          %add3A_122 = arith.addi %add3A_121, %mul3A_120 : i32
          %dma_start3A = arith.constant 0 : i32
          %dma_start3A_123 = arith.constant 0 : i32
          %dma_start3A_124 = tpu.memref_slice %arg9[%add3A_122, %dma_start3A, %dma_start3A_123] : memref<14x128x16xf32, #tpu.memory_space<vmem>> -> memref<1x128x16xf32, #tpu.memory_space<vmem>>
          %dma_start3A_125 = tpu.memref_squeeze %dma_start3A_124 : memref<1x128x16xf32, #tpu.memory_space<vmem>> -> memref<128x16xf32, #tpu.memory_space<vmem>>
          %dma_start3A_126 = arith.constant 0 : i32
          %dma_start3A_127 = tpu.memref_slice %arg7[%add3A_122, %dma_start3A_126] : memref<14x128xi32, #tpu.memory_space<vmem>> -> memref<1x128xi32, #tpu.memory_space<vmem>>
          %dma_start3A_128 = tpu.memref_squeeze %dma_start3A_127 : memref<1x128xi32, #tpu.memory_space<vmem>> -> memref<128xi32, #tpu.memory_space<vmem>>
          %dma_start3A_129 = arith.constant 0 : i32
          %dma_start3A_130 = arith.constant 0 : i32
          %dma_start3A_131 = tpu.memref_slice %arg16[%dma_start3A_129, %dma_start3A_130] : memref<51200x16xf32, #tpu.memory_space<vmem_shared>> -> memref<51200x16xf32, #tpu.memory_space<vmem_shared>>
          tpu.enqueue_indirect_dma source(%dma_start3A_125 : memref<128x16xf32, #tpu.memory_space<vmem>>) target(%dma_start3A_131 : memref<51200x16xf32, #tpu.memory_space<vmem_shared>>) offsets(%dma_start3A_128 : memref<128xi32, #tpu.memory_space<vmem>>) semaphore(%arg19 : memref<!tpu.dma_semaphore, #tpu.memory_space<semaphore_mem>>) {add = true}
        }
        %scan3A_97 = arith.constant 14 : i32
        %scan3A_98 = arith.constant 0 : i32
        %scan3A_99 = arith.constant 14 : i32
        %scan3A_100 = arith.addi %scan3A_98, %scan3A_99 : i32
        %scan3A_101 = arith.constant 1 : i32
        scf.for %scan3A_118 = %scan3A_98 to %scan3A_100 step %scan3A_101  : i32 {
          %mul3A_119 = arith.constant 1 : i32
          %mul3A_120 = arith.muli %scan3A_118, %mul3A_119 : i32
          %add3A_121 = arith.constant 0 : i32
          %add3A_122 = arith.addi %add3A_121, %mul3A_120 : i32
          %dma_wait3A = arith.constant 0 : i32
          %dma_wait3A_123 = arith.constant 0 : i32
          %dma_wait3A_124 = tpu.memref_slice %arg13[%add3A_122, %dma_wait3A, %dma_wait3A_123] : memref<14x128x16xf32, #tpu.memory_space<vmem>> -> memref<1x128x16xf32, #tpu.memory_space<vmem>>
          %dma_wait3A_125 = tpu.memref_squeeze %dma_wait3A_124 : memref<1x128x16xf32, #tpu.memory_space<vmem>> -> memref<128x16xf32, #tpu.memory_space<vmem>>
          %dma_wait3A_126 = arith.constant 0 : i32
          %dma_wait3A_127 = tpu.memref_slice %arg12[%add3A_122, %dma_wait3A_126] : memref<14x128xi32, #tpu.memory_space<vmem>> -> memref<1x128xi32, #tpu.memory_space<vmem>>
          %dma_wait3A_128 = tpu.memref_squeeze %dma_wait3A_127 : memref<1x128xi32, #tpu.memory_space<vmem>> -> memref<128xi32, #tpu.memory_space<vmem>>
          %dma_wait3A_129 = arith.constant 0 : i32
          %dma_wait3A_130 = arith.constant 0 : i32
          %dma_wait3A_131 = tpu.memref_slice %arg4[%dma_wait3A_129, %dma_wait3A_130] : memref<600000x16xf32, #tpu.memory_space<hbm>> -> memref<600000x16xf32, #tpu.memory_space<hbm>>
          tpu.wait_indirect_dma semaphore(%arg18 : memref<!tpu.dma_semaphore, #tpu.memory_space<semaphore_mem>>) src(%dma_wait3A_131 : memref<600000x16xf32, #tpu.memory_space<hbm>>) dst(%dma_wait3A_125 : memref<128x16xf32, #tpu.memory_space<vmem>>)
        }
        %scan3A_102 = arith.constant 14 : i32
        %scan3A_103 = arith.constant 0 : i32
        %scan3A_104 = arith.constant 14 : i32
        %scan3A_105 = arith.addi %scan3A_103, %scan3A_104 : i32
        %scan3A_106 = arith.constant 1 : i32
        scf.for %scan3A_118 = %scan3A_103 to %scan3A_105 step %scan3A_106  : i32 {
          %mul3A_119 = arith.constant 1 : i32
          %mul3A_120 = arith.muli %scan3A_118, %mul3A_119 : i32
          %add3A_121 = arith.constant 0 : i32
          %add3A_122 = arith.addi %add3A_121, %mul3A_120 : i32
          %dma_start3A = arith.constant 0 : i32
          %dma_start3A_123 = arith.constant 0 : i32
          %dma_start3A_124 = tpu.memref_slice %arg13[%add3A_122, %dma_start3A, %dma_start3A_123] : memref<14x128x16xf32, #tpu.memory_space<vmem>> -> memref<1x128x16xf32, #tpu.memory_space<vmem>>
          %dma_start3A_125 = tpu.memref_squeeze %dma_start3A_124 : memref<1x128x16xf32, #tpu.memory_space<vmem>> -> memref<128x16xf32, #tpu.memory_space<vmem>>
          %dma_start3A_126 = arith.constant 0 : i32
          %dma_start3A_127 = tpu.memref_slice %arg11[%add3A_122, %dma_start3A_126] : memref<14x128xi32, #tpu.memory_space<vmem>> -> memref<1x128xi32, #tpu.memory_space<vmem>>
          %dma_start3A_128 = tpu.memref_squeeze %dma_start3A_127 : memref<1x128xi32, #tpu.memory_space<vmem>> -> memref<128xi32, #tpu.memory_space<vmem>>
          %dma_start3A_129 = arith.constant 0 : i32
          %dma_start3A_130 = arith.constant 0 : i32
          %dma_start3A_131 = tpu.memref_slice %arg16[%dma_start3A_129, %dma_start3A_130] : memref<51200x16xf32, #tpu.memory_space<vmem_shared>> -> memref<51200x16xf32, #tpu.memory_space<vmem_shared>>
          tpu.enqueue_indirect_dma source(%dma_start3A_125 : memref<128x16xf32, #tpu.memory_space<vmem>>) target(%dma_start3A_131 : memref<51200x16xf32, #tpu.memory_space<vmem_shared>>) offsets(%dma_start3A_128 : memref<128xi32, #tpu.memory_space<vmem>>) semaphore(%arg19 : memref<!tpu.dma_semaphore, #tpu.memory_space<semaphore_mem>>) {add = true}
        }
        %scan3A_107 = arith.constant 14 : i32
        %scan3A_108 = arith.constant 0 : i32
        %scan3A_109 = arith.constant 14 : i32
        %scan3A_110 = arith.addi %scan3A_108, %scan3A_109 : i32
        %scan3A_111 = arith.constant 1 : i32
        scf.for %scan3A_118 = %scan3A_108 to %scan3A_110 step %scan3A_111  : i32 {
          %mul3A_119 = arith.constant 1 : i32
          %mul3A_120 = arith.muli %scan3A_118, %mul3A_119 : i32
          %add3A_121 = arith.constant 0 : i32
          %add3A_122 = arith.addi %add3A_121, %mul3A_120 : i32
          %dma_wait3A = arith.constant 0 : i32
          %dma_wait3A_123 = arith.constant 0 : i32
          %dma_wait3A_124 = tpu.memref_slice %arg9[%add3A_122, %dma_wait3A, %dma_wait3A_123] : memref<14x128x16xf32, #tpu.memory_space<vmem>> -> memref<1x128x16xf32, #tpu.memory_space<vmem>>
          %dma_wait3A_125 = tpu.memref_squeeze %dma_wait3A_124 : memref<1x128x16xf32, #tpu.memory_space<vmem>> -> memref<128x16xf32, #tpu.memory_space<vmem>>
          %dma_wait3A_126 = arith.constant 0 : i32
          %dma_wait3A_127 = tpu.memref_slice %arg7[%add3A_122, %dma_wait3A_126] : memref<14x128xi32, #tpu.memory_space<vmem>> -> memref<1x128xi32, #tpu.memory_space<vmem>>
          %dma_wait3A_128 = tpu.memref_squeeze %dma_wait3A_127 : memref<1x128xi32, #tpu.memory_space<vmem>> -> memref<128xi32, #tpu.memory_space<vmem>>
          %dma_wait3A_129 = arith.constant 0 : i32
          %dma_wait3A_130 = arith.constant 0 : i32
          %dma_wait3A_131 = tpu.memref_slice %arg16[%dma_wait3A_129, %dma_wait3A_130] : memref<51200x16xf32, #tpu.memory_space<vmem_shared>> -> memref<51200x16xf32, #tpu.memory_space<vmem_shared>>
          tpu.wait_indirect_dma semaphore(%arg19 : memref<!tpu.dma_semaphore, #tpu.memory_space<semaphore_mem>>) src(%dma_wait3A_125 : memref<128x16xf32, #tpu.memory_space<vmem>>) dst(%dma_wait3A_131 : memref<51200x16xf32, #tpu.memory_space<vmem_shared>>)
        }
        %scan3A_112 = arith.constant 14 : i32
        %scan3A_113 = arith.constant 0 : i32
        %scan3A_114 = arith.constant 14 : i32
        %scan3A_115 = arith.addi %scan3A_113, %scan3A_114 : i32
        %scan3A_116 = arith.constant 1 : i32
        scf.for %scan3A_118 = %scan3A_113 to %scan3A_115 step %scan3A_116  : i32 {
          %mul3A_119 = arith.constant 1 : i32
          %mul3A_120 = arith.muli %scan3A_118, %mul3A_119 : i32
          %add3A_121 = arith.constant 0 : i32
          %add3A_122 = arith.addi %add3A_121, %mul3A_120 : i32
          %dma_wait3A = arith.constant 0 : i32
          %dma_wait3A_123 = arith.constant 0 : i32
          %dma_wait3A_124 = tpu.memref_slice %arg13[%add3A_122, %dma_wait3A, %dma_wait3A_123] : memref<14x128x16xf32, #tpu.memory_space<vmem>> -> memref<1x128x16xf32, #tpu.memory_space<vmem>>
          %dma_wait3A_125 = tpu.memref_squeeze %dma_wait3A_124 : memref<1x128x16xf32, #tpu.memory_space<vmem>> -> memref<128x16xf32, #tpu.memory_space<vmem>>
          %dma_wait3A_126 = arith.constant 0 : i32
          %dma_wait3A_127 = tpu.memref_slice %arg11[%add3A_122, %dma_wait3A_126] : memref<14x128xi32, #tpu.memory_space<vmem>> -> memref<1x128xi32, #tpu.memory_space<vmem>>
          %dma_wait3A_128 = tpu.memref_squeeze %dma_wait3A_127 : memref<1x128xi32, #tpu.memory_space<vmem>> -> memref<128xi32, #tpu.memory_space<vmem>>
          %dma_wait3A_129 = arith.constant 0 : i32
          %dma_wait3A_130 = arith.constant 0 : i32
          %dma_wait3A_131 = tpu.memref_slice %arg16[%dma_wait3A_129, %dma_wait3A_130] : memref<51200x16xf32, #tpu.memory_space<vmem_shared>> -> memref<51200x16xf32, #tpu.memory_space<vmem_shared>>
          tpu.wait_indirect_dma semaphore(%arg19 : memref<!tpu.dma_semaphore, #tpu.memory_space<semaphore_mem>>) src(%dma_wait3A_125 : memref<128x16xf32, #tpu.memory_space<vmem>>) dst(%dma_wait3A_131 : memref<51200x16xf32, #tpu.memory_space<vmem_shared>>)
        }
        %scan3A_117 = arith.constant 14 : i32
      }
      %barrier3A_47 = arith.constant 0 : index
      tpu.barrier barrier_id(%barrier3A_47)
      %scan3A_48 = arith.constant 0 : i32
      %scan3A_49 = arith.constant 10 : i32
      %scan3A_50 = arith.addi %scan3A_48, %scan3A_49 : i32
      %scan3A_51 = arith.constant 1 : i32
      scf.for %scan3A_53 = %scan3A_48 to %scan3A_50 step %scan3A_51  : i32 {
        %mul3A_54 = arith.constant 1 : i32
        %mul3A_55 = arith.muli %scan3A_53, %mul3A_54 : i32
        %add3A_56 = arith.constant 0 : i32
        %add3A_57 = arith.addi %add3A_56, %mul3A_55 : i32
        %mul3A_58 = arith.constant 3200 : i32
        %mul3A_59 = arith.muli %arg1, %mul3A_58 : i32
        %mul3A_60 = arith.constant 320 : i32
        %mul3A_61 = arith.muli %add3A_57, %mul3A_60 : i32
        %add3A_62 = arith.addi %mul3A_59, %mul3A_61 : i32
        "tpu.region"() ({
          %run_scoped3A = tpu.sem_alloc : memref<!tpu.dma_semaphore, #tpu.memory_space<semaphore_mem>>
          %dma_start3A = arith.constant 0 : i32
          %dma_start3A_63 = arith.constant 0 : i32
          %dma_start3A_64 = arith.constant 0 : i32
          %dma_start3A_65 = tpu.memref_slice %arg5[%add3A_25, %dma_start3A, %dma_start3A_63, %dma_start3A_64] : memref<12x2x51200x16xf32, #tpu.memory_space<hbm>> -> memref<1x2x51200x16xf32, #tpu.memory_space<hbm>>
          %dma_start3A_66 = tpu.memref_squeeze %dma_start3A_65 : memref<1x2x51200x16xf32, #tpu.memory_space<hbm>> -> memref<2x51200x16xf32, #tpu.memory_space<hbm>>
          %dma_start3A_67 = arith.constant 0 : i32
          %dma_start3A_68 = arith.constant 0 : i32
          %dma_start3A_69 = tpu.memref_slice %dma_start3A_66[%arg0, %dma_start3A_67, %dma_start3A_68] : memref<2x51200x16xf32, #tpu.memory_space<hbm>> -> memref<1x51200x16xf32, #tpu.memory_space<hbm>>
          %dma_start3A_70 = tpu.memref_squeeze %dma_start3A_69 : memref<1x51200x16xf32, #tpu.memory_space<hbm>> -> memref<51200x16xf32, #tpu.memory_space<hbm>>
          %dma_start3A_71 = arith.constant 0 : i32
          %dma_start3A_72 = tpu.memref_slice %dma_start3A_70[%add3A_62, %dma_start3A_71] : memref<51200x16xf32, #tpu.memory_space<hbm>> -> memref<320x16xf32, #tpu.memory_space<hbm>>
          %dma_start3A_73 = arith.constant 0 : i32
          %dma_start3A_74 = tpu.memref_slice %arg16[%add3A_62, %dma_start3A_73] : memref<51200x16xf32, #tpu.memory_space<vmem_shared>> -> memref<320x16xf32, #tpu.memory_space<vmem_shared>>
          tpu.enqueue_dma source(%dma_start3A_74 : memref<320x16xf32, #tpu.memory_space<vmem_shared>>) target(%dma_start3A_72 : memref<320x16xf32, #tpu.memory_space<hbm>>) target_semaphore(%run_scoped3A : memref<!tpu.dma_semaphore, #tpu.memory_space<semaphore_mem>>)
          %dma_wait3A = arith.constant 0 : i32
          %dma_wait3A_75 = arith.constant 0 : i32
          %dma_wait3A_76 = arith.constant 0 : i32
          %dma_wait3A_77 = tpu.memref_slice %arg5[%add3A_25, %dma_wait3A, %dma_wait3A_75, %dma_wait3A_76] : memref<12x2x51200x16xf32, #tpu.memory_space<hbm>> -> memref<1x2x51200x16xf32, #tpu.memory_space<hbm>>
          %dma_wait3A_78 = tpu.memref_squeeze %dma_wait3A_77 : memref<1x2x51200x16xf32, #tpu.memory_space<hbm>> -> memref<2x51200x16xf32, #tpu.memory_space<hbm>>
          %dma_wait3A_79 = arith.constant 0 : i32
          %dma_wait3A_80 = arith.constant 0 : i32
          %dma_wait3A_81 = tpu.memref_slice %dma_wait3A_78[%arg0, %dma_wait3A_79, %dma_wait3A_80] : memref<2x51200x16xf32, #tpu.memory_space<hbm>> -> memref<1x51200x16xf32, #tpu.memory_space<hbm>>
          %dma_wait3A_82 = tpu.memref_squeeze %dma_wait3A_81 : memref<1x51200x16xf32, #tpu.memory_space<hbm>> -> memref<51200x16xf32, #tpu.memory_space<hbm>>
          %dma_wait3A_83 = arith.constant 0 : i32
          %dma_wait3A_84 = tpu.memref_slice %dma_wait3A_82[%add3A_62, %dma_wait3A_83] : memref<51200x16xf32, #tpu.memory_space<hbm>> -> memref<320x16xf32, #tpu.memory_space<hbm>>
          %dma_wait3A_85 = arith.constant 0 : i32
          %dma_wait3A_86 = tpu.memref_slice %arg16[%add3A_62, %dma_wait3A_85] : memref<51200x16xf32, #tpu.memory_space<vmem_shared>> -> memref<320x16xf32, #tpu.memory_space<vmem_shared>>
          tpu.wait_dma2 semaphore(%run_scoped3A : memref<!tpu.dma_semaphore, #tpu.memory_space<semaphore_mem>>) src(%dma_wait3A_86 : memref<320x16xf32, #tpu.memory_space<vmem_shared>>) dst(%dma_wait3A_84 : memref<320x16xf32, #tpu.memory_space<hbm>>)
          tpu.yield
        }) : () -> ()
      }
      %scan3A_52 = arith.constant 10 : i32
    }
    %scan3A_20 = arith.constant 12 : i32
    return
  }
}

#map = affine_map<(d0, d1) -> (0, 0)>
#map1 = affine_map<(d0, d1) -> (0, 0, 0)>
module attributes {stable_mosaic.version = 14 : i64} {
  func.func @_deg_body(%arg0: i32, %arg1: i32, %arg2: memref<12544x128xi32, #tpu.memory_space<hbm>>, %arg3: memref<2x16x3200xf32, #tpu.memory_space<hbm>>, %arg4: memref<14x128xi32, #tpu.memory_space<vmem>>, %arg5: memref<128xf32, #tpu.memory_space<vmem>>, %arg6: memref<3200xf32, #tpu.memory_space<vmem>>, %arg7: memref<51200xf32, #tpu.memory_space<vmem_shared>>, %arg8: memref<!tpu.dma_semaphore, #tpu.memory_space<semaphore_mem>>) attributes {dimension_semantics = [#tpu.dimension_semantics<core_parallel>, #tpu.dimension_semantics<subcore_parallel>], iteration_bounds = array<i64: 2, 16>, scalar_prefetch = 0 : i64, scratch_operands = 5 : i64, tpu.core_type = #tpu.core_type<sc_vector_subcore>, window_params = [{transform_indices = #map}, {transform_indices = #map1}]} {
    %mul3A = arith.constant 16 : i32
    %mul3A_0 = arith.muli %arg0, %mul3A : i32
    %add3A = arith.addi %mul3A_0, %arg1 : i32
    %broadcast_in_dim3A = arith.constant 1.000000e+00 : f32
    %broadcast_in_dim3A_1 = vector.broadcast %broadcast_in_dim3A : f32 to vector<16xf32>
    %swap3A = arith.constant 0 : index
    %swap3A_2 = tpu.vector_load %arg5[%swap3A] {strides = array<i32>} : memref<128xf32, #tpu.memory_space<vmem>>, vector<16xf32>,
    %swap3A_3 = vector.shape_cast %swap3A_2 : vector<16xf32> to vector<16xf32>
    %swap3A_4 = vector.shape_cast %broadcast_in_dim3A_1 : vector<16xf32> to vector<16xf32>
    tpu.vector_store %arg5[%swap3A], %swap3A_4 {strides = array<i32>} : memref<128xf32, #tpu.memory_space<vmem>>, vector<16xf32>,
    %broadcast_in_dim3A_5 = arith.constant 1.000000e+00 : f32
    %broadcast_in_dim3A_6 = vector.broadcast %broadcast_in_dim3A_5 : f32 to vector<16xf32>
    %swap3A_7 = arith.constant 16 : index
    %swap3A_8 = tpu.vector_load %arg5[%swap3A_7] {strides = array<i32>} : memref<128xf32, #tpu.memory_space<vmem>>, vector<16xf32>,
    %swap3A_9 = vector.shape_cast %swap3A_8 : vector<16xf32> to vector<16xf32>
    %swap3A_10 = vector.shape_cast %broadcast_in_dim3A_6 : vector<16xf32> to vector<16xf32>
    tpu.vector_store %arg5[%swap3A_7], %swap3A_10 {strides = array<i32>} : memref<128xf32, #tpu.memory_space<vmem>>, vector<16xf32>,
    %broadcast_in_dim3A_11 = arith.constant 1.000000e+00 : f32
    %broadcast_in_dim3A_12 = vector.broadcast %broadcast_in_dim3A_11 : f32 to vector<16xf32>
    %swap3A_13 = arith.constant 32 : index
    %swap3A_14 = tpu.vector_load %arg5[%swap3A_13] {strides = array<i32>} : memref<128xf32, #tpu.memory_space<vmem>>, vector<16xf32>,
    %swap3A_15 = vector.shape_cast %swap3A_14 : vector<16xf32> to vector<16xf32>
    %swap3A_16 = vector.shape_cast %broadcast_in_dim3A_12 : vector<16xf32> to vector<16xf32>
    tpu.vector_store %arg5[%swap3A_13], %swap3A_16 {strides = array<i32>} : memref<128xf32, #tpu.memory_space<vmem>>, vector<16xf32>,
    %broadcast_in_dim3A_17 = arith.constant 1.000000e+00 : f32
    %broadcast_in_dim3A_18 = vector.broadcast %broadcast_in_dim3A_17 : f32 to vector<16xf32>
    %swap3A_19 = arith.constant 48 : index
    %swap3A_20 = tpu.vector_load %arg5[%swap3A_19] {strides = array<i32>} : memref<128xf32, #tpu.memory_space<vmem>>, vector<16xf32>,
    %swap3A_21 = vector.shape_cast %swap3A_20 : vector<16xf32> to vector<16xf32>
    %swap3A_22 = vector.shape_cast %broadcast_in_dim3A_18 : vector<16xf32> to vector<16xf32>
    tpu.vector_store %arg5[%swap3A_19], %swap3A_22 {strides = array<i32>} : memref<128xf32, #tpu.memory_space<vmem>>, vector<16xf32>,
    %broadcast_in_dim3A_23 = arith.constant 1.000000e+00 : f32
    %broadcast_in_dim3A_24 = vector.broadcast %broadcast_in_dim3A_23 : f32 to vector<16xf32>
    %swap3A_25 = arith.constant 64 : index
    %swap3A_26 = tpu.vector_load %arg5[%swap3A_25] {strides = array<i32>} : memref<128xf32, #tpu.memory_space<vmem>>, vector<16xf32>,
    %swap3A_27 = vector.shape_cast %swap3A_26 : vector<16xf32> to vector<16xf32>
    %swap3A_28 = vector.shape_cast %broadcast_in_dim3A_24 : vector<16xf32> to vector<16xf32>
    tpu.vector_store %arg5[%swap3A_25], %swap3A_28 {strides = array<i32>} : memref<128xf32, #tpu.memory_space<vmem>>, vector<16xf32>,
    %broadcast_in_dim3A_29 = arith.constant 1.000000e+00 : f32
    %broadcast_in_dim3A_30 = vector.broadcast %broadcast_in_dim3A_29 : f32 to vector<16xf32>
    %swap3A_31 = arith.constant 80 : index
    %swap3A_32 = tpu.vector_load %arg5[%swap3A_31] {strides = array<i32>} : memref<128xf32, #tpu.memory_space<vmem>>, vector<16xf32>,
    %swap3A_33 = vector.shape_cast %swap3A_32 : vector<16xf32> to vector<16xf32>
    %swap3A_34 = vector.shape_cast %broadcast_in_dim3A_30 : vector<16xf32> to vector<16xf32>
    tpu.vector_store %arg5[%swap3A_31], %swap3A_34 {strides = array<i32>} : memref<128xf32, #tpu.memory_space<vmem>>, vector<16xf32>,
    %broadcast_in_dim3A_35 = arith.constant 1.000000e+00 : f32
    %broadcast_in_dim3A_36 = vector.broadcast %broadcast_in_dim3A_35 : f32 to vector<16xf32>
    %swap3A_37 = arith.constant 96 : index
    %swap3A_38 = tpu.vector_load %arg5[%swap3A_37] {strides = array<i32>} : memref<128xf32, #tpu.memory_space<vmem>>, vector<16xf32>,
    %swap3A_39 = vector.shape_cast %swap3A_38 : vector<16xf32> to vector<16xf32>
    %swap3A_40 = vector.shape_cast %broadcast_in_dim3A_36 : vector<16xf32> to vector<16xf32>
    tpu.vector_store %arg5[%swap3A_37], %swap3A_40 {strides = array<i32>} : memref<128xf32, #tpu.memory_space<vmem>>, vector<16xf32>,
    %broadcast_in_dim3A_41 = arith.constant 1.000000e+00 : f32
    %broadcast_in_dim3A_42 = vector.broadcast %broadcast_in_dim3A_41 : f32 to vector<16xf32>
    %swap3A_43 = arith.constant 112 : index
    %swap3A_44 = tpu.vector_load %arg5[%swap3A_43] {strides = array<i32>} : memref<128xf32, #tpu.memory_space<vmem>>, vector<16xf32>,
    %swap3A_45 = vector.shape_cast %swap3A_44 : vector<16xf32> to vector<16xf32>
    %swap3A_46 = vector.shape_cast %broadcast_in_dim3A_42 : vector<16xf32> to vector<16xf32>
    tpu.vector_store %arg5[%swap3A_43], %swap3A_46 {strides = array<i32>} : memref<128xf32, #tpu.memory_space<vmem>>, vector<16xf32>,
    %scan3A = arith.constant 0 : i32
    %scan3A_47 = arith.constant 200 : i32
    %scan3A_48 = arith.addi %scan3A, %scan3A_47 : i32
    %scan3A_49 = arith.constant 1 : i32
    scf.for %scan3A_83 = %scan3A to %scan3A_48 step %scan3A_49  : i32 {
      %mul3A_84 = arith.constant 16 : i32
      %mul3A_85 = arith.muli %scan3A_83, %mul3A_84 : i32
      %add3A_86 = arith.constant 0 : i32
      %add3A_87 = arith.addi %add3A_86, %mul3A_85 : i32
      %broadcast_in_dim3A_88 = arith.constant 0.000000e+00 : f32
      %broadcast_in_dim3A_89 = vector.broadcast %broadcast_in_dim3A_88 : f32 to vector<16xf32>
      %swap3A_90 = arith.index_cast %add3A_87 : i32 to index
      %swap3A_91 = tpu.vector_load %arg6[%swap3A_90] {strides = array<i32>} : memref<3200xf32, #tpu.memory_space<vmem>>, vector<16xf32>,
      %swap3A_92 = vector.shape_cast %swap3A_91 : vector<16xf32> to vector<16xf32>
      %swap3A_93 = vector.shape_cast %broadcast_in_dim3A_89 : vector<16xf32> to vector<16xf32>
      tpu.vector_store %arg6[%swap3A_90], %swap3A_93 {strides = array<i32>} : memref<3200xf32, #tpu.memory_space<vmem>>, vector<16xf32>,
    }
    %scan3A_50 = arith.constant 200 : i32
    %mul3A_51 = arith.constant 3200 : i32
    %mul3A_52 = arith.muli %arg1, %mul3A_51 : i32
    "tpu.region"() ({
      %run_scoped3A = tpu.sem_alloc : memref<!tpu.dma_semaphore, #tpu.memory_space<semaphore_mem>>
      %dma_start3A = tpu.memref_slice %arg7[%mul3A_52] : memref<51200xf32, #tpu.memory_space<vmem_shared>> -> memref<3200xf32, #tpu.memory_space<vmem_shared>>
      %dma_start3A_83 = tpu.memref_slice %arg7[%mul3A_52] : memref<51200xf32, #tpu.memory_space<vmem_shared>> -> memref<3200xf32, #tpu.memory_space<vmem_shared>>
      tpu.enqueue_dma source(%arg6 : memref<3200xf32, #tpu.memory_space<vmem>>) target(%dma_start3A_83 : memref<3200xf32, #tpu.memory_space<vmem_shared>>) target_semaphore(%run_scoped3A : memref<!tpu.dma_semaphore, #tpu.memory_space<semaphore_mem>>)
      %dma_wait3A = tpu.memref_slice %arg7[%mul3A_52] : memref<51200xf32, #tpu.memory_space<vmem_shared>> -> memref<3200xf32, #tpu.memory_space<vmem_shared>>
      %dma_wait3A_84 = tpu.memref_slice %arg7[%mul3A_52] : memref<51200xf32, #tpu.memory_space<vmem_shared>> -> memref<3200xf32, #tpu.memory_space<vmem_shared>>
      tpu.wait_dma2 semaphore(%run_scoped3A : memref<!tpu.dma_semaphore, #tpu.memory_space<semaphore_mem>>) src(%arg6 : memref<3200xf32, #tpu.memory_space<vmem>>) dst(%dma_wait3A_84 : memref<3200xf32, #tpu.memory_space<vmem_shared>>)
      tpu.yield
    }) : () -> ()
    %barrier3A = arith.constant 0 : index
    tpu.barrier barrier_id(%barrier3A)
    %eq3A = arith.constant 0 : i32
    %eq3A_53 = arith.cmpi eq, %arg0, %eq3A : i32
    %mul3A_54 = arith.constant 448 : i32
    %mul3A_55 = arith.muli %arg1, %mul3A_54 : i32
    %mul3A_56 = arith.constant 336 : i32
    %mul3A_57 = arith.muli %arg1, %mul3A_56 : i32
    %add3A_58 = arith.constant 7168 : i32
    %add3A_59 = arith.addi %add3A_58, %mul3A_57 : i32
    %select_n3A = arith.select %eq3A_53, %mul3A_55, %add3A_59 : i32
    %eq3A_60 = arith.constant 0 : i32
    %eq3A_61 = arith.cmpi eq, %arg0, %eq3A_60 : i32
    %jit3A = arith.constant 32 : i32
    %jit3A_62 = arith.constant 24 : i32
    %select_n3A_63 = arith.select %eq3A_61, %jit3A, %jit3A_62 : i32
    %sub3A = arith.constant 0 : i32
    %sub3A_64 = arith.subi %select_n3A_63, %sub3A : i32
    %sub3A_65 = arith.constant 1 : i32
    %sub3A_66 = arith.constant 1 : i32
    %sub3A_67 = arith.subi %sub3A_65, %sub3A_66 : i32
    %add3A_68 = arith.addi %sub3A_64, %sub3A_67 : i32
    %div3A = arith.constant 1 : i32
    %div3A_69 = arith.divsi %add3A_68, %div3A : i32
    %while3A = arith.constant 1 : i32
    %while3A_70 = arith.constant 0 : i32
    %while3A_71 = arith.constant 0 : i32
    %while3A_72 = arith.subi %div3A_69, %while3A_71 : i32
    %while3A_73 = arith.addi %while3A_71, %while3A_72 : i32
    %while3A_74 = arith.constant 1 : i32
    %while3A_75 = arith.divsi %while3A_72, %while3A_74 : i32
    %while3A_76 = arith.muli %while3A_75, %while3A_74 : i32
    %while3A_77 = arith.addi %while3A_71, %while3A_76 : i32
    %while3A_78 = arith.constant 1 : i32
    scf.for %while3A_83 = %while3A_71 to %while3A_77 step %while3A_78  : i32 {
      %mul3A_84 = arith.muli %while3A_83, %while3A : i32
      %add3A_85 = arith.addi %while3A_70, %mul3A_84 : i32
      %mul3A_86 = arith.constant 14 : i32
      %mul3A_87 = arith.muli %add3A_85, %mul3A_86 : i32
      %add3A_88 = arith.addi %select_n3A, %mul3A_87 : i32
      "tpu.region"() ({
        %run_scoped3A = tpu.sem_alloc : memref<!tpu.dma_semaphore, #tpu.memory_space<semaphore_mem>>
        %dma_start3A = arith.constant 0 : i32
        %dma_start3A_99 = tpu.memref_slice %arg2[%add3A_88, %dma_start3A] : memref<12544x128xi32, #tpu.memory_space<hbm>> -> memref<14x128xi32, #tpu.memory_space<hbm>>
        %dma_start3A_100 = arith.constant 0 : i32
        %dma_start3A_101 = tpu.memref_slice %arg2[%add3A_88, %dma_start3A_100] : memref<12544x128xi32, #tpu.memory_space<hbm>> -> memref<14x128xi32, #tpu.memory_space<hbm>>
        tpu.enqueue_dma source(%dma_start3A_101 : memref<14x128xi32, #tpu.memory_space<hbm>>) target(%arg4 : memref<14x128xi32, #tpu.memory_space<vmem>>) target_semaphore(%run_scoped3A : memref<!tpu.dma_semaphore, #tpu.memory_space<semaphore_mem>>)
        %dma_wait3A = arith.constant 0 : i32
        %dma_wait3A_102 = tpu.memref_slice %arg2[%add3A_88, %dma_wait3A] : memref<12544x128xi32, #tpu.memory_space<hbm>> -> memref<14x128xi32, #tpu.memory_space<hbm>>
        %dma_wait3A_103 = arith.constant 0 : i32
        %dma_wait3A_104 = tpu.memref_slice %arg2[%add3A_88, %dma_wait3A_103] : memref<12544x128xi32, #tpu.memory_space<hbm>> -> memref<14x128xi32, #tpu.memory_space<hbm>>
        tpu.wait_dma2 semaphore(%run_scoped3A : memref<!tpu.dma_semaphore, #tpu.memory_space<semaphore_mem>>) src(%dma_wait3A_104 : memref<14x128xi32, #tpu.memory_space<hbm>>) dst(%arg4 : memref<14x128xi32, #tpu.memory_space<vmem>>)
        tpu.yield
      }) : () -> ()
      %scan3A_89 = arith.constant 0 : i32
      %scan3A_90 = arith.constant 14 : i32
      %scan3A_91 = arith.addi %scan3A_89, %scan3A_90 : i32
      %scan3A_92 = arith.constant 1 : i32
      scf.for %scan3A_99 = %scan3A_89 to %scan3A_91 step %scan3A_92  : i32 {
        %mul3A_100 = arith.constant 1 : i32
        %mul3A_101 = arith.muli %scan3A_99, %mul3A_100 : i32
        %add3A_102 = arith.constant 0 : i32
        %add3A_103 = arith.addi %add3A_102, %mul3A_101 : i32
        %dma_start3A = arith.constant 0 : i32
        %dma_start3A_104 = tpu.memref_slice %arg4[%add3A_103, %dma_start3A] : memref<14x128xi32, #tpu.memory_space<vmem>> -> memref<1x128xi32, #tpu.memory_space<vmem>>
        %dma_start3A_105 = tpu.memref_squeeze %dma_start3A_104 : memref<1x128xi32, #tpu.memory_space<vmem>> -> memref<128xi32, #tpu.memory_space<vmem>>
        %dma_start3A_106 = arith.constant 0 : i32
        %dma_start3A_107 = tpu.memref_slice %arg7[%dma_start3A_106] : memref<51200xf32, #tpu.memory_space<vmem_shared>> -> memref<51200xf32, #tpu.memory_space<vmem_shared>>
        tpu.enqueue_indirect_dma source(%arg5 : memref<128xf32, #tpu.memory_space<vmem>>) target(%dma_start3A_107 : memref<51200xf32, #tpu.memory_space<vmem_shared>>) offsets(%dma_start3A_105 : memref<128xi32, #tpu.memory_space<vmem>>) semaphore(%arg8 : memref<!tpu.dma_semaphore, #tpu.memory_space<semaphore_mem>>) {add = true}
      }
      %scan3A_93 = arith.constant 14 : i32
      %scan3A_94 = arith.constant 0 : i32
      %scan3A_95 = arith.constant 14 : i32
      %scan3A_96 = arith.addi %scan3A_94, %scan3A_95 : i32
      %scan3A_97 = arith.constant 1 : i32
      scf.for %scan3A_99 = %scan3A_94 to %scan3A_96 step %scan3A_97  : i32 {
        %mul3A_100 = arith.constant 1 : i32
        %mul3A_101 = arith.muli %scan3A_99, %mul3A_100 : i32
        %add3A_102 = arith.constant 0 : i32
        %add3A_103 = arith.addi %add3A_102, %mul3A_101 : i32
        %dma_wait3A = arith.constant 0 : i32
        %dma_wait3A_104 = tpu.memref_slice %arg4[%add3A_103, %dma_wait3A] : memref<14x128xi32, #tpu.memory_space<vmem>> -> memref<1x128xi32, #tpu.memory_space<vmem>>
        %dma_wait3A_105 = tpu.memref_squeeze %dma_wait3A_104 : memref<1x128xi32, #tpu.memory_space<vmem>> -> memref<128xi32, #tpu.memory_space<vmem>>
        %dma_wait3A_106 = arith.constant 0 : i32
        %dma_wait3A_107 = tpu.memref_slice %arg7[%dma_wait3A_106] : memref<51200xf32, #tpu.memory_space<vmem_shared>> -> memref<51200xf32, #tpu.memory_space<vmem_shared>>
        tpu.wait_indirect_dma semaphore(%arg8 : memref<!tpu.dma_semaphore, #tpu.memory_space<semaphore_mem>>) src(%arg5 : memref<128xf32, #tpu.memory_space<vmem>>) dst(%dma_wait3A_107 : memref<51200xf32, #tpu.memory_space<vmem_shared>>)
      }
      %scan3A_98 = arith.constant 14 : i32
    }
    %while3A_79 = arith.constant 1 : i32
    scf.for %while3A_83 = %while3A_77 to %while3A_73 step %while3A_79  : i32 {
      %mul3A_84 = arith.muli %while3A_83, %while3A : i32
      %add3A_85 = arith.addi %while3A_70, %mul3A_84 : i32
      %mul3A_86 = arith.constant 14 : i32
      %mul3A_87 = arith.muli %add3A_85, %mul3A_86 : i32
      %add3A_88 = arith.addi %select_n3A, %mul3A_87 : i32
      "tpu.region"() ({
        %run_scoped3A = tpu.sem_alloc : memref<!tpu.dma_semaphore, #tpu.memory_space<semaphore_mem>>
        %dma_start3A = arith.constant 0 : i32
        %dma_start3A_99 = tpu.memref_slice %arg2[%add3A_88, %dma_start3A] : memref<12544x128xi32, #tpu.memory_space<hbm>> -> memref<14x128xi32, #tpu.memory_space<hbm>>
        %dma_start3A_100 = arith.constant 0 : i32
        %dma_start3A_101 = tpu.memref_slice %arg2[%add3A_88, %dma_start3A_100] : memref<12544x128xi32, #tpu.memory_space<hbm>> -> memref<14x128xi32, #tpu.memory_space<hbm>>
        tpu.enqueue_dma source(%dma_start3A_101 : memref<14x128xi32, #tpu.memory_space<hbm>>) target(%arg4 : memref<14x128xi32, #tpu.memory_space<vmem>>) target_semaphore(%run_scoped3A : memref<!tpu.dma_semaphore, #tpu.memory_space<semaphore_mem>>)
        %dma_wait3A = arith.constant 0 : i32
        %dma_wait3A_102 = tpu.memref_slice %arg2[%add3A_88, %dma_wait3A] : memref<12544x128xi32, #tpu.memory_space<hbm>> -> memref<14x128xi32, #tpu.memory_space<hbm>>
        %dma_wait3A_103 = arith.constant 0 : i32
        %dma_wait3A_104 = tpu.memref_slice %arg2[%add3A_88, %dma_wait3A_103] : memref<12544x128xi32, #tpu.memory_space<hbm>> -> memref<14x128xi32, #tpu.memory_space<hbm>>
        tpu.wait_dma2 semaphore(%run_scoped3A : memref<!tpu.dma_semaphore, #tpu.memory_space<semaphore_mem>>) src(%dma_wait3A_104 : memref<14x128xi32, #tpu.memory_space<hbm>>) dst(%arg4 : memref<14x128xi32, #tpu.memory_space<vmem>>)
        tpu.yield
      }) : () -> ()
      %scan3A_89 = arith.constant 0 : i32
      %scan3A_90 = arith.constant 14 : i32
      %scan3A_91 = arith.addi %scan3A_89, %scan3A_90 : i32
      %scan3A_92 = arith.constant 1 : i32
      scf.for %scan3A_99 = %scan3A_89 to %scan3A_91 step %scan3A_92  : i32 {
        %mul3A_100 = arith.constant 1 : i32
        %mul3A_101 = arith.muli %scan3A_99, %mul3A_100 : i32
        %add3A_102 = arith.constant 0 : i32
        %add3A_103 = arith.addi %add3A_102, %mul3A_101 : i32
        %dma_start3A = arith.constant 0 : i32
        %dma_start3A_104 = tpu.memref_slice %arg4[%add3A_103, %dma_start3A] : memref<14x128xi32, #tpu.memory_space<vmem>> -> memref<1x128xi32, #tpu.memory_space<vmem>>
        %dma_start3A_105 = tpu.memref_squeeze %dma_start3A_104 : memref<1x128xi32, #tpu.memory_space<vmem>> -> memref<128xi32, #tpu.memory_space<vmem>>
        %dma_start3A_106 = arith.constant 0 : i32
        %dma_start3A_107 = tpu.memref_slice %arg7[%dma_start3A_106] : memref<51200xf32, #tpu.memory_space<vmem_shared>> -> memref<51200xf32, #tpu.memory_space<vmem_shared>>
        tpu.enqueue_indirect_dma source(%arg5 : memref<128xf32, #tpu.memory_space<vmem>>) target(%dma_start3A_107 : memref<51200xf32, #tpu.memory_space<vmem_shared>>) offsets(%dma_start3A_105 : memref<128xi32, #tpu.memory_space<vmem>>) semaphore(%arg8 : memref<!tpu.dma_semaphore, #tpu.memory_space<semaphore_mem>>) {add = true}
      }
      %scan3A_93 = arith.constant 14 : i32
      %scan3A_94 = arith.constant 0 : i32
      %scan3A_95 = arith.constant 14 : i32
      %scan3A_96 = arith.addi %scan3A_94, %scan3A_95 : i32
      %scan3A_97 = arith.constant 1 : i32
      scf.for %scan3A_99 = %scan3A_94 to %scan3A_96 step %scan3A_97  : i32 {
        %mul3A_100 = arith.constant 1 : i32
        %mul3A_101 = arith.muli %scan3A_99, %mul3A_100 : i32
        %add3A_102 = arith.constant 0 : i32
        %add3A_103 = arith.addi %add3A_102, %mul3A_101 : i32
        %dma_wait3A = arith.constant 0 : i32
        %dma_wait3A_104 = tpu.memref_slice %arg4[%add3A_103, %dma_wait3A] : memref<14x128xi32, #tpu.memory_space<vmem>> -> memref<1x128xi32, #tpu.memory_space<vmem>>
        %dma_wait3A_105 = tpu.memref_squeeze %dma_wait3A_104 : memref<1x128xi32, #tpu.memory_space<vmem>> -> memref<128xi32, #tpu.memory_space<vmem>>
        %dma_wait3A_106 = arith.constant 0 : i32
        %dma_wait3A_107 = tpu.memref_slice %arg7[%dma_wait3A_106] : memref<51200xf32, #tpu.memory_space<vmem_shared>> -> memref<51200xf32, #tpu.memory_space<vmem_shared>>
        tpu.wait_indirect_dma semaphore(%arg8 : memref<!tpu.dma_semaphore, #tpu.memory_space<semaphore_mem>>) src(%arg5 : memref<128xf32, #tpu.memory_space<vmem>>) dst(%dma_wait3A_107 : memref<51200xf32, #tpu.memory_space<vmem_shared>>)
      }
      %scan3A_98 = arith.constant 14 : i32
    }
    %barrier3A_80 = arith.constant 0 : index
    tpu.barrier barrier_id(%barrier3A_80)
    %mul3A_81 = arith.constant 3200 : i32
    %mul3A_82 = arith.muli %arg1, %mul3A_81 : i32
    "tpu.region"() ({
      %run_scoped3A = tpu.sem_alloc : memref<!tpu.dma_semaphore, #tpu.memory_space<semaphore_mem>>
      %dma_start3A = tpu.memref_slice %arg7[%mul3A_82] : memref<51200xf32, #tpu.memory_space<vmem_shared>> -> memref<3200xf32, #tpu.memory_space<vmem_shared>>
      %dma_start3A_83 = tpu.memref_slice %arg7[%mul3A_82] : memref<51200xf32, #tpu.memory_space<vmem_shared>> -> memref<3200xf32, #tpu.memory_space<vmem_shared>>
      tpu.enqueue_dma source(%dma_start3A_83 : memref<3200xf32, #tpu.memory_space<vmem_shared>>) target(%arg6 : memref<3200xf32, #tpu.memory_space<vmem>>) target_semaphore(%run_scoped3A : memref<!tpu.dma_semaphore, #tpu.memory_space<semaphore_mem>>)
      %dma_wait3A = tpu.memref_slice %arg7[%mul3A_82] : memref<51200xf32, #tpu.memory_space<vmem_shared>> -> memref<3200xf32, #tpu.memory_space<vmem_shared>>
      %dma_wait3A_84 = tpu.memref_slice %arg7[%mul3A_82] : memref<51200xf32, #tpu.memory_space<vmem_shared>> -> memref<3200xf32, #tpu.memory_space<vmem_shared>>
      tpu.wait_dma2 semaphore(%run_scoped3A : memref<!tpu.dma_semaphore, #tpu.memory_space<semaphore_mem>>) src(%dma_wait3A_84 : memref<3200xf32, #tpu.memory_space<vmem_shared>>) dst(%arg6 : memref<3200xf32, #tpu.memory_space<vmem>>)
      tpu.yield
    }) : () -> ()
    "tpu.region"() ({
      %run_scoped3A = tpu.sem_alloc : memref<!tpu.dma_semaphore, #tpu.memory_space<semaphore_mem>>
      %dma_start3A = arith.constant 0 : i32
      %dma_start3A_83 = arith.constant 0 : i32
      %dma_start3A_84 = tpu.memref_slice %arg3[%arg0, %dma_start3A, %dma_start3A_83] : memref<2x16x3200xf32, #tpu.memory_space<hbm>> -> memref<1x16x3200xf32, #tpu.memory_space<hbm>>
      %dma_start3A_85 = tpu.memref_squeeze %dma_start3A_84 : memref<1x16x3200xf32, #tpu.memory_space<hbm>> -> memref<16x3200xf32, #tpu.memory_space<hbm>>
      %dma_start3A_86 = arith.constant 0 : i32
      %dma_start3A_87 = tpu.memref_slice %dma_start3A_85[%arg1, %dma_start3A_86] : memref<16x3200xf32, #tpu.memory_space<hbm>> -> memref<1x3200xf32, #tpu.memory_space<hbm>>
      %dma_start3A_88 = tpu.memref_squeeze %dma_start3A_87 : memref<1x3200xf32, #tpu.memory_space<hbm>> -> memref<3200xf32, #tpu.memory_space<hbm>>
      %dma_start3A_89 = arith.constant 0 : i32
      %dma_start3A_90 = arith.constant 0 : i32
      %dma_start3A_91 = tpu.memref_slice %arg3[%arg0, %dma_start3A_89, %dma_start3A_90] : memref<2x16x3200xf32, #tpu.memory_space<hbm>> -> memref<1x16x3200xf32, #tpu.memory_space<hbm>>
      %dma_start3A_92 = tpu.memref_squeeze %dma_start3A_91 : memref<1x16x3200xf32, #tpu.memory_space<hbm>> -> memref<16x3200xf32, #tpu.memory_space<hbm>>
      %dma_start3A_93 = arith.constant 0 : i32
      %dma_start3A_94 = tpu.memref_slice %dma_start3A_92[%arg1, %dma_start3A_93] : memref<16x3200xf32, #tpu.memory_space<hbm>> -> memref<1x3200xf32, #tpu.memory_space<hbm>>
      %dma_start3A_95 = tpu.memref_squeeze %dma_start3A_94 : memref<1x3200xf32, #tpu.memory_space<hbm>> -> memref<3200xf32, #tpu.memory_space<hbm>>
      tpu.enqueue_dma source(%arg6 : memref<3200xf32, #tpu.memory_space<vmem>>) target(%dma_start3A_95 : memref<3200xf32, #tpu.memory_space<hbm>>) target_semaphore(%run_scoped3A : memref<!tpu.dma_semaphore, #tpu.memory_space<semaphore_mem>>)
      %dma_wait3A = arith.constant 0 : i32
      %dma_wait3A_96 = arith.constant 0 : i32
      %dma_wait3A_97 = tpu.memref_slice %arg3[%arg0, %dma_wait3A, %dma_wait3A_96] : memref<2x16x3200xf32, #tpu.memory_space<hbm>> -> memref<1x16x3200xf32, #tpu.memory_space<hbm>>
      %dma_wait3A_98 = tpu.memref_squeeze %dma_wait3A_97 : memref<1x16x3200xf32, #tpu.memory_space<hbm>> -> memref<16x3200xf32, #tpu.memory_space<hbm>>
      %dma_wait3A_99 = arith.constant 0 : i32
      %dma_wait3A_100 = tpu.memref_slice %dma_wait3A_98[%arg1, %dma_wait3A_99] : memref<16x3200xf32, #tpu.memory_space<hbm>> -> memref<1x3200xf32, #tpu.memory_space<hbm>>
      %dma_wait3A_101 = tpu.memref_squeeze %dma_wait3A_100 : memref<1x3200xf32, #tpu.memory_space<hbm>> -> memref<3200xf32, #tpu.memory_space<hbm>>
      %dma_wait3A_102 = arith.constant 0 : i32
      %dma_wait3A_103 = arith.constant 0 : i32
      %dma_wait3A_104 = tpu.memref_slice %arg3[%arg0, %dma_wait3A_102, %dma_wait3A_103] : memref<2x16x3200xf32, #tpu.memory_space<hbm>> -> memref<1x16x3200xf32, #tpu.memory_space<hbm>>
      %dma_wait3A_105 = tpu.memref_squeeze %dma_wait3A_104 : memref<1x16x3200xf32, #tpu.memory_space<hbm>> -> memref<16x3200xf32, #tpu.memory_space<hbm>>
      %dma_wait3A_106 = arith.constant 0 : i32
      %dma_wait3A_107 = tpu.memref_slice %dma_wait3A_105[%arg1, %dma_wait3A_106] : memref<16x3200xf32, #tpu.memory_space<hbm>> -> memref<1x3200xf32, #tpu.memory_space<hbm>>
      %dma_wait3A_108 = tpu.memref_squeeze %dma_wait3A_107 : memref<1x3200xf32, #tpu.memory_space<hbm>> -> memref<3200xf32, #tpu.memory_space<hbm>>
      tpu.wait_dma2 semaphore(%run_scoped3A : memref<!tpu.dma_semaphore, #tpu.memory_space<semaphore_mem>>) src(%arg6 : memref<3200xf32, #tpu.memory_space<vmem>>) dst(%dma_wait3A_108 : memref<3200xf32, #tpu.memory_space<hbm>>)
      tpu.yield
    }) : () -> ()
    return
  }
}

module attributes {stable_mosaic.version = 14 : i64} {
  func.func @_prep_body(%arg0: i32, %arg1: memref<512x2xf32, #tpu.memory_space<vmem>>, %arg2: memref<512x12x16xf32, #tpu.memory_space<vmem>>, %arg3: memref<512x1xf32, #tpu.memory_space<vmem>>, %arg4: memref<512x12x16xf32, #tpu.memory_space<vmem>>) attributes {dimension_semantics = [#tpu.dimension_semantics<arbitrary>], iteration_bounds = array<i64: 98>, scalar_prefetch = 0 : i64, scratch_operands = 0 : i64, tpu.core_type = #tpu.core_type<tc>, window_params = [{transform_indices = @transform_0, window_bounds = array<i64: 512, 2>}, {transform_indices = @transform_1, window_bounds = array<i64: 512, 12, 16>}, {transform_indices = @transform_2, window_bounds = array<i64: 512, 1>}, {transform_indices = @transform_3, window_bounds = array<i64: 512, 12, 16>}]} {
    %get3A = arith.constant 0 : index
    %get3A_0 = arith.constant 0 : index
    %get3A_1 = vector.load %arg1[%get3A, %get3A_0] : memref<512x2xf32, #tpu.memory_space<vmem>>, vector<512x1xf32>
    %get3A_2 = vector.shape_cast %get3A_1 : vector<512x1xf32> to vector<512xf32>
    %get3A_3 = arith.constant 0 : index
    %get3A_4 = arith.constant 1 : index
    %get3A_5 = vector.load %arg1[%get3A_3, %get3A_4] : memref<512x2xf32, #tpu.memory_space<vmem>>, vector<512x1xf32>
    %get3A_6 = vector.shape_cast %get3A_5 : vector<512x1xf32> to vector<512xf32>
    %add3A = arith.addf %get3A_2, %get3A_6 : vector<512xf32>
    %add3A_7 = arith.constant 1.000000e+00 : f32
    %add3A_8 = vector.broadcast %add3A_7 : f32 to vector<512xf32>
    %add3A_9 = arith.addf %add3A, %add3A_8 : vector<512xf32>
    %rsqrt3A = math.rsqrt %add3A_9 : vector<512xf32>
    %broadcast_in_dim3A = vector.shape_cast %rsqrt3A : vector<512xf32> to vector<512x1xf32>
    %swap3A = arith.constant 0 : index
    %swap3A_10 = arith.constant 0 : index
    %swap3A_11 = vector.load %arg3[%swap3A, %swap3A_10] : memref<512x1xf32, #tpu.memory_space<vmem>>, vector<512x1xf32>
    tpu.vector_store %arg3[%swap3A, %swap3A_10], %broadcast_in_dim3A {strides = array<i32>} : memref<512x1xf32, #tpu.memory_space<vmem>>, vector<512x1xf32>,
    %get3A_12 = arith.constant 0 : index
    %get3A_13 = arith.constant 0 : index
    %get3A_14 = arith.constant 0 : index
    %get3A_15 = vector.load %arg2[%get3A_12, %get3A_13, %get3A_14] : memref<512x12x16xf32, #tpu.memory_space<vmem>>, vector<512x12x16xf32>
    %broadcast_in_dim3A_16 = vector.shape_cast %broadcast_in_dim3A : vector<512x1xf32> to vector<512x1x1xf32>
    %mul3A = vector.broadcast %broadcast_in_dim3A_16 : vector<512x1x1xf32> to vector<512x12x16xf32>
    %mul3A_17 = arith.mulf %get3A_15, %mul3A : vector<512x12x16xf32>
    %swap3A_18 = arith.constant 0 : index
    %swap3A_19 = arith.constant 0 : index
    %swap3A_20 = arith.constant 0 : index
    %swap3A_21 = vector.load %arg4[%swap3A_18, %swap3A_19, %swap3A_20] : memref<512x12x16xf32, #tpu.memory_space<vmem>>, vector<512x12x16xf32>
    tpu.vector_store %arg4[%swap3A_18, %swap3A_19, %swap3A_20], %mul3A_17 {strides = array<i32>} : memref<512x12x16xf32, #tpu.memory_space<vmem>>, vector<512x12x16xf32>,
    return
  }
  func.func @transform_0(%arg0: i32) -> (i32, i32) {
    %c0_i32 = arith.constant 0 : i32
    %c0_i32_0 = arith.constant 0 : i32
    return %arg0, %c0_i32 : i32, i32
  }
  func.func @transform_1(%arg0: i32) -> (i32, i32, i32) {
    %c0_i32 = arith.constant 0 : i32
    %c0_i32_0 = arith.constant 0 : i32
    %c0_i32_1 = arith.constant 0 : i32
    return %arg0, %c0_i32, %c0_i32_0 : i32, i32, i32
  }
  func.func @transform_2(%arg0: i32) -> (i32, i32) {
    %c0_i32 = arith.constant 0 : i32
    %c0_i32_0 = arith.constant 0 : i32
    return %arg0, %c0_i32 : i32, i32
  }
  func.func @transform_3(%arg0: i32) -> (i32, i32, i32) {
    %c0_i32 = arith.constant 0 : i32
    %c0_i32_0 = arith.constant 0 : i32
    %c0_i32_1 = arith.constant 0 : i32
    return %arg0, %c0_i32, %c0_i32_0 : i32, i32, i32
  }
}

module attributes {stable_mosaic.version = 14 : i64} {
  func.func @_gru_body(%arg0: i32, %arg1: memref<12x2x400x16xf32, #tpu.memory_space<vmem>>, %arg2: memref<400x12x16xf32, #tpu.memory_space<vmem>>, %arg3: memref<400x1xf32, #tpu.memory_space<vmem>>, %arg4: memref<16x32xf32, #tpu.memory_space<vmem>>, %arg5: memref<1x32xf32, #tpu.memory_space<vmem>>, %arg6: memref<32x96xf32, #tpu.memory_space<vmem>>, %arg7: memref<1x96xf32, #tpu.memory_space<vmem>>, %arg8: memref<32x96xf32, #tpu.memory_space<vmem>>, %arg9: memref<1x96xf32, #tpu.memory_space<vmem>>, %arg10: memref<32x1xf32, #tpu.memory_space<vmem>>, %arg11: memref<1x1xf32, #tpu.memory_space<vmem>>, %arg12: memref<400x1xf32, #tpu.memory_space<vmem>>) attributes {dimension_semantics = [#tpu.dimension_semantics<arbitrary>], iteration_bounds = array<i64: 125>, scalar_prefetch = 0 : i64, scratch_operands = 0 : i64, tpu.core_type = #tpu.core_type<tc>, window_params = [{transform_indices = @transform_0, window_bounds = array<i64: 12, 2, 400, 16>}, {transform_indices = @transform_1, window_bounds = array<i64: 400, 12, 16>}, {transform_indices = @transform_2, window_bounds = array<i64: 400, 1>}, {pipeline_mode = #tpu.pipeline_mode<synchronous>, transform_indices = @transform_3, window_bounds = array<i64: 16, 32>}, {pipeline_mode = #tpu.pipeline_mode<synchronous>, transform_indices = @transform_4, window_bounds = array<i64: 1, 32>}, {pipeline_mode = #tpu.pipeline_mode<synchronous>, transform_indices = @transform_5, window_bounds = array<i64: 32, 96>}, {pipeline_mode = #tpu.pipeline_mode<synchronous>, transform_indices = @transform_6, window_bounds = array<i64: 1, 96>}, {pipeline_mode = #tpu.pipeline_mode<synchronous>, transform_indices = @transform_7, window_bounds = array<i64: 32, 96>}, {pipeline_mode = #tpu.pipeline_mode<synchronous>, transform_indices = @transform_8, window_bounds = array<i64: 1, 96>}, {pipeline_mode = #tpu.pipeline_mode<synchronous>, transform_indices = @transform_9, window_bounds = array<i64: 32, 1>}, {pipeline_mode = #tpu.pipeline_mode<synchronous>, transform_indices = @transform_10, window_bounds = array<i64: 1, 1>}, {transform_indices = @transform_11, window_bounds = array<i64: 400, 1>}]} {
    %get3A = arith.constant 0 : index
    %get3A_0 = arith.constant 0 : index
    %get3A_1 = vector.load %arg3[%get3A, %get3A_0] : memref<400x1xf32, #tpu.memory_space<vmem>>, vector<400x1xf32>
    %get3A_2 = arith.constant 0 : index
    %get3A_3 = arith.constant 0 : index
    %get3A_4 = vector.load %arg4[%get3A_2, %get3A_3] : memref<16x32xf32, #tpu.memory_space<vmem>>, vector<16x32xf32>
    %get3A_5 = arith.constant 0 : index
    %get3A_6 = arith.constant 0 : index
    %get3A_7 = vector.load %arg5[%get3A_5, %get3A_6] : memref<1x32xf32, #tpu.memory_space<vmem>>, vector<1x32xf32>
    %get3A_8 = arith.constant 0 : index
    %get3A_9 = arith.constant 0 : index
    %get3A_10 = vector.load %arg6[%get3A_8, %get3A_9] : memref<32x96xf32, #tpu.memory_space<vmem>>, vector<32x96xf32>
    %get3A_11 = arith.constant 0 : index
    %get3A_12 = arith.constant 0 : index
    %get3A_13 = vector.load %arg7[%get3A_11, %get3A_12] : memref<1x96xf32, #tpu.memory_space<vmem>>, vector<1x96xf32>
    %get3A_14 = arith.constant 0 : index
    %get3A_15 = arith.constant 0 : index
    %get3A_16 = vector.load %arg8[%get3A_14, %get3A_15] : memref<32x96xf32, #tpu.memory_space<vmem>>, vector<32x96xf32>
    %get3A_17 = arith.constant 0 : index
    %get3A_18 = arith.constant 0 : index
    %get3A_19 = vector.load %arg9[%get3A_17, %get3A_18] : memref<1x96xf32, #tpu.memory_space<vmem>>, vector<1x96xf32>
    %broadcast_in_dim3A = arith.constant 0.000000e+00 : f32
    %broadcast_in_dim3A_20 = vector.broadcast %broadcast_in_dim3A : f32 to vector<400x32xf32>
    %get3A_21 = arith.constant 0 : index
    %get3A_22 = arith.constant 0 : index
    %get3A_23 = arith.constant 0 : index
    %get3A_24 = arith.constant 0 : index
    %get3A_25 = vector.load %arg1[%get3A_21, %get3A_22, %get3A_23, %get3A_24] : memref<12x2x400x16xf32, #tpu.memory_space<vmem>>, vector<1x1x400x16xf32>
    %get3A_26 = vector.shape_cast %get3A_25 : vector<1x1x400x16xf32> to vector<400x16xf32>
    %get3A_27 = arith.constant 0 : index
    %get3A_28 = arith.constant 1 : index
    %get3A_29 = arith.constant 0 : index
    %get3A_30 = arith.constant 0 : index
    %get3A_31 = vector.load %arg1[%get3A_27, %get3A_28, %get3A_29, %get3A_30] : memref<12x2x400x16xf32, #tpu.memory_space<vmem>>, vector<1x1x400x16xf32>
    %get3A_32 = vector.shape_cast %get3A_31 : vector<1x1x400x16xf32> to vector<400x16xf32>
    %add3A = arith.addf %get3A_26, %get3A_32 : vector<400x16xf32>
    %get3A_33 = arith.constant 0 : index
    %get3A_34 = arith.constant 0 : index
    %get3A_35 = arith.constant 0 : index
    %get3A_36 = vector.load %arg2[%get3A_33, %get3A_34, %get3A_35] : memref<400x12x16xf32, #tpu.memory_space<vmem>>, vector<400x1x16xf32>
    %get3A_37 = vector.shape_cast %get3A_36 : vector<400x1x16xf32> to vector<400x16xf32>
    %add3A_38 = arith.addf %add3A, %get3A_37 : vector<400x16xf32>
    %mul3A = vector.broadcast %get3A_1 : vector<400x1xf32> to vector<400x16xf32>
    %mul3A_39 = arith.mulf %mul3A, %add3A_38 : vector<400x16xf32>
    %dot_general3A = arith.constant dense<0.000000e+00> : vector<400x32xf32>
    %dot_general3A_40 = tpu.matmul %mul3A_39, %get3A_4, %dot_general3A {dimension_numbers = #tpu.dot_dimension_numbers<[1], [0], [0], [1], [0, 0, 1, 1], [], []>, transpose_lhs_hint = false} : vector<400x16xf32>, vector<16x32xf32>, vector<400x32xf32> -> vector<400x32xf32>
    %add3A_41 = vector.broadcast %get3A_7 : vector<1x32xf32> to vector<400x32xf32>
    %add3A_42 = arith.addf %dot_general3A_40, %add3A_41 : vector<400x32xf32>
    %max3A = arith.constant 0.000000e+00 : f32
    %max3A_43 = vector.broadcast %max3A : f32 to vector<400x32xf32>
    %max3A_44 = arith.maximumf %add3A_42, %max3A_43 : vector<400x32xf32>
    %dot_general3A_45 = arith.constant dense<0.000000e+00> : vector<400x96xf32>
    %dot_general3A_46 = tpu.matmul %max3A_44, %get3A_10, %dot_general3A_45 {dimension_numbers = #tpu.dot_dimension_numbers<[1], [0], [0], [1], [0, 0, 1, 1], [], []>, transpose_lhs_hint = false} : vector<400x32xf32>, vector<32x96xf32>, vector<400x96xf32> -> vector<400x96xf32>
    %add3A_47 = vector.broadcast %get3A_13 : vector<1x96xf32> to vector<400x96xf32>
    %add3A_48 = arith.addf %dot_general3A_46, %add3A_47 : vector<400x96xf32>
    %dot_general3A_49 = arith.constant dense<0.000000e+00> : vector<400x96xf32>
    %dot_general3A_50 = tpu.matmul %broadcast_in_dim3A_20, %get3A_16, %dot_general3A_49 {dimension_numbers = #tpu.dot_dimension_numbers<[1], [0], [0], [1], [0, 0, 1, 1], [], []>, transpose_lhs_hint = false} : vector<400x32xf32>, vector<32x96xf32>, vector<400x96xf32> -> vector<400x96xf32>
    %add3A_51 = vector.broadcast %get3A_19 : vector<1x96xf32> to vector<400x96xf32>
    %add3A_52 = arith.addf %dot_general3A_50, %add3A_51 : vector<400x96xf32>
    %slice3A = vector.extract_strided_slice %add3A_48 {offsets = [0, 0], sizes = [400, 32], strides = [1, 1]} : vector<400x96xf32> to vector<400x32xf32>
    %slice3A_53 = vector.extract_strided_slice %add3A_52 {offsets = [0, 0], sizes = [400, 32], strides = [1, 1]} : vector<400x96xf32> to vector<400x32xf32>
    %add3A_54 = arith.addf %slice3A, %slice3A_53 : vector<400x32xf32>
    %logistic3A = arith.negf %add3A_54 : vector<400x32xf32>
    %logistic3A_55 = math.exp %logistic3A : vector<400x32xf32>
    %logistic3A_56 = arith.constant 1.000000e+00 : f32
    %logistic3A_57 = vector.broadcast %logistic3A_56 : f32 to vector<400x32xf32>
    %logistic3A_58 = arith.addf %logistic3A_57, %logistic3A_55 : vector<400x32xf32>
    %logistic3A_59 = arith.divf %logistic3A_57, %logistic3A_58 : vector<400x32xf32>
    %slice3A_60 = vector.extract_strided_slice %add3A_48 {offsets = [0, 32], sizes = [400, 32], strides = [1, 1]} : vector<400x96xf32> to vector<400x32xf32>
    %slice3A_61 = vector.extract_strided_slice %add3A_52 {offsets = [0, 32], sizes = [400, 32], strides = [1, 1]} : vector<400x96xf32> to vector<400x32xf32>
    %add3A_62 = arith.addf %slice3A_60, %slice3A_61 : vector<400x32xf32>
    %logistic3A_63 = arith.negf %add3A_62 : vector<400x32xf32>
    %logistic3A_64 = math.exp %logistic3A_63 : vector<400x32xf32>
    %logistic3A_65 = arith.constant 1.000000e+00 : f32
    %logistic3A_66 = vector.broadcast %logistic3A_65 : f32 to vector<400x32xf32>
    %logistic3A_67 = arith.addf %logistic3A_66, %logistic3A_64 : vector<400x32xf32>
    %logistic3A_68 = arith.divf %logistic3A_66, %logistic3A_67 : vector<400x32xf32>
    %slice3A_69 = vector.extract_strided_slice %add3A_48 {offsets = [0, 64], sizes = [400, 32], strides = [1, 1]} : vector<400x96xf32> to vector<400x32xf32>
    %slice3A_70 = vector.extract_strided_slice %add3A_52 {offsets = [0, 64], sizes = [400, 32], strides = [1, 1]} : vector<400x96xf32> to vector<400x32xf32>
    %mul3A_71 = arith.mulf %logistic3A_59, %slice3A_70 : vector<400x32xf32>
    %add3A_72 = arith.addf %slice3A_69, %mul3A_71 : vector<400x32xf32>
    %tanh3A = math.tanh %add3A_72 : vector<400x32xf32>
    %sub3A = arith.constant 1.000000e+00 : f32
    %sub3A_73 = vector.broadcast %sub3A : f32 to vector<400x32xf32>
    %sub3A_74 = arith.subf %sub3A_73, %logistic3A_68 : vector<400x32xf32>
    %mul3A_75 = arith.mulf %sub3A_74, %tanh3A : vector<400x32xf32>
    %mul3A_76 = arith.mulf %logistic3A_68, %broadcast_in_dim3A_20 : vector<400x32xf32>
    %add3A_77 = arith.addf %mul3A_75, %mul3A_76 : vector<400x32xf32>
    %get3A_78 = arith.constant 1 : index
    %get3A_79 = arith.constant 0 : index
    %get3A_80 = arith.constant 0 : index
    %get3A_81 = arith.constant 0 : index
    %get3A_82 = vector.load %arg1[%get3A_78, %get3A_79, %get3A_80, %get3A_81] : memref<12x2x400x16xf32, #tpu.memory_space<vmem>>, vector<1x1x400x16xf32>
    %get3A_83 = vector.shape_cast %get3A_82 : vector<1x1x400x16xf32> to vector<400x16xf32>
    %get3A_84 = arith.constant 1 : index
    %get3A_85 = arith.constant 1 : index
    %get3A_86 = arith.constant 0 : index
    %get3A_87 = arith.constant 0 : index
    %get3A_88 = vector.load %arg1[%get3A_84, %get3A_85, %get3A_86, %get3A_87] : memref<12x2x400x16xf32, #tpu.memory_space<vmem>>, vector<1x1x400x16xf32>
    %get3A_89 = vector.shape_cast %get3A_88 : vector<1x1x400x16xf32> to vector<400x16xf32>
    %add3A_90 = arith.addf %get3A_83, %get3A_89 : vector<400x16xf32>
    %get3A_91 = arith.constant 0 : index
    %get3A_92 = arith.constant 1 : index
    %get3A_93 = arith.constant 0 : index
    %get3A_94 = vector.load %arg2[%get3A_91, %get3A_92, %get3A_93] : memref<400x12x16xf32, #tpu.memory_space<vmem>>, vector<400x1x16xf32>
    %get3A_95 = vector.shape_cast %get3A_94 : vector<400x1x16xf32> to vector<400x16xf32>
    %add3A_96 = arith.addf %add3A_90, %get3A_95 : vector<400x16xf32>
    %mul3A_97 = vector.broadcast %get3A_1 : vector<400x1xf32> to vector<400x16xf32>
    %mul3A_98 = arith.mulf %mul3A_97, %add3A_96 : vector<400x16xf32>
    %dot_general3A_99 = arith.constant dense<0.000000e+00> : vector<400x32xf32>
    %dot_general3A_100 = tpu.matmul %mul3A_98, %get3A_4, %dot_general3A_99 {dimension_numbers = #tpu.dot_dimension_numbers<[1], [0], [0], [1], [0, 0, 1, 1], [], []>, transpose_lhs_hint = false} : vector<400x16xf32>, vector<16x32xf32>, vector<400x32xf32> -> vector<400x32xf32>
    %add3A_101 = vector.broadcast %get3A_7 : vector<1x32xf32> to vector<400x32xf32>
    %add3A_102 = arith.addf %dot_general3A_100, %add3A_101 : vector<400x32xf32>
    %max3A_103 = arith.constant 0.000000e+00 : f32
    %max3A_104 = vector.broadcast %max3A_103 : f32 to vector<400x32xf32>
    %max3A_105 = arith.maximumf %add3A_102, %max3A_104 : vector<400x32xf32>
    %dot_general3A_106 = arith.constant dense<0.000000e+00> : vector<400x96xf32>
    %dot_general3A_107 = tpu.matmul %max3A_105, %get3A_10, %dot_general3A_106 {dimension_numbers = #tpu.dot_dimension_numbers<[1], [0], [0], [1], [0, 0, 1, 1], [], []>, transpose_lhs_hint = false} : vector<400x32xf32>, vector<32x96xf32>, vector<400x96xf32> -> vector<400x96xf32>
    %add3A_108 = vector.broadcast %get3A_13 : vector<1x96xf32> to vector<400x96xf32>
    %add3A_109 = arith.addf %dot_general3A_107, %add3A_108 : vector<400x96xf32>
    %dot_general3A_110 = arith.constant dense<0.000000e+00> : vector<400x96xf32>
    %dot_general3A_111 = tpu.matmul %add3A_77, %get3A_16, %dot_general3A_110 {dimension_numbers = #tpu.dot_dimension_numbers<[1], [0], [0], [1], [0, 0, 1, 1], [], []>, transpose_lhs_hint = false} : vector<400x32xf32>, vector<32x96xf32>, vector<400x96xf32> -> vector<400x96xf32>
    %add3A_112 = vector.broadcast %get3A_19 : vector<1x96xf32> to vector<400x96xf32>
    %add3A_113 = arith.addf %dot_general3A_111, %add3A_112 : vector<400x96xf32>
    %slice3A_114 = vector.extract_strided_slice %add3A_109 {offsets = [0, 0], sizes = [400, 32], strides = [1, 1]} : vector<400x96xf32> to vector<400x32xf32>
    %slice3A_115 = vector.extract_strided_slice %add3A_113 {offsets = [0, 0], sizes = [400, 32], strides = [1, 1]} : vector<400x96xf32> to vector<400x32xf32>
    %add3A_116 = arith.addf %slice3A_114, %slice3A_115 : vector<400x32xf32>
    %logistic3A_117 = arith.negf %add3A_116 : vector<400x32xf32>
    %logistic3A_118 = math.exp %logistic3A_117 : vector<400x32xf32>
    %logistic3A_119 = arith.constant 1.000000e+00 : f32
    %logistic3A_120 = vector.broadcast %logistic3A_119 : f32 to vector<400x32xf32>
    %logistic3A_121 = arith.addf %logistic3A_120, %logistic3A_118 : vector<400x32xf32>
    %logistic3A_122 = arith.divf %logistic3A_120, %logistic3A_121 : vector<400x32xf32>
    %slice3A_123 = vector.extract_strided_slice %add3A_109 {offsets = [0, 32], sizes = [400, 32], strides = [1, 1]} : vector<400x96xf32> to vector<400x32xf32>
    %slice3A_124 = vector.extract_strided_slice %add3A_113 {offsets = [0, 32], sizes = [400, 32], strides = [1, 1]} : vector<400x96xf32> to vector<400x32xf32>
    %add3A_125 = arith.addf %slice3A_123, %slice3A_124 : vector<400x32xf32>
    %logistic3A_126 = arith.negf %add3A_125 : vector<400x32xf32>
    %logistic3A_127 = math.exp %logistic3A_126 : vector<400x32xf32>
    %logistic3A_128 = arith.constant 1.000000e+00 : f32
    %logistic3A_129 = vector.broadcast %logistic3A_128 : f32 to vector<400x32xf32>
    %logistic3A_130 = arith.addf %logistic3A_129, %logistic3A_127 : vector<400x32xf32>
    %logistic3A_131 = arith.divf %logistic3A_129, %logistic3A_130 : vector<400x32xf32>
    %slice3A_132 = vector.extract_strided_slice %add3A_109 {offsets = [0, 64], sizes = [400, 32], strides = [1, 1]} : vector<400x96xf32> to vector<400x32xf32>
    %slice3A_133 = vector.extract_strided_slice %add3A_113 {offsets = [0, 64], sizes = [400, 32], strides = [1, 1]} : vector<400x96xf32> to vector<400x32xf32>
    %mul3A_134 = arith.mulf %logistic3A_122, %slice3A_133 : vector<400x32xf32>
    %add3A_135 = arith.addf %slice3A_132, %mul3A_134 : vector<400x32xf32>
    %tanh3A_136 = math.tanh %add3A_135 : vector<400x32xf32>
    %sub3A_137 = arith.constant 1.000000e+00 : f32
    %sub3A_138 = vector.broadcast %sub3A_137 : f32 to vector<400x32xf32>
    %sub3A_139 = arith.subf %sub3A_138, %logistic3A_131 : vector<400x32xf32>
    %mul3A_140 = arith.mulf %sub3A_139, %tanh3A_136 : vector<400x32xf32>
    %mul3A_141 = arith.mulf %logistic3A_131, %add3A_77 : vector<400x32xf32>
    %add3A_142 = arith.addf %mul3A_140, %mul3A_141 : vector<400x32xf32>
    %get3A_143 = arith.constant 2 : index
    %get3A_144 = arith.constant 0 : index
    %get3A_145 = arith.constant 0 : index
    %get3A_146 = arith.constant 0 : index
    %get3A_147 = vector.load %arg1[%get3A_143, %get3A_144, %get3A_145, %get3A_146] : memref<12x2x400x16xf32, #tpu.memory_space<vmem>>, vector<1x1x400x16xf32>
    %get3A_148 = vector.shape_cast %get3A_147 : vector<1x1x400x16xf32> to vector<400x16xf32>
    %get3A_149 = arith.constant 2 : index
    %get3A_150 = arith.constant 1 : index
    %get3A_151 = arith.constant 0 : index
    %get3A_152 = arith.constant 0 : index
    %get3A_153 = vector.load %arg1[%get3A_149, %get3A_150, %get3A_151, %get3A_152] : memref<12x2x400x16xf32, #tpu.memory_space<vmem>>, vector<1x1x400x16xf32>
    %get3A_154 = vector.shape_cast %get3A_153 : vector<1x1x400x16xf32> to vector<400x16xf32>
    %add3A_155 = arith.addf %get3A_148, %get3A_154 : vector<400x16xf32>
    %get3A_156 = arith.constant 0 : index
    %get3A_157 = arith.constant 2 : index
    %get3A_158 = arith.constant 0 : index
    %get3A_159 = vector.load %arg2[%get3A_156, %get3A_157, %get3A_158] : memref<400x12x16xf32, #tpu.memory_space<vmem>>, vector<400x1x16xf32>
    %get3A_160 = vector.shape_cast %get3A_159 : vector<400x1x16xf32> to vector<400x16xf32>
    %add3A_161 = arith.addf %add3A_155, %get3A_160 : vector<400x16xf32>
    %mul3A_162 = vector.broadcast %get3A_1 : vector<400x1xf32> to vector<400x16xf32>
    %mul3A_163 = arith.mulf %mul3A_162, %add3A_161 : vector<400x16xf32>
    %dot_general3A_164 = arith.constant dense<0.000000e+00> : vector<400x32xf32>
    %dot_general3A_165 = tpu.matmul %mul3A_163, %get3A_4, %dot_general3A_164 {dimension_numbers = #tpu.dot_dimension_numbers<[1], [0], [0], [1], [0, 0, 1, 1], [], []>, transpose_lhs_hint = false} : vector<400x16xf32>, vector<16x32xf32>, vector<400x32xf32> -> vector<400x32xf32>
    %add3A_166 = vector.broadcast %get3A_7 : vector<1x32xf32> to vector<400x32xf32>
    %add3A_167 = arith.addf %dot_general3A_165, %add3A_166 : vector<400x32xf32>
    %max3A_168 = arith.constant 0.000000e+00 : f32
    %max3A_169 = vector.broadcast %max3A_168 : f32 to vector<400x32xf32>
    %max3A_170 = arith.maximumf %add3A_167, %max3A_169 : vector<400x32xf32>
    %dot_general3A_171 = arith.constant dense<0.000000e+00> : vector<400x96xf32>
    %dot_general3A_172 = tpu.matmul %max3A_170, %get3A_10, %dot_general3A_171 {dimension_numbers = #tpu.dot_dimension_numbers<[1], [0], [0], [1], [0, 0, 1, 1], [], []>, transpose_lhs_hint = false} : vector<400x32xf32>, vector<32x96xf32>, vector<400x96xf32> -> vector<400x96xf32>
    %add3A_173 = vector.broadcast %get3A_13 : vector<1x96xf32> to vector<400x96xf32>
    %add3A_174 = arith.addf %dot_general3A_172, %add3A_173 : vector<400x96xf32>
    %dot_general3A_175 = arith.constant dense<0.000000e+00> : vector<400x96xf32>
    %dot_general3A_176 = tpu.matmul %add3A_142, %get3A_16, %dot_general3A_175 {dimension_numbers = #tpu.dot_dimension_numbers<[1], [0], [0], [1], [0, 0, 1, 1], [], []>, transpose_lhs_hint = false} : vector<400x32xf32>, vector<32x96xf32>, vector<400x96xf32> -> vector<400x96xf32>
    %add3A_177 = vector.broadcast %get3A_19 : vector<1x96xf32> to vector<400x96xf32>
    %add3A_178 = arith.addf %dot_general3A_176, %add3A_177 : vector<400x96xf32>
    %slice3A_179 = vector.extract_strided_slice %add3A_174 {offsets = [0, 0], sizes = [400, 32], strides = [1, 1]} : vector<400x96xf32> to vector<400x32xf32>
    %slice3A_180 = vector.extract_strided_slice %add3A_178 {offsets = [0, 0], sizes = [400, 32], strides = [1, 1]} : vector<400x96xf32> to vector<400x32xf32>
    %add3A_181 = arith.addf %slice3A_179, %slice3A_180 : vector<400x32xf32>
    %logistic3A_182 = arith.negf %add3A_181 : vector<400x32xf32>
    %logistic3A_183 = math.exp %logistic3A_182 : vector<400x32xf32>
    %logistic3A_184 = arith.constant 1.000000e+00 : f32
    %logistic3A_185 = vector.broadcast %logistic3A_184 : f32 to vector<400x32xf32>
    %logistic3A_186 = arith.addf %logistic3A_185, %logistic3A_183 : vector<400x32xf32>
    %logistic3A_187 = arith.divf %logistic3A_185, %logistic3A_186 : vector<400x32xf32>
    %slice3A_188 = vector.extract_strided_slice %add3A_174 {offsets = [0, 32], sizes = [400, 32], strides = [1, 1]} : vector<400x96xf32> to vector<400x32xf32>
    %slice3A_189 = vector.extract_strided_slice %add3A_178 {offsets = [0, 32], sizes = [400, 32], strides = [1, 1]} : vector<400x96xf32> to vector<400x32xf32>
    %add3A_190 = arith.addf %slice3A_188, %slice3A_189 : vector<400x32xf32>
    %logistic3A_191 = arith.negf %add3A_190 : vector<400x32xf32>
    %logistic3A_192 = math.exp %logistic3A_191 : vector<400x32xf32>
    %logistic3A_193 = arith.constant 1.000000e+00 : f32
    %logistic3A_194 = vector.broadcast %logistic3A_193 : f32 to vector<400x32xf32>
    %logistic3A_195 = arith.addf %logistic3A_194, %logistic3A_192 : vector<400x32xf32>
    %logistic3A_196 = arith.divf %logistic3A_194, %logistic3A_195 : vector<400x32xf32>
    %slice3A_197 = vector.extract_strided_slice %add3A_174 {offsets = [0, 64], sizes = [400, 32], strides = [1, 1]} : vector<400x96xf32> to vector<400x32xf32>
    %slice3A_198 = vector.extract_strided_slice %add3A_178 {offsets = [0, 64], sizes = [400, 32], strides = [1, 1]} : vector<400x96xf32> to vector<400x32xf32>
    %mul3A_199 = arith.mulf %logistic3A_187, %slice3A_198 : vector<400x32xf32>
    %add3A_200 = arith.addf %slice3A_197, %mul3A_199 : vector<400x32xf32>
    %tanh3A_201 = math.tanh %add3A_200 : vector<400x32xf32>
    %sub3A_202 = arith.constant 1.000000e+00 : f32
    %sub3A_203 = vector.broadcast %sub3A_202 : f32 to vector<400x32xf32>
    %sub3A_204 = arith.subf %sub3A_203, %logistic3A_196 : vector<400x32xf32>
    %mul3A_205 = arith.mulf %sub3A_204, %tanh3A_201 : vector<400x32xf32>
    %mul3A_206 = arith.mulf %logistic3A_196, %add3A_142 : vector<400x32xf32>
    %add3A_207 = arith.addf %mul3A_205, %mul3A_206 : vector<400x32xf32>
    %get3A_208 = arith.constant 3 : index
    %get3A_209 = arith.constant 0 : index
    %get3A_210 = arith.constant 0 : index
    %get3A_211 = arith.constant 0 : index
    %get3A_212 = vector.load %arg1[%get3A_208, %get3A_209, %get3A_210, %get3A_211] : memref<12x2x400x16xf32, #tpu.memory_space<vmem>>, vector<1x1x400x16xf32>
    %get3A_213 = vector.shape_cast %get3A_212 : vector<1x1x400x16xf32> to vector<400x16xf32>
    %get3A_214 = arith.constant 3 : index
    %get3A_215 = arith.constant 1 : index
    %get3A_216 = arith.constant 0 : index
    %get3A_217 = arith.constant 0 : index
    %get3A_218 = vector.load %arg1[%get3A_214, %get3A_215, %get3A_216, %get3A_217] : memref<12x2x400x16xf32, #tpu.memory_space<vmem>>, vector<1x1x400x16xf32>
    %get3A_219 = vector.shape_cast %get3A_218 : vector<1x1x400x16xf32> to vector<400x16xf32>
    %add3A_220 = arith.addf %get3A_213, %get3A_219 : vector<400x16xf32>
    %get3A_221 = arith.constant 0 : index
    %get3A_222 = arith.constant 3 : index
    %get3A_223 = arith.constant 0 : index
    %get3A_224 = vector.load %arg2[%get3A_221, %get3A_222, %get3A_223] : memref<400x12x16xf32, #tpu.memory_space<vmem>>, vector<400x1x16xf32>
    %get3A_225 = vector.shape_cast %get3A_224 : vector<400x1x16xf32> to vector<400x16xf32>
    %add3A_226 = arith.addf %add3A_220, %get3A_225 : vector<400x16xf32>
    %mul3A_227 = vector.broadcast %get3A_1 : vector<400x1xf32> to vector<400x16xf32>
    %mul3A_228 = arith.mulf %mul3A_227, %add3A_226 : vector<400x16xf32>
    %dot_general3A_229 = arith.constant dense<0.000000e+00> : vector<400x32xf32>
    %dot_general3A_230 = tpu.matmul %mul3A_228, %get3A_4, %dot_general3A_229 {dimension_numbers = #tpu.dot_dimension_numbers<[1], [0], [0], [1], [0, 0, 1, 1], [], []>, transpose_lhs_hint = false} : vector<400x16xf32>, vector<16x32xf32>, vector<400x32xf32> -> vector<400x32xf32>
    %add3A_231 = vector.broadcast %get3A_7 : vector<1x32xf32> to vector<400x32xf32>
    %add3A_232 = arith.addf %dot_general3A_230, %add3A_231 : vector<400x32xf32>
    %max3A_233 = arith.constant 0.000000e+00 : f32
    %max3A_234 = vector.broadcast %max3A_233 : f32 to vector<400x32xf32>
    %max3A_235 = arith.maximumf %add3A_232, %max3A_234 : vector<400x32xf32>
    %dot_general3A_236 = arith.constant dense<0.000000e+00> : vector<400x96xf32>
    %dot_general3A_237 = tpu.matmul %max3A_235, %get3A_10, %dot_general3A_236 {dimension_numbers = #tpu.dot_dimension_numbers<[1], [0], [0], [1], [0, 0, 1, 1], [], []>, transpose_lhs_hint = false} : vector<400x32xf32>, vector<32x96xf32>, vector<400x96xf32> -> vector<400x96xf32>
    %add3A_238 = vector.broadcast %get3A_13 : vector<1x96xf32> to vector<400x96xf32>
    %add3A_239 = arith.addf %dot_general3A_237, %add3A_238 : vector<400x96xf32>
    %dot_general3A_240 = arith.constant dense<0.000000e+00> : vector<400x96xf32>
    %dot_general3A_241 = tpu.matmul %add3A_207, %get3A_16, %dot_general3A_240 {dimension_numbers = #tpu.dot_dimension_numbers<[1], [0], [0], [1], [0, 0, 1, 1], [], []>, transpose_lhs_hint = false} : vector<400x32xf32>, vector<32x96xf32>, vector<400x96xf32> -> vector<400x96xf32>
    %add3A_242 = vector.broadcast %get3A_19 : vector<1x96xf32> to vector<400x96xf32>
    %add3A_243 = arith.addf %dot_general3A_241, %add3A_242 : vector<400x96xf32>
    %slice3A_244 = vector.extract_strided_slice %add3A_239 {offsets = [0, 0], sizes = [400, 32], strides = [1, 1]} : vector<400x96xf32> to vector<400x32xf32>
    %slice3A_245 = vector.extract_strided_slice %add3A_243 {offsets = [0, 0], sizes = [400, 32], strides = [1, 1]} : vector<400x96xf32> to vector<400x32xf32>
    %add3A_246 = arith.addf %slice3A_244, %slice3A_245 : vector<400x32xf32>
    %logistic3A_247 = arith.negf %add3A_246 : vector<400x32xf32>
    %logistic3A_248 = math.exp %logistic3A_247 : vector<400x32xf32>
    %logistic3A_249 = arith.constant 1.000000e+00 : f32
    %logistic3A_250 = vector.broadcast %logistic3A_249 : f32 to vector<400x32xf32>
    %logistic3A_251 = arith.addf %logistic3A_250, %logistic3A_248 : vector<400x32xf32>
    %logistic3A_252 = arith.divf %logistic3A_250, %logistic3A_251 : vector<400x32xf32>
    %slice3A_253 = vector.extract_strided_slice %add3A_239 {offsets = [0, 32], sizes = [400, 32], strides = [1, 1]} : vector<400x96xf32> to vector<400x32xf32>
    %slice3A_254 = vector.extract_strided_slice %add3A_243 {offsets = [0, 32], sizes = [400, 32], strides = [1, 1]} : vector<400x96xf32> to vector<400x32xf32>
    %add3A_255 = arith.addf %slice3A_253, %slice3A_254 : vector<400x32xf32>
    %logistic3A_256 = arith.negf %add3A_255 : vector<400x32xf32>
    %logistic3A_257 = math.exp %logistic3A_256 : vector<400x32xf32>
    %logistic3A_258 = arith.constant 1.000000e+00 : f32
    %logistic3A_259 = vector.broadcast %logistic3A_258 : f32 to vector<400x32xf32>
    %logistic3A_260 = arith.addf %logistic3A_259, %logistic3A_257 : vector<400x32xf32>
    %logistic3A_261 = arith.divf %logistic3A_259, %logistic3A_260 : vector<400x32xf32>
    %slice3A_262 = vector.extract_strided_slice %add3A_239 {offsets = [0, 64], sizes = [400, 32], strides = [1, 1]} : vector<400x96xf32> to vector<400x32xf32>
    %slice3A_263 = vector.extract_strided_slice %add3A_243 {offsets = [0, 64], sizes = [400, 32], strides = [1, 1]} : vector<400x96xf32> to vector<400x32xf32>
    %mul3A_264 = arith.mulf %logistic3A_252, %slice3A_263 : vector<400x32xf32>
    %add3A_265 = arith.addf %slice3A_262, %mul3A_264 : vector<400x32xf32>
    %tanh3A_266 = math.tanh %add3A_265 : vector<400x32xf32>
    %sub3A_267 = arith.constant 1.000000e+00 : f32
    %sub3A_268 = vector.broadcast %sub3A_267 : f32 to vector<400x32xf32>
    %sub3A_269 = arith.subf %sub3A_268, %logistic3A_261 : vector<400x32xf32>
    %mul3A_270 = arith.mulf %sub3A_269, %tanh3A_266 : vector<400x32xf32>
    %mul3A_271 = arith.mulf %logistic3A_261, %add3A_207 : vector<400x32xf32>
    %add3A_272 = arith.addf %mul3A_270, %mul3A_271 : vector<400x32xf32>
    %get3A_273 = arith.constant 4 : index
    %get3A_274 = arith.constant 0 : index
    %get3A_275 = arith.constant 0 : index
    %get3A_276 = arith.constant 0 : index
    %get3A_277 = vector.load %arg1[%get3A_273, %get3A_274, %get3A_275, %get3A_276] : memref<12x2x400x16xf32, #tpu.memory_space<vmem>>, vector<1x1x400x16xf32>
    %get3A_278 = vector.shape_cast %get3A_277 : vector<1x1x400x16xf32> to vector<400x16xf32>
    %get3A_279 = arith.constant 4 : index
    %get3A_280 = arith.constant 1 : index
    %get3A_281 = arith.constant 0 : index
    %get3A_282 = arith.constant 0 : index
    %get3A_283 = vector.load %arg1[%get3A_279, %get3A_280, %get3A_281, %get3A_282] : memref<12x2x400x16xf32, #tpu.memory_space<vmem>>, vector<1x1x400x16xf32>
    %get3A_284 = vector.shape_cast %get3A_283 : vector<1x1x400x16xf32> to vector<400x16xf32>
    %add3A_285 = arith.addf %get3A_278, %get3A_284 : vector<400x16xf32>
    %get3A_286 = arith.constant 0 : index
    %get3A_287 = arith.constant 4 : index
    %get3A_288 = arith.constant 0 : index
    %get3A_289 = vector.load %arg2[%get3A_286, %get3A_287, %get3A_288] : memref<400x12x16xf32, #tpu.memory_space<vmem>>, vector<400x1x16xf32>
    %get3A_290 = vector.shape_cast %get3A_289 : vector<400x1x16xf32> to vector<400x16xf32>
    %add3A_291 = arith.addf %add3A_285, %get3A_290 : vector<400x16xf32>
    %mul3A_292 = vector.broadcast %get3A_1 : vector<400x1xf32> to vector<400x16xf32>
    %mul3A_293 = arith.mulf %mul3A_292, %add3A_291 : vector<400x16xf32>
    %dot_general3A_294 = arith.constant dense<0.000000e+00> : vector<400x32xf32>
    %dot_general3A_295 = tpu.matmul %mul3A_293, %get3A_4, %dot_general3A_294 {dimension_numbers = #tpu.dot_dimension_numbers<[1], [0], [0], [1], [0, 0, 1, 1], [], []>, transpose_lhs_hint = false} : vector<400x16xf32>, vector<16x32xf32>, vector<400x32xf32> -> vector<400x32xf32>
    %add3A_296 = vector.broadcast %get3A_7 : vector<1x32xf32> to vector<400x32xf32>
    %add3A_297 = arith.addf %dot_general3A_295, %add3A_296 : vector<400x32xf32>
    %max3A_298 = arith.constant 0.000000e+00 : f32
    %max3A_299 = vector.broadcast %max3A_298 : f32 to vector<400x32xf32>
    %max3A_300 = arith.maximumf %add3A_297, %max3A_299 : vector<400x32xf32>
    %dot_general3A_301 = arith.constant dense<0.000000e+00> : vector<400x96xf32>
    %dot_general3A_302 = tpu.matmul %max3A_300, %get3A_10, %dot_general3A_301 {dimension_numbers = #tpu.dot_dimension_numbers<[1], [0], [0], [1], [0, 0, 1, 1], [], []>, transpose_lhs_hint = false} : vector<400x32xf32>, vector<32x96xf32>, vector<400x96xf32> -> vector<400x96xf32>
    %add3A_303 = vector.broadcast %get3A_13 : vector<1x96xf32> to vector<400x96xf32>
    %add3A_304 = arith.addf %dot_general3A_302, %add3A_303 : vector<400x96xf32>
    %dot_general3A_305 = arith.constant dense<0.000000e+00> : vector<400x96xf32>
    %dot_general3A_306 = tpu.matmul %add3A_272, %get3A_16, %dot_general3A_305 {dimension_numbers = #tpu.dot_dimension_numbers<[1], [0], [0], [1], [0, 0, 1, 1], [], []>, transpose_lhs_hint = false} : vector<400x32xf32>, vector<32x96xf32>, vector<400x96xf32> -> vector<400x96xf32>
    %add3A_307 = vector.broadcast %get3A_19 : vector<1x96xf32> to vector<400x96xf32>
    %add3A_308 = arith.addf %dot_general3A_306, %add3A_307 : vector<400x96xf32>
    %slice3A_309 = vector.extract_strided_slice %add3A_304 {offsets = [0, 0], sizes = [400, 32], strides = [1, 1]} : vector<400x96xf32> to vector<400x32xf32>
    %slice3A_310 = vector.extract_strided_slice %add3A_308 {offsets = [0, 0], sizes = [400, 32], strides = [1, 1]} : vector<400x96xf32> to vector<400x32xf32>
    %add3A_311 = arith.addf %slice3A_309, %slice3A_310 : vector<400x32xf32>
    %logistic3A_312 = arith.negf %add3A_311 : vector<400x32xf32>
    %logistic3A_313 = math.exp %logistic3A_312 : vector<400x32xf32>
    %logistic3A_314 = arith.constant 1.000000e+00 : f32
    %logistic3A_315 = vector.broadcast %logistic3A_314 : f32 to vector<400x32xf32>
    %logistic3A_316 = arith.addf %logistic3A_315, %logistic3A_313 : vector<400x32xf32>
    %logistic3A_317 = arith.divf %logistic3A_315, %logistic3A_316 : vector<400x32xf32>
    %slice3A_318 = vector.extract_strided_slice %add3A_304 {offsets = [0, 32], sizes = [400, 32], strides = [1, 1]} : vector<400x96xf32> to vector<400x32xf32>
    %slice3A_319 = vector.extract_strided_slice %add3A_308 {offsets = [0, 32], sizes = [400, 32], strides = [1, 1]} : vector<400x96xf32> to vector<400x32xf32>
    %add3A_320 = arith.addf %slice3A_318, %slice3A_319 : vector<400x32xf32>
    %logistic3A_321 = arith.negf %add3A_320 : vector<400x32xf32>
    %logistic3A_322 = math.exp %logistic3A_321 : vector<400x32xf32>
    %logistic3A_323 = arith.constant 1.000000e+00 : f32
    %logistic3A_324 = vector.broadcast %logistic3A_323 : f32 to vector<400x32xf32>
    %logistic3A_325 = arith.addf %logistic3A_324, %logistic3A_322 : vector<400x32xf32>
    %logistic3A_326 = arith.divf %logistic3A_324, %logistic3A_325 : vector<400x32xf32>
    %slice3A_327 = vector.extract_strided_slice %add3A_304 {offsets = [0, 64], sizes = [400, 32], strides = [1, 1]} : vector<400x96xf32> to vector<400x32xf32>
    %slice3A_328 = vector.extract_strided_slice %add3A_308 {offsets = [0, 64], sizes = [400, 32], strides = [1, 1]} : vector<400x96xf32> to vector<400x32xf32>
    %mul3A_329 = arith.mulf %logistic3A_317, %slice3A_328 : vector<400x32xf32>
    %add3A_330 = arith.addf %slice3A_327, %mul3A_329 : vector<400x32xf32>
    %tanh3A_331 = math.tanh %add3A_330 : vector<400x32xf32>
    %sub3A_332 = arith.constant 1.000000e+00 : f32
    %sub3A_333 = vector.broadcast %sub3A_332 : f32 to vector<400x32xf32>
    %sub3A_334 = arith.subf %sub3A_333, %logistic3A_326 : vector<400x32xf32>
    %mul3A_335 = arith.mulf %sub3A_334, %tanh3A_331 : vector<400x32xf32>
    %mul3A_336 = arith.mulf %logistic3A_326, %add3A_272 : vector<400x32xf32>
    %add3A_337 = arith.addf %mul3A_335, %mul3A_336 : vector<400x32xf32>
    %get3A_338 = arith.constant 5 : index
    %get3A_339 = arith.constant 0 : index
    %get3A_340 = arith.constant 0 : index
    %get3A_341 = arith.constant 0 : index
    %get3A_342 = vector.load %arg1[%get3A_338, %get3A_339, %get3A_340, %get3A_341] : memref<12x2x400x16xf32, #tpu.memory_space<vmem>>, vector<1x1x400x16xf32>
    %get3A_343 = vector.shape_cast %get3A_342 : vector<1x1x400x16xf32> to vector<400x16xf32>
    %get3A_344 = arith.constant 5 : index
    %get3A_345 = arith.constant 1 : index
    %get3A_346 = arith.constant 0 : index
    %get3A_347 = arith.constant 0 : index
    %get3A_348 = vector.load %arg1[%get3A_344, %get3A_345, %get3A_346, %get3A_347] : memref<12x2x400x16xf32, #tpu.memory_space<vmem>>, vector<1x1x400x16xf32>
    %get3A_349 = vector.shape_cast %get3A_348 : vector<1x1x400x16xf32> to vector<400x16xf32>
    %add3A_350 = arith.addf %get3A_343, %get3A_349 : vector<400x16xf32>
    %get3A_351 = arith.constant 0 : index
    %get3A_352 = arith.constant 5 : index
    %get3A_353 = arith.constant 0 : index
    %get3A_354 = vector.load %arg2[%get3A_351, %get3A_352, %get3A_353] : memref<400x12x16xf32, #tpu.memory_space<vmem>>, vector<400x1x16xf32>
    %get3A_355 = vector.shape_cast %get3A_354 : vector<400x1x16xf32> to vector<400x16xf32>
    %add3A_356 = arith.addf %add3A_350, %get3A_355 : vector<400x16xf32>
    %mul3A_357 = vector.broadcast %get3A_1 : vector<400x1xf32> to vector<400x16xf32>
    %mul3A_358 = arith.mulf %mul3A_357, %add3A_356 : vector<400x16xf32>
    %dot_general3A_359 = arith.constant dense<0.000000e+00> : vector<400x32xf32>
    %dot_general3A_360 = tpu.matmul %mul3A_358, %get3A_4, %dot_general3A_359 {dimension_numbers = #tpu.dot_dimension_numbers<[1], [0], [0], [1], [0, 0, 1, 1], [], []>, transpose_lhs_hint = false} : vector<400x16xf32>, vector<16x32xf32>, vector<400x32xf32> -> vector<400x32xf32>
    %add3A_361 = vector.broadcast %get3A_7 : vector<1x32xf32> to vector<400x32xf32>
    %add3A_362 = arith.addf %dot_general3A_360, %add3A_361 : vector<400x32xf32>
    %max3A_363 = arith.constant 0.000000e+00 : f32
    %max3A_364 = vector.broadcast %max3A_363 : f32 to vector<400x32xf32>
    %max3A_365 = arith.maximumf %add3A_362, %max3A_364 : vector<400x32xf32>
    %dot_general3A_366 = arith.constant dense<0.000000e+00> : vector<400x96xf32>
    %dot_general3A_367 = tpu.matmul %max3A_365, %get3A_10, %dot_general3A_366 {dimension_numbers = #tpu.dot_dimension_numbers<[1], [0], [0], [1], [0, 0, 1, 1], [], []>, transpose_lhs_hint = false} : vector<400x32xf32>, vector<32x96xf32>, vector<400x96xf32> -> vector<400x96xf32>
    %add3A_368 = vector.broadcast %get3A_13 : vector<1x96xf32> to vector<400x96xf32>
    %add3A_369 = arith.addf %dot_general3A_367, %add3A_368 : vector<400x96xf32>
    %dot_general3A_370 = arith.constant dense<0.000000e+00> : vector<400x96xf32>
    %dot_general3A_371 = tpu.matmul %add3A_337, %get3A_16, %dot_general3A_370 {dimension_numbers = #tpu.dot_dimension_numbers<[1], [0], [0], [1], [0, 0, 1, 1], [], []>, transpose_lhs_hint = false} : vector<400x32xf32>, vector<32x96xf32>, vector<400x96xf32> -> vector<400x96xf32>
    %add3A_372 = vector.broadcast %get3A_19 : vector<1x96xf32> to vector<400x96xf32>
    %add3A_373 = arith.addf %dot_general3A_371, %add3A_372 : vector<400x96xf32>
    %slice3A_374 = vector.extract_strided_slice %add3A_369 {offsets = [0, 0], sizes = [400, 32], strides = [1, 1]} : vector<400x96xf32> to vector<400x32xf32>
    %slice3A_375 = vector.extract_strided_slice %add3A_373 {offsets = [0, 0], sizes = [400, 32], strides = [1, 1]} : vector<400x96xf32> to vector<400x32xf32>
    %add3A_376 = arith.addf %slice3A_374, %slice3A_375 : vector<400x32xf32>
    %logistic3A_377 = arith.negf %add3A_376 : vector<400x32xf32>
    %logistic3A_378 = math.exp %logistic3A_377 : vector<400x32xf32>
    %logistic3A_379 = arith.constant 1.000000e+00 : f32
    %logistic3A_380 = vector.broadcast %logistic3A_379 : f32 to vector<400x32xf32>
    %logistic3A_381 = arith.addf %logistic3A_380, %logistic3A_378 : vector<400x32xf32>
    %logistic3A_382 = arith.divf %logistic3A_380, %logistic3A_381 : vector<400x32xf32>
    %slice3A_383 = vector.extract_strided_slice %add3A_369 {offsets = [0, 32], sizes = [400, 32], strides = [1, 1]} : vector<400x96xf32> to vector<400x32xf32>
    %slice3A_384 = vector.extract_strided_slice %add3A_373 {offsets = [0, 32], sizes = [400, 32], strides = [1, 1]} : vector<400x96xf32> to vector<400x32xf32>
    %add3A_385 = arith.addf %slice3A_383, %slice3A_384 : vector<400x32xf32>
    %logistic3A_386 = arith.negf %add3A_385 : vector<400x32xf32>
    %logistic3A_387 = math.exp %logistic3A_386 : vector<400x32xf32>
    %logistic3A_388 = arith.constant 1.000000e+00 : f32
    %logistic3A_389 = vector.broadcast %logistic3A_388 : f32 to vector<400x32xf32>
    %logistic3A_390 = arith.addf %logistic3A_389, %logistic3A_387 : vector<400x32xf32>
    %logistic3A_391 = arith.divf %logistic3A_389, %logistic3A_390 : vector<400x32xf32>
    %slice3A_392 = vector.extract_strided_slice %add3A_369 {offsets = [0, 64], sizes = [400, 32], strides = [1, 1]} : vector<400x96xf32> to vector<400x32xf32>
    %slice3A_393 = vector.extract_strided_slice %add3A_373 {offsets = [0, 64], sizes = [400, 32], strides = [1, 1]} : vector<400x96xf32> to vector<400x32xf32>
    %mul3A_394 = arith.mulf %logistic3A_382, %slice3A_393 : vector<400x32xf32>
    %add3A_395 = arith.addf %slice3A_392, %mul3A_394 : vector<400x32xf32>
    %tanh3A_396 = math.tanh %add3A_395 : vector<400x32xf32>
    %sub3A_397 = arith.constant 1.000000e+00 : f32
    %sub3A_398 = vector.broadcast %sub3A_397 : f32 to vector<400x32xf32>
    %sub3A_399 = arith.subf %sub3A_398, %logistic3A_391 : vector<400x32xf32>
    %mul3A_400 = arith.mulf %sub3A_399, %tanh3A_396 : vector<400x32xf32>
    %mul3A_401 = arith.mulf %logistic3A_391, %add3A_337 : vector<400x32xf32>
    %add3A_402 = arith.addf %mul3A_400, %mul3A_401 : vector<400x32xf32>
    %get3A_403 = arith.constant 6 : index
    %get3A_404 = arith.constant 0 : index
    %get3A_405 = arith.constant 0 : index
    %get3A_406 = arith.constant 0 : index
    %get3A_407 = vector.load %arg1[%get3A_403, %get3A_404, %get3A_405, %get3A_406] : memref<12x2x400x16xf32, #tpu.memory_space<vmem>>, vector<1x1x400x16xf32>
    %get3A_408 = vector.shape_cast %get3A_407 : vector<1x1x400x16xf32> to vector<400x16xf32>
    %get3A_409 = arith.constant 6 : index
    %get3A_410 = arith.constant 1 : index
    %get3A_411 = arith.constant 0 : index
    %get3A_412 = arith.constant 0 : index
    %get3A_413 = vector.load %arg1[%get3A_409, %get3A_410, %get3A_411, %get3A_412] : memref<12x2x400x16xf32, #tpu.memory_space<vmem>>, vector<1x1x400x16xf32>
    %get3A_414 = vector.shape_cast %get3A_413 : vector<1x1x400x16xf32> to vector<400x16xf32>
    %add3A_415 = arith.addf %get3A_408, %get3A_414 : vector<400x16xf32>
    %get3A_416 = arith.constant 0 : index
    %get3A_417 = arith.constant 6 : index
    %get3A_418 = arith.constant 0 : index
    %get3A_419 = vector.load %arg2[%get3A_416, %get3A_417, %get3A_418] : memref<400x12x16xf32, #tpu.memory_space<vmem>>, vector<400x1x16xf32>
    %get3A_420 = vector.shape_cast %get3A_419 : vector<400x1x16xf32> to vector<400x16xf32>
    %add3A_421 = arith.addf %add3A_415, %get3A_420 : vector<400x16xf32>
    %mul3A_422 = vector.broadcast %get3A_1 : vector<400x1xf32> to vector<400x16xf32>
    %mul3A_423 = arith.mulf %mul3A_422, %add3A_421 : vector<400x16xf32>
    %dot_general3A_424 = arith.constant dense<0.000000e+00> : vector<400x32xf32>
    %dot_general3A_425 = tpu.matmul %mul3A_423, %get3A_4, %dot_general3A_424 {dimension_numbers = #tpu.dot_dimension_numbers<[1], [0], [0], [1], [0, 0, 1, 1], [], []>, transpose_lhs_hint = false} : vector<400x16xf32>, vector<16x32xf32>, vector<400x32xf32> -> vector<400x32xf32>
    %add3A_426 = vector.broadcast %get3A_7 : vector<1x32xf32> to vector<400x32xf32>
    %add3A_427 = arith.addf %dot_general3A_425, %add3A_426 : vector<400x32xf32>
    %max3A_428 = arith.constant 0.000000e+00 : f32
    %max3A_429 = vector.broadcast %max3A_428 : f32 to vector<400x32xf32>
    %max3A_430 = arith.maximumf %add3A_427, %max3A_429 : vector<400x32xf32>
    %dot_general3A_431 = arith.constant dense<0.000000e+00> : vector<400x96xf32>
    %dot_general3A_432 = tpu.matmul %max3A_430, %get3A_10, %dot_general3A_431 {dimension_numbers = #tpu.dot_dimension_numbers<[1], [0], [0], [1], [0, 0, 1, 1], [], []>, transpose_lhs_hint = false} : vector<400x32xf32>, vector<32x96xf32>, vector<400x96xf32> -> vector<400x96xf32>
    %add3A_433 = vector.broadcast %get3A_13 : vector<1x96xf32> to vector<400x96xf32>
    %add3A_434 = arith.addf %dot_general3A_432, %add3A_433 : vector<400x96xf32>
    %dot_general3A_435 = arith.constant dense<0.000000e+00> : vector<400x96xf32>
    %dot_general3A_436 = tpu.matmul %add3A_402, %get3A_16, %dot_general3A_435 {dimension_numbers = #tpu.dot_dimension_numbers<[1], [0], [0], [1], [0, 0, 1, 1], [], []>, transpose_lhs_hint = false} : vector<400x32xf32>, vector<32x96xf32>, vector<400x96xf32> -> vector<400x96xf32>
    %add3A_437 = vector.broadcast %get3A_19 : vector<1x96xf32> to vector<400x96xf32>
    %add3A_438 = arith.addf %dot_general3A_436, %add3A_437 : vector<400x96xf32>
    %slice3A_439 = vector.extract_strided_slice %add3A_434 {offsets = [0, 0], sizes = [400, 32], strides = [1, 1]} : vector<400x96xf32> to vector<400x32xf32>
    %slice3A_440 = vector.extract_strided_slice %add3A_438 {offsets = [0, 0], sizes = [400, 32], strides = [1, 1]} : vector<400x96xf32> to vector<400x32xf32>
    %add3A_441 = arith.addf %slice3A_439, %slice3A_440 : vector<400x32xf32>
    %logistic3A_442 = arith.negf %add3A_441 : vector<400x32xf32>
    %logistic3A_443 = math.exp %logistic3A_442 : vector<400x32xf32>
    %logistic3A_444 = arith.constant 1.000000e+00 : f32
    %logistic3A_445 = vector.broadcast %logistic3A_444 : f32 to vector<400x32xf32>
    %logistic3A_446 = arith.addf %logistic3A_445, %logistic3A_443 : vector<400x32xf32>
    %logistic3A_447 = arith.divf %logistic3A_445, %logistic3A_446 : vector<400x32xf32>
    %slice3A_448 = vector.extract_strided_slice %add3A_434 {offsets = [0, 32], sizes = [400, 32], strides = [1, 1]} : vector<400x96xf32> to vector<400x32xf32>
    %slice3A_449 = vector.extract_strided_slice %add3A_438 {offsets = [0, 32], sizes = [400, 32], strides = [1, 1]} : vector<400x96xf32> to vector<400x32xf32>
    %add3A_450 = arith.addf %slice3A_448, %slice3A_449 : vector<400x32xf32>
    %logistic3A_451 = arith.negf %add3A_450 : vector<400x32xf32>
    %logistic3A_452 = math.exp %logistic3A_451 : vector<400x32xf32>
    %logistic3A_453 = arith.constant 1.000000e+00 : f32
    %logistic3A_454 = vector.broadcast %logistic3A_453 : f32 to vector<400x32xf32>
    %logistic3A_455 = arith.addf %logistic3A_454, %logistic3A_452 : vector<400x32xf32>
    %logistic3A_456 = arith.divf %logistic3A_454, %logistic3A_455 : vector<400x32xf32>
    %slice3A_457 = vector.extract_strided_slice %add3A_434 {offsets = [0, 64], sizes = [400, 32], strides = [1, 1]} : vector<400x96xf32> to vector<400x32xf32>
    %slice3A_458 = vector.extract_strided_slice %add3A_438 {offsets = [0, 64], sizes = [400, 32], strides = [1, 1]} : vector<400x96xf32> to vector<400x32xf32>
    %mul3A_459 = arith.mulf %logistic3A_447, %slice3A_458 : vector<400x32xf32>
    %add3A_460 = arith.addf %slice3A_457, %mul3A_459 : vector<400x32xf32>
    %tanh3A_461 = math.tanh %add3A_460 : vector<400x32xf32>
    %sub3A_462 = arith.constant 1.000000e+00 : f32
    %sub3A_463 = vector.broadcast %sub3A_462 : f32 to vector<400x32xf32>
    %sub3A_464 = arith.subf %sub3A_463, %logistic3A_456 : vector<400x32xf32>
    %mul3A_465 = arith.mulf %sub3A_464, %tanh3A_461 : vector<400x32xf32>
    %mul3A_466 = arith.mulf %logistic3A_456, %add3A_402 : vector<400x32xf32>
    %add3A_467 = arith.addf %mul3A_465, %mul3A_466 : vector<400x32xf32>
    %get3A_468 = arith.constant 7 : index
    %get3A_469 = arith.constant 0 : index
    %get3A_470 = arith.constant 0 : index
    %get3A_471 = arith.constant 0 : index
    %get3A_472 = vector.load %arg1[%get3A_468, %get3A_469, %get3A_470, %get3A_471] : memref<12x2x400x16xf32, #tpu.memory_space<vmem>>, vector<1x1x400x16xf32>
    %get3A_473 = vector.shape_cast %get3A_472 : vector<1x1x400x16xf32> to vector<400x16xf32>
    %get3A_474 = arith.constant 7 : index
    %get3A_475 = arith.constant 1 : index
    %get3A_476 = arith.constant 0 : index
    %get3A_477 = arith.constant 0 : index
    %get3A_478 = vector.load %arg1[%get3A_474, %get3A_475, %get3A_476, %get3A_477] : memref<12x2x400x16xf32, #tpu.memory_space<vmem>>, vector<1x1x400x16xf32>
    %get3A_479 = vector.shape_cast %get3A_478 : vector<1x1x400x16xf32> to vector<400x16xf32>
    %add3A_480 = arith.addf %get3A_473, %get3A_479 : vector<400x16xf32>
    %get3A_481 = arith.constant 0 : index
    %get3A_482 = arith.constant 7 : index
    %get3A_483 = arith.constant 0 : index
    %get3A_484 = vector.load %arg2[%get3A_481, %get3A_482, %get3A_483] : memref<400x12x16xf32, #tpu.memory_space<vmem>>, vector<400x1x16xf32>
    %get3A_485 = vector.shape_cast %get3A_484 : vector<400x1x16xf32> to vector<400x16xf32>
    %add3A_486 = arith.addf %add3A_480, %get3A_485 : vector<400x16xf32>
    %mul3A_487 = vector.broadcast %get3A_1 : vector<400x1xf32> to vector<400x16xf32>
    %mul3A_488 = arith.mulf %mul3A_487, %add3A_486 : vector<400x16xf32>
    %dot_general3A_489 = arith.constant dense<0.000000e+00> : vector<400x32xf32>
    %dot_general3A_490 = tpu.matmul %mul3A_488, %get3A_4, %dot_general3A_489 {dimension_numbers = #tpu.dot_dimension_numbers<[1], [0], [0], [1], [0, 0, 1, 1], [], []>, transpose_lhs_hint = false} : vector<400x16xf32>, vector<16x32xf32>, vector<400x32xf32> -> vector<400x32xf32>
    %add3A_491 = vector.broadcast %get3A_7 : vector<1x32xf32> to vector<400x32xf32>
    %add3A_492 = arith.addf %dot_general3A_490, %add3A_491 : vector<400x32xf32>
    %max3A_493 = arith.constant 0.000000e+00 : f32
    %max3A_494 = vector.broadcast %max3A_493 : f32 to vector<400x32xf32>
    %max3A_495 = arith.maximumf %add3A_492, %max3A_494 : vector<400x32xf32>
    %dot_general3A_496 = arith.constant dense<0.000000e+00> : vector<400x96xf32>
    %dot_general3A_497 = tpu.matmul %max3A_495, %get3A_10, %dot_general3A_496 {dimension_numbers = #tpu.dot_dimension_numbers<[1], [0], [0], [1], [0, 0, 1, 1], [], []>, transpose_lhs_hint = false} : vector<400x32xf32>, vector<32x96xf32>, vector<400x96xf32> -> vector<400x96xf32>
    %add3A_498 = vector.broadcast %get3A_13 : vector<1x96xf32> to vector<400x96xf32>
    %add3A_499 = arith.addf %dot_general3A_497, %add3A_498 : vector<400x96xf32>
    %dot_general3A_500 = arith.constant dense<0.000000e+00> : vector<400x96xf32>
    %dot_general3A_501 = tpu.matmul %add3A_467, %get3A_16, %dot_general3A_500 {dimension_numbers = #tpu.dot_dimension_numbers<[1], [0], [0], [1], [0, 0, 1, 1], [], []>, transpose_lhs_hint = false} : vector<400x32xf32>, vector<32x96xf32>, vector<400x96xf32> -> vector<400x96xf32>
    %add3A_502 = vector.broadcast %get3A_19 : vector<1x96xf32> to vector<400x96xf32>
    %add3A_503 = arith.addf %dot_general3A_501, %add3A_502 : vector<400x96xf32>
    %slice3A_504 = vector.extract_strided_slice %add3A_499 {offsets = [0, 0], sizes = [400, 32], strides = [1, 1]} : vector<400x96xf32> to vector<400x32xf32>
    %slice3A_505 = vector.extract_strided_slice %add3A_503 {offsets = [0, 0], sizes = [400, 32], strides = [1, 1]} : vector<400x96xf32> to vector<400x32xf32>
    %add3A_506 = arith.addf %slice3A_504, %slice3A_505 : vector<400x32xf32>
    %logistic3A_507 = arith.negf %add3A_506 : vector<400x32xf32>
    %logistic3A_508 = math.exp %logistic3A_507 : vector<400x32xf32>
    %logistic3A_509 = arith.constant 1.000000e+00 : f32
    %logistic3A_510 = vector.broadcast %logistic3A_509 : f32 to vector<400x32xf32>
    %logistic3A_511 = arith.addf %logistic3A_510, %logistic3A_508 : vector<400x32xf32>
    %logistic3A_512 = arith.divf %logistic3A_510, %logistic3A_511 : vector<400x32xf32>
    %slice3A_513 = vector.extract_strided_slice %add3A_499 {offsets = [0, 32], sizes = [400, 32], strides = [1, 1]} : vector<400x96xf32> to vector<400x32xf32>
    %slice3A_514 = vector.extract_strided_slice %add3A_503 {offsets = [0, 32], sizes = [400, 32], strides = [1, 1]} : vector<400x96xf32> to vector<400x32xf32>
    %add3A_515 = arith.addf %slice3A_513, %slice3A_514 : vector<400x32xf32>
    %logistic3A_516 = arith.negf %add3A_515 : vector<400x32xf32>
    %logistic3A_517 = math.exp %logistic3A_516 : vector<400x32xf32>
    %logistic3A_518 = arith.constant 1.000000e+00 : f32
    %logistic3A_519 = vector.broadcast %logistic3A_518 : f32 to vector<400x32xf32>
    %logistic3A_520 = arith.addf %logistic3A_519, %logistic3A_517 : vector<400x32xf32>
    %logistic3A_521 = arith.divf %logistic3A_519, %logistic3A_520 : vector<400x32xf32>
    %slice3A_522 = vector.extract_strided_slice %add3A_499 {offsets = [0, 64], sizes = [400, 32], strides = [1, 1]} : vector<400x96xf32> to vector<400x32xf32>
    %slice3A_523 = vector.extract_strided_slice %add3A_503 {offsets = [0, 64], sizes = [400, 32], strides = [1, 1]} : vector<400x96xf32> to vector<400x32xf32>
    %mul3A_524 = arith.mulf %logistic3A_512, %slice3A_523 : vector<400x32xf32>
    %add3A_525 = arith.addf %slice3A_522, %mul3A_524 : vector<400x32xf32>
    %tanh3A_526 = math.tanh %add3A_525 : vector<400x32xf32>
    %sub3A_527 = arith.constant 1.000000e+00 : f32
    %sub3A_528 = vector.broadcast %sub3A_527 : f32 to vector<400x32xf32>
    %sub3A_529 = arith.subf %sub3A_528, %logistic3A_521 : vector<400x32xf32>
    %mul3A_530 = arith.mulf %sub3A_529, %tanh3A_526 : vector<400x32xf32>
    %mul3A_531 = arith.mulf %logistic3A_521, %add3A_467 : vector<400x32xf32>
    %add3A_532 = arith.addf %mul3A_530, %mul3A_531 : vector<400x32xf32>
    %get3A_533 = arith.constant 8 : index
    %get3A_534 = arith.constant 0 : index
    %get3A_535 = arith.constant 0 : index
    %get3A_536 = arith.constant 0 : index
    %get3A_537 = vector.load %arg1[%get3A_533, %get3A_534, %get3A_535, %get3A_536] : memref<12x2x400x16xf32, #tpu.memory_space<vmem>>, vector<1x1x400x16xf32>
    %get3A_538 = vector.shape_cast %get3A_537 : vector<1x1x400x16xf32> to vector<400x16xf32>
    %get3A_539 = arith.constant 8 : index
    %get3A_540 = arith.constant 1 : index
    %get3A_541 = arith.constant 0 : index
    %get3A_542 = arith.constant 0 : index
    %get3A_543 = vector.load %arg1[%get3A_539, %get3A_540, %get3A_541, %get3A_542] : memref<12x2x400x16xf32, #tpu.memory_space<vmem>>, vector<1x1x400x16xf32>
    %get3A_544 = vector.shape_cast %get3A_543 : vector<1x1x400x16xf32> to vector<400x16xf32>
    %add3A_545 = arith.addf %get3A_538, %get3A_544 : vector<400x16xf32>
    %get3A_546 = arith.constant 0 : index
    %get3A_547 = arith.constant 8 : index
    %get3A_548 = arith.constant 0 : index
    %get3A_549 = vector.load %arg2[%get3A_546, %get3A_547, %get3A_548] : memref<400x12x16xf32, #tpu.memory_space<vmem>>, vector<400x1x16xf32>
    %get3A_550 = vector.shape_cast %get3A_549 : vector<400x1x16xf32> to vector<400x16xf32>
    %add3A_551 = arith.addf %add3A_545, %get3A_550 : vector<400x16xf32>
    %mul3A_552 = vector.broadcast %get3A_1 : vector<400x1xf32> to vector<400x16xf32>
    %mul3A_553 = arith.mulf %mul3A_552, %add3A_551 : vector<400x16xf32>
    %dot_general3A_554 = arith.constant dense<0.000000e+00> : vector<400x32xf32>
    %dot_general3A_555 = tpu.matmul %mul3A_553, %get3A_4, %dot_general3A_554 {dimension_numbers = #tpu.dot_dimension_numbers<[1], [0], [0], [1], [0, 0, 1, 1], [], []>, transpose_lhs_hint = false} : vector<400x16xf32>, vector<16x32xf32>, vector<400x32xf32> -> vector<400x32xf32>
    %add3A_556 = vector.broadcast %get3A_7 : vector<1x32xf32> to vector<400x32xf32>
    %add3A_557 = arith.addf %dot_general3A_555, %add3A_556 : vector<400x32xf32>
    %max3A_558 = arith.constant 0.000000e+00 : f32
    %max3A_559 = vector.broadcast %max3A_558 : f32 to vector<400x32xf32>
    %max3A_560 = arith.maximumf %add3A_557, %max3A_559 : vector<400x32xf32>
    %dot_general3A_561 = arith.constant dense<0.000000e+00> : vector<400x96xf32>
    %dot_general3A_562 = tpu.matmul %max3A_560, %get3A_10, %dot_general3A_561 {dimension_numbers = #tpu.dot_dimension_numbers<[1], [0], [0], [1], [0, 0, 1, 1], [], []>, transpose_lhs_hint = false} : vector<400x32xf32>, vector<32x96xf32>, vector<400x96xf32> -> vector<400x96xf32>
    %add3A_563 = vector.broadcast %get3A_13 : vector<1x96xf32> to vector<400x96xf32>
    %add3A_564 = arith.addf %dot_general3A_562, %add3A_563 : vector<400x96xf32>
    %dot_general3A_565 = arith.constant dense<0.000000e+00> : vector<400x96xf32>
    %dot_general3A_566 = tpu.matmul %add3A_532, %get3A_16, %dot_general3A_565 {dimension_numbers = #tpu.dot_dimension_numbers<[1], [0], [0], [1], [0, 0, 1, 1], [], []>, transpose_lhs_hint = false} : vector<400x32xf32>, vector<32x96xf32>, vector<400x96xf32> -> vector<400x96xf32>
    %add3A_567 = vector.broadcast %get3A_19 : vector<1x96xf32> to vector<400x96xf32>
    %add3A_568 = arith.addf %dot_general3A_566, %add3A_567 : vector<400x96xf32>
    %slice3A_569 = vector.extract_strided_slice %add3A_564 {offsets = [0, 0], sizes = [400, 32], strides = [1, 1]} : vector<400x96xf32> to vector<400x32xf32>
    %slice3A_570 = vector.extract_strided_slice %add3A_568 {offsets = [0, 0], sizes = [400, 32], strides = [1, 1]} : vector<400x96xf32> to vector<400x32xf32>
    %add3A_571 = arith.addf %slice3A_569, %slice3A_570 : vector<400x32xf32>
    %logistic3A_572 = arith.negf %add3A_571 : vector<400x32xf32>
    %logistic3A_573 = math.exp %logistic3A_572 : vector<400x32xf32>
    %logistic3A_574 = arith.constant 1.000000e+00 : f32
    %logistic3A_575 = vector.broadcast %logistic3A_574 : f32 to vector<400x32xf32>
    %logistic3A_576 = arith.addf %logistic3A_575, %logistic3A_573 : vector<400x32xf32>
    %logistic3A_577 = arith.divf %logistic3A_575, %logistic3A_576 : vector<400x32xf32>
    %slice3A_578 = vector.extract_strided_slice %add3A_564 {offsets = [0, 32], sizes = [400, 32], strides = [1, 1]} : vector<400x96xf32> to vector<400x32xf32>
    %slice3A_579 = vector.extract_strided_slice %add3A_568 {offsets = [0, 32], sizes = [400, 32], strides = [1, 1]} : vector<400x96xf32> to vector<400x32xf32>
    %add3A_580 = arith.addf %slice3A_578, %slice3A_579 : vector<400x32xf32>
    %logistic3A_581 = arith.negf %add3A_580 : vector<400x32xf32>
    %logistic3A_582 = math.exp %logistic3A_581 : vector<400x32xf32>
    %logistic3A_583 = arith.constant 1.000000e+00 : f32
    %logistic3A_584 = vector.broadcast %logistic3A_583 : f32 to vector<400x32xf32>
    %logistic3A_585 = arith.addf %logistic3A_584, %logistic3A_582 : vector<400x32xf32>
    %logistic3A_586 = arith.divf %logistic3A_584, %logistic3A_585 : vector<400x32xf32>
    %slice3A_587 = vector.extract_strided_slice %add3A_564 {offsets = [0, 64], sizes = [400, 32], strides = [1, 1]} : vector<400x96xf32> to vector<400x32xf32>
    %slice3A_588 = vector.extract_strided_slice %add3A_568 {offsets = [0, 64], sizes = [400, 32], strides = [1, 1]} : vector<400x96xf32> to vector<400x32xf32>
    %mul3A_589 = arith.mulf %logistic3A_577, %slice3A_588 : vector<400x32xf32>
    %add3A_590 = arith.addf %slice3A_587, %mul3A_589 : vector<400x32xf32>
    %tanh3A_591 = math.tanh %add3A_590 : vector<400x32xf32>
    %sub3A_592 = arith.constant 1.000000e+00 : f32
    %sub3A_593 = vector.broadcast %sub3A_592 : f32 to vector<400x32xf32>
    %sub3A_594 = arith.subf %sub3A_593, %logistic3A_586 : vector<400x32xf32>
    %mul3A_595 = arith.mulf %sub3A_594, %tanh3A_591 : vector<400x32xf32>
    %mul3A_596 = arith.mulf %logistic3A_586, %add3A_532 : vector<400x32xf32>
    %add3A_597 = arith.addf %mul3A_595, %mul3A_596 : vector<400x32xf32>
    %get3A_598 = arith.constant 9 : index
    %get3A_599 = arith.constant 0 : index
    %get3A_600 = arith.constant 0 : index
    %get3A_601 = arith.constant 0 : index
    %get3A_602 = vector.load %arg1[%get3A_598, %get3A_599, %get3A_600, %get3A_601] : memref<12x2x400x16xf32, #tpu.memory_space<vmem>>, vector<1x1x400x16xf32>
    %get3A_603 = vector.shape_cast %get3A_602 : vector<1x1x400x16xf32> to vector<400x16xf32>
    %get3A_604 = arith.constant 9 : index
    %get3A_605 = arith.constant 1 : index
    %get3A_606 = arith.constant 0 : index
    %get3A_607 = arith.constant 0 : index
    %get3A_608 = vector.load %arg1[%get3A_604, %get3A_605, %get3A_606, %get3A_607] : memref<12x2x400x16xf32, #tpu.memory_space<vmem>>, vector<1x1x400x16xf32>
    %get3A_609 = vector.shape_cast %get3A_608 : vector<1x1x400x16xf32> to vector<400x16xf32>
    %add3A_610 = arith.addf %get3A_603, %get3A_609 : vector<400x16xf32>
    %get3A_611 = arith.constant 0 : index
    %get3A_612 = arith.constant 9 : index
    %get3A_613 = arith.constant 0 : index
    %get3A_614 = vector.load %arg2[%get3A_611, %get3A_612, %get3A_613] : memref<400x12x16xf32, #tpu.memory_space<vmem>>, vector<400x1x16xf32>
    %get3A_615 = vector.shape_cast %get3A_614 : vector<400x1x16xf32> to vector<400x16xf32>
    %add3A_616 = arith.addf %add3A_610, %get3A_615 : vector<400x16xf32>
    %mul3A_617 = vector.broadcast %get3A_1 : vector<400x1xf32> to vector<400x16xf32>
    %mul3A_618 = arith.mulf %mul3A_617, %add3A_616 : vector<400x16xf32>
    %dot_general3A_619 = arith.constant dense<0.000000e+00> : vector<400x32xf32>
    %dot_general3A_620 = tpu.matmul %mul3A_618, %get3A_4, %dot_general3A_619 {dimension_numbers = #tpu.dot_dimension_numbers<[1], [0], [0], [1], [0, 0, 1, 1], [], []>, transpose_lhs_hint = false} : vector<400x16xf32>, vector<16x32xf32>, vector<400x32xf32> -> vector<400x32xf32>
    %add3A_621 = vector.broadcast %get3A_7 : vector<1x32xf32> to vector<400x32xf32>
    %add3A_622 = arith.addf %dot_general3A_620, %add3A_621 : vector<400x32xf32>
    %max3A_623 = arith.constant 0.000000e+00 : f32
    %max3A_624 = vector.broadcast %max3A_623 : f32 to vector<400x32xf32>
    %max3A_625 = arith.maximumf %add3A_622, %max3A_624 : vector<400x32xf32>
    %dot_general3A_626 = arith.constant dense<0.000000e+00> : vector<400x96xf32>
    %dot_general3A_627 = tpu.matmul %max3A_625, %get3A_10, %dot_general3A_626 {dimension_numbers = #tpu.dot_dimension_numbers<[1], [0], [0], [1], [0, 0, 1, 1], [], []>, transpose_lhs_hint = false} : vector<400x32xf32>, vector<32x96xf32>, vector<400x96xf32> -> vector<400x96xf32>
    %add3A_628 = vector.broadcast %get3A_13 : vector<1x96xf32> to vector<400x96xf32>
    %add3A_629 = arith.addf %dot_general3A_627, %add3A_628 : vector<400x96xf32>
    %dot_general3A_630 = arith.constant dense<0.000000e+00> : vector<400x96xf32>
    %dot_general3A_631 = tpu.matmul %add3A_597, %get3A_16, %dot_general3A_630 {dimension_numbers = #tpu.dot_dimension_numbers<[1], [0], [0], [1], [0, 0, 1, 1], [], []>, transpose_lhs_hint = false} : vector<400x32xf32>, vector<32x96xf32>, vector<400x96xf32> -> vector<400x96xf32>
    %add3A_632 = vector.broadcast %get3A_19 : vector<1x96xf32> to vector<400x96xf32>
    %add3A_633 = arith.addf %dot_general3A_631, %add3A_632 : vector<400x96xf32>
    %slice3A_634 = vector.extract_strided_slice %add3A_629 {offsets = [0, 0], sizes = [400, 32], strides = [1, 1]} : vector<400x96xf32> to vector<400x32xf32>
    %slice3A_635 = vector.extract_strided_slice %add3A_633 {offsets = [0, 0], sizes = [400, 32], strides = [1, 1]} : vector<400x96xf32> to vector<400x32xf32>
    %add3A_636 = arith.addf %slice3A_634, %slice3A_635 : vector<400x32xf32>
    %logistic3A_637 = arith.negf %add3A_636 : vector<400x32xf32>
    %logistic3A_638 = math.exp %logistic3A_637 : vector<400x32xf32>
    %logistic3A_639 = arith.constant 1.000000e+00 : f32
    %logistic3A_640 = vector.broadcast %logistic3A_639 : f32 to vector<400x32xf32>
    %logistic3A_641 = arith.addf %logistic3A_640, %logistic3A_638 : vector<400x32xf32>
    %logistic3A_642 = arith.divf %logistic3A_640, %logistic3A_641 : vector<400x32xf32>
    %slice3A_643 = vector.extract_strided_slice %add3A_629 {offsets = [0, 32], sizes = [400, 32], strides = [1, 1]} : vector<400x96xf32> to vector<400x32xf32>
    %slice3A_644 = vector.extract_strided_slice %add3A_633 {offsets = [0, 32], sizes = [400, 32], strides = [1, 1]} : vector<400x96xf32> to vector<400x32xf32>
    %add3A_645 = arith.addf %slice3A_643, %slice3A_644 : vector<400x32xf32>
    %logistic3A_646 = arith.negf %add3A_645 : vector<400x32xf32>
    %logistic3A_647 = math.exp %logistic3A_646 : vector<400x32xf32>
    %logistic3A_648 = arith.constant 1.000000e+00 : f32
    %logistic3A_649 = vector.broadcast %logistic3A_648 : f32 to vector<400x32xf32>
    %logistic3A_650 = arith.addf %logistic3A_649, %logistic3A_647 : vector<400x32xf32>
    %logistic3A_651 = arith.divf %logistic3A_649, %logistic3A_650 : vector<400x32xf32>
    %slice3A_652 = vector.extract_strided_slice %add3A_629 {offsets = [0, 64], sizes = [400, 32], strides = [1, 1]} : vector<400x96xf32> to vector<400x32xf32>
    %slice3A_653 = vector.extract_strided_slice %add3A_633 {offsets = [0, 64], sizes = [400, 32], strides = [1, 1]} : vector<400x96xf32> to vector<400x32xf32>
    %mul3A_654 = arith.mulf %logistic3A_642, %slice3A_653 : vector<400x32xf32>
    %add3A_655 = arith.addf %slice3A_652, %mul3A_654 : vector<400x32xf32>
    %tanh3A_656 = math.tanh %add3A_655 : vector<400x32xf32>
    %sub3A_657 = arith.constant 1.000000e+00 : f32
    %sub3A_658 = vector.broadcast %sub3A_657 : f32 to vector<400x32xf32>
    %sub3A_659 = arith.subf %sub3A_658, %logistic3A_651 : vector<400x32xf32>
    %mul3A_660 = arith.mulf %sub3A_659, %tanh3A_656 : vector<400x32xf32>
    %mul3A_661 = arith.mulf %logistic3A_651, %add3A_597 : vector<400x32xf32>
    %add3A_662 = arith.addf %mul3A_660, %mul3A_661 : vector<400x32xf32>
    %get3A_663 = arith.constant 10 : index
    %get3A_664 = arith.constant 0 : index
    %get3A_665 = arith.constant 0 : index
    %get3A_666 = arith.constant 0 : index
    %get3A_667 = vector.load %arg1[%get3A_663, %get3A_664, %get3A_665, %get3A_666] : memref<12x2x400x16xf32, #tpu.memory_space<vmem>>, vector<1x1x400x16xf32>
    %get3A_668 = vector.shape_cast %get3A_667 : vector<1x1x400x16xf32> to vector<400x16xf32>
    %get3A_669 = arith.constant 10 : index
    %get3A_670 = arith.constant 1 : index
    %get3A_671 = arith.constant 0 : index
    %get3A_672 = arith.constant 0 : index
    %get3A_673 = vector.load %arg1[%get3A_669, %get3A_670, %get3A_671, %get3A_672] : memref<12x2x400x16xf32, #tpu.memory_space<vmem>>, vector<1x1x400x16xf32>
    %get3A_674 = vector.shape_cast %get3A_673 : vector<1x1x400x16xf32> to vector<400x16xf32>
    %add3A_675 = arith.addf %get3A_668, %get3A_674 : vector<400x16xf32>
    %get3A_676 = arith.constant 0 : index
    %get3A_677 = arith.constant 10 : index
    %get3A_678 = arith.constant 0 : index
    %get3A_679 = vector.load %arg2[%get3A_676, %get3A_677, %get3A_678] : memref<400x12x16xf32, #tpu.memory_space<vmem>>, vector<400x1x16xf32>
    %get3A_680 = vector.shape_cast %get3A_679 : vector<400x1x16xf32> to vector<400x16xf32>
    %add3A_681 = arith.addf %add3A_675, %get3A_680 : vector<400x16xf32>
    %mul3A_682 = vector.broadcast %get3A_1 : vector<400x1xf32> to vector<400x16xf32>
    %mul3A_683 = arith.mulf %mul3A_682, %add3A_681 : vector<400x16xf32>
    %dot_general3A_684 = arith.constant dense<0.000000e+00> : vector<400x32xf32>
    %dot_general3A_685 = tpu.matmul %mul3A_683, %get3A_4, %dot_general3A_684 {dimension_numbers = #tpu.dot_dimension_numbers<[1], [0], [0], [1], [0, 0, 1, 1], [], []>, transpose_lhs_hint = false} : vector<400x16xf32>, vector<16x32xf32>, vector<400x32xf32> -> vector<400x32xf32>
    %add3A_686 = vector.broadcast %get3A_7 : vector<1x32xf32> to vector<400x32xf32>
    %add3A_687 = arith.addf %dot_general3A_685, %add3A_686 : vector<400x32xf32>
    %max3A_688 = arith.constant 0.000000e+00 : f32
    %max3A_689 = vector.broadcast %max3A_688 : f32 to vector<400x32xf32>
    %max3A_690 = arith.maximumf %add3A_687, %max3A_689 : vector<400x32xf32>
    %dot_general3A_691 = arith.constant dense<0.000000e+00> : vector<400x96xf32>
    %dot_general3A_692 = tpu.matmul %max3A_690, %get3A_10, %dot_general3A_691 {dimension_numbers = #tpu.dot_dimension_numbers<[1], [0], [0], [1], [0, 0, 1, 1], [], []>, transpose_lhs_hint = false} : vector<400x32xf32>, vector<32x96xf32>, vector<400x96xf32> -> vector<400x96xf32>
    %add3A_693 = vector.broadcast %get3A_13 : vector<1x96xf32> to vector<400x96xf32>
    %add3A_694 = arith.addf %dot_general3A_692, %add3A_693 : vector<400x96xf32>
    %dot_general3A_695 = arith.constant dense<0.000000e+00> : vector<400x96xf32>
    %dot_general3A_696 = tpu.matmul %add3A_662, %get3A_16, %dot_general3A_695 {dimension_numbers = #tpu.dot_dimension_numbers<[1], [0], [0], [1], [0, 0, 1, 1], [], []>, transpose_lhs_hint = false} : vector<400x32xf32>, vector<32x96xf32>, vector<400x96xf32> -> vector<400x96xf32>
    %add3A_697 = vector.broadcast %get3A_19 : vector<1x96xf32> to vector<400x96xf32>
    %add3A_698 = arith.addf %dot_general3A_696, %add3A_697 : vector<400x96xf32>
    %slice3A_699 = vector.extract_strided_slice %add3A_694 {offsets = [0, 0], sizes = [400, 32], strides = [1, 1]} : vector<400x96xf32> to vector<400x32xf32>
    %slice3A_700 = vector.extract_strided_slice %add3A_698 {offsets = [0, 0], sizes = [400, 32], strides = [1, 1]} : vector<400x96xf32> to vector<400x32xf32>
    %add3A_701 = arith.addf %slice3A_699, %slice3A_700 : vector<400x32xf32>
    %logistic3A_702 = arith.negf %add3A_701 : vector<400x32xf32>
    %logistic3A_703 = math.exp %logistic3A_702 : vector<400x32xf32>
    %logistic3A_704 = arith.constant 1.000000e+00 : f32
    %logistic3A_705 = vector.broadcast %logistic3A_704 : f32 to vector<400x32xf32>
    %logistic3A_706 = arith.addf %logistic3A_705, %logistic3A_703 : vector<400x32xf32>
    %logistic3A_707 = arith.divf %logistic3A_705, %logistic3A_706 : vector<400x32xf32>
    %slice3A_708 = vector.extract_strided_slice %add3A_694 {offsets = [0, 32], sizes = [400, 32], strides = [1, 1]} : vector<400x96xf32> to vector<400x32xf32>
    %slice3A_709 = vector.extract_strided_slice %add3A_698 {offsets = [0, 32], sizes = [400, 32], strides = [1, 1]} : vector<400x96xf32> to vector<400x32xf32>
    %add3A_710 = arith.addf %slice3A_708, %slice3A_709 : vector<400x32xf32>
    %logistic3A_711 = arith.negf %add3A_710 : vector<400x32xf32>
    %logistic3A_712 = math.exp %logistic3A_711 : vector<400x32xf32>
    %logistic3A_713 = arith.constant 1.000000e+00 : f32
    %logistic3A_714 = vector.broadcast %logistic3A_713 : f32 to vector<400x32xf32>
    %logistic3A_715 = arith.addf %logistic3A_714, %logistic3A_712 : vector<400x32xf32>
    %logistic3A_716 = arith.divf %logistic3A_714, %logistic3A_715 : vector<400x32xf32>
    %slice3A_717 = vector.extract_strided_slice %add3A_694 {offsets = [0, 64], sizes = [400, 32], strides = [1, 1]} : vector<400x96xf32> to vector<400x32xf32>
    %slice3A_718 = vector.extract_strided_slice %add3A_698 {offsets = [0, 64], sizes = [400, 32], strides = [1, 1]} : vector<400x96xf32> to vector<400x32xf32>
    %mul3A_719 = arith.mulf %logistic3A_707, %slice3A_718 : vector<400x32xf32>
    %add3A_720 = arith.addf %slice3A_717, %mul3A_719 : vector<400x32xf32>
    %tanh3A_721 = math.tanh %add3A_720 : vector<400x32xf32>
    %sub3A_722 = arith.constant 1.000000e+00 : f32
    %sub3A_723 = vector.broadcast %sub3A_722 : f32 to vector<400x32xf32>
    %sub3A_724 = arith.subf %sub3A_723, %logistic3A_716 : vector<400x32xf32>
    %mul3A_725 = arith.mulf %sub3A_724, %tanh3A_721 : vector<400x32xf32>
    %mul3A_726 = arith.mulf %logistic3A_716, %add3A_662 : vector<400x32xf32>
    %add3A_727 = arith.addf %mul3A_725, %mul3A_726 : vector<400x32xf32>
    %get3A_728 = arith.constant 11 : index
    %get3A_729 = arith.constant 0 : index
    %get3A_730 = arith.constant 0 : index
    %get3A_731 = arith.constant 0 : index
    %get3A_732 = vector.load %arg1[%get3A_728, %get3A_729, %get3A_730, %get3A_731] : memref<12x2x400x16xf32, #tpu.memory_space<vmem>>, vector<1x1x400x16xf32>
    %get3A_733 = vector.shape_cast %get3A_732 : vector<1x1x400x16xf32> to vector<400x16xf32>
    %get3A_734 = arith.constant 11 : index
    %get3A_735 = arith.constant 1 : index
    %get3A_736 = arith.constant 0 : index
    %get3A_737 = arith.constant 0 : index
    %get3A_738 = vector.load %arg1[%get3A_734, %get3A_735, %get3A_736, %get3A_737] : memref<12x2x400x16xf32, #tpu.memory_space<vmem>>, vector<1x1x400x16xf32>
    %get3A_739 = vector.shape_cast %get3A_738 : vector<1x1x400x16xf32> to vector<400x16xf32>
    %add3A_740 = arith.addf %get3A_733, %get3A_739 : vector<400x16xf32>
    %get3A_741 = arith.constant 0 : index
    %get3A_742 = arith.constant 11 : index
    %get3A_743 = arith.constant 0 : index
    %get3A_744 = vector.load %arg2[%get3A_741, %get3A_742, %get3A_743] : memref<400x12x16xf32, #tpu.memory_space<vmem>>, vector<400x1x16xf32>
    %get3A_745 = vector.shape_cast %get3A_744 : vector<400x1x16xf32> to vector<400x16xf32>
    %add3A_746 = arith.addf %add3A_740, %get3A_745 : vector<400x16xf32>
    %mul3A_747 = vector.broadcast %get3A_1 : vector<400x1xf32> to vector<400x16xf32>
    %mul3A_748 = arith.mulf %mul3A_747, %add3A_746 : vector<400x16xf32>
    %dot_general3A_749 = arith.constant dense<0.000000e+00> : vector<400x32xf32>
    %dot_general3A_750 = tpu.matmul %mul3A_748, %get3A_4, %dot_general3A_749 {dimension_numbers = #tpu.dot_dimension_numbers<[1], [0], [0], [1], [0, 0, 1, 1], [], []>, transpose_lhs_hint = false} : vector<400x16xf32>, vector<16x32xf32>, vector<400x32xf32> -> vector<400x32xf32>
    %add3A_751 = vector.broadcast %get3A_7 : vector<1x32xf32> to vector<400x32xf32>
    %add3A_752 = arith.addf %dot_general3A_750, %add3A_751 : vector<400x32xf32>
    %max3A_753 = arith.constant 0.000000e+00 : f32
    %max3A_754 = vector.broadcast %max3A_753 : f32 to vector<400x32xf32>
    %max3A_755 = arith.maximumf %add3A_752, %max3A_754 : vector<400x32xf32>
    %dot_general3A_756 = arith.constant dense<0.000000e+00> : vector<400x96xf32>
    %dot_general3A_757 = tpu.matmul %max3A_755, %get3A_10, %dot_general3A_756 {dimension_numbers = #tpu.dot_dimension_numbers<[1], [0], [0], [1], [0, 0, 1, 1], [], []>, transpose_lhs_hint = false} : vector<400x32xf32>, vector<32x96xf32>, vector<400x96xf32> -> vector<400x96xf32>
    %add3A_758 = vector.broadcast %get3A_13 : vector<1x96xf32> to vector<400x96xf32>
    %add3A_759 = arith.addf %dot_general3A_757, %add3A_758 : vector<400x96xf32>
    %dot_general3A_760 = arith.constant dense<0.000000e+00> : vector<400x96xf32>
    %dot_general3A_761 = tpu.matmul %add3A_727, %get3A_16, %dot_general3A_760 {dimension_numbers = #tpu.dot_dimension_numbers<[1], [0], [0], [1], [0, 0, 1, 1], [], []>, transpose_lhs_hint = false} : vector<400x32xf32>, vector<32x96xf32>, vector<400x96xf32> -> vector<400x96xf32>
    %add3A_762 = vector.broadcast %get3A_19 : vector<1x96xf32> to vector<400x96xf32>
    %add3A_763 = arith.addf %dot_general3A_761, %add3A_762 : vector<400x96xf32>
    %slice3A_764 = vector.extract_strided_slice %add3A_759 {offsets = [0, 0], sizes = [400, 32], strides = [1, 1]} : vector<400x96xf32> to vector<400x32xf32>
    %slice3A_765 = vector.extract_strided_slice %add3A_763 {offsets = [0, 0], sizes = [400, 32], strides = [1, 1]} : vector<400x96xf32> to vector<400x32xf32>
    %add3A_766 = arith.addf %slice3A_764, %slice3A_765 : vector<400x32xf32>
    %logistic3A_767 = arith.negf %add3A_766 : vector<400x32xf32>
    %logistic3A_768 = math.exp %logistic3A_767 : vector<400x32xf32>
    %logistic3A_769 = arith.constant 1.000000e+00 : f32
    %logistic3A_770 = vector.broadcast %logistic3A_769 : f32 to vector<400x32xf32>
    %logistic3A_771 = arith.addf %logistic3A_770, %logistic3A_768 : vector<400x32xf32>
    %logistic3A_772 = arith.divf %logistic3A_770, %logistic3A_771 : vector<400x32xf32>
    %slice3A_773 = vector.extract_strided_slice %add3A_759 {offsets = [0, 32], sizes = [400, 32], strides = [1, 1]} : vector<400x96xf32> to vector<400x32xf32>
    %slice3A_774 = vector.extract_strided_slice %add3A_763 {offsets = [0, 32], sizes = [400, 32], strides = [1, 1]} : vector<400x96xf32> to vector<400x32xf32>
    %add3A_775 = arith.addf %slice3A_773, %slice3A_774 : vector<400x32xf32>
    %logistic3A_776 = arith.negf %add3A_775 : vector<400x32xf32>
    %logistic3A_777 = math.exp %logistic3A_776 : vector<400x32xf32>
    %logistic3A_778 = arith.constant 1.000000e+00 : f32
    %logistic3A_779 = vector.broadcast %logistic3A_778 : f32 to vector<400x32xf32>
    %logistic3A_780 = arith.addf %logistic3A_779, %logistic3A_777 : vector<400x32xf32>
    %logistic3A_781 = arith.divf %logistic3A_779, %logistic3A_780 : vector<400x32xf32>
    %slice3A_782 = vector.extract_strided_slice %add3A_759 {offsets = [0, 64], sizes = [400, 32], strides = [1, 1]} : vector<400x96xf32> to vector<400x32xf32>
    %slice3A_783 = vector.extract_strided_slice %add3A_763 {offsets = [0, 64], sizes = [400, 32], strides = [1, 1]} : vector<400x96xf32> to vector<400x32xf32>
    %mul3A_784 = arith.mulf %logistic3A_772, %slice3A_783 : vector<400x32xf32>
    %add3A_785 = arith.addf %slice3A_782, %mul3A_784 : vector<400x32xf32>
    %tanh3A_786 = math.tanh %add3A_785 : vector<400x32xf32>
    %sub3A_787 = arith.constant 1.000000e+00 : f32
    %sub3A_788 = vector.broadcast %sub3A_787 : f32 to vector<400x32xf32>
    %sub3A_789 = arith.subf %sub3A_788, %logistic3A_781 : vector<400x32xf32>
    %mul3A_790 = arith.mulf %sub3A_789, %tanh3A_786 : vector<400x32xf32>
    %mul3A_791 = arith.mulf %logistic3A_781, %add3A_727 : vector<400x32xf32>
    %add3A_792 = arith.addf %mul3A_790, %mul3A_791 : vector<400x32xf32>
    %get3A_793 = arith.constant 0 : index
    %get3A_794 = arith.constant 0 : index
    %get3A_795 = vector.load %arg10[%get3A_793, %get3A_794] : memref<32x1xf32, #tpu.memory_space<vmem>>, vector<32x1xf32>
    %dot_general3A_796 = arith.constant dense<0.000000e+00> : vector<400x1xf32>
    %dot_general3A_797 = tpu.matmul %add3A_792, %get3A_795, %dot_general3A_796 {dimension_numbers = #tpu.dot_dimension_numbers<[1], [0], [0], [1], [0, 0, 1, 1], [], []>, transpose_lhs_hint = false} : vector<400x32xf32>, vector<32x1xf32>, vector<400x1xf32> -> vector<400x1xf32>
    %get3A_798 = arith.constant 0 : index
    %get3A_799 = arith.constant 0 : index
    %get3A_800 = vector.load %arg11[%get3A_798, %get3A_799] : memref<1x1xf32, #tpu.memory_space<vmem>>, vector<1x1xf32>
    %add3A_801 = vector.broadcast %get3A_800 : vector<1x1xf32> to vector<400x1xf32>
    %add3A_802 = arith.addf %dot_general3A_797, %add3A_801 : vector<400x1xf32>
    %swap3A = arith.constant 0 : index
    %swap3A_803 = arith.constant 0 : index
    %swap3A_804 = vector.load %arg12[%swap3A, %swap3A_803] : memref<400x1xf32, #tpu.memory_space<vmem>>, vector<400x1xf32>
    tpu.vector_store %arg12[%swap3A, %swap3A_803], %add3A_802 {strides = array<i32>} : memref<400x1xf32, #tpu.memory_space<vmem>>, vector<400x1xf32>,
    return
  }
  func.func @transform_0(%arg0: i32) -> (i32, i32, i32, i32) {
    %c0_i32 = arith.constant 0 : i32
    %c0_i32_0 = arith.constant 0 : i32
    %c0_i32_1 = arith.constant 0 : i32
    %c0_i32_2 = arith.constant 0 : i32
    return %c0_i32, %c0_i32_0, %arg0, %c0_i32_1 : i32, i32, i32, i32
  }
  func.func @transform_1(%arg0: i32) -> (i32, i32, i32) {
    %c0_i32 = arith.constant 0 : i32
    %c0_i32_0 = arith.constant 0 : i32
    %c0_i32_1 = arith.constant 0 : i32
    return %arg0, %c0_i32, %c0_i32_0 : i32, i32, i32
  }
  func.func @transform_2(%arg0: i32) -> (i32, i32) {
    %c0_i32 = arith.constant 0 : i32
    %c0_i32_0 = arith.constant 0 : i32
    return %arg0, %c0_i32 : i32, i32
  }
  func.func @transform_3(%arg0: i32) -> (i32, i32) {
    %c0_i32 = arith.constant 0 : i32
    %c0_i32_0 = arith.constant 0 : i32
    %c0_i32_1 = arith.constant 0 : i32
    return %c0_i32, %c0_i32_0 : i32, i32
  }
  func.func @transform_4(%arg0: i32) -> (i32, i32) {
    %c0_i32 = arith.constant 0 : i32
    %c0_i32_0 = arith.constant 0 : i32
    %c0_i32_1 = arith.constant 0 : i32
    return %c0_i32, %c0_i32_0 : i32, i32
  }
  func.func @transform_5(%arg0: i32) -> (i32, i32) {
    %c0_i32 = arith.constant 0 : i32
    %c0_i32_0 = arith.constant 0 : i32
    %c0_i32_1 = arith.constant 0 : i32
    return %c0_i32, %c0_i32_0 : i32, i32
  }
  func.func @transform_6(%arg0: i32) -> (i32, i32) {
    %c0_i32 = arith.constant 0 : i32
    %c0_i32_0 = arith.constant 0 : i32
    %c0_i32_1 = arith.constant 0 : i32
    return %c0_i32, %c0_i32_0 : i32, i32
  }
  func.func @transform_7(%arg0: i32) -> (i32, i32) {
    %c0_i32 = arith.constant 0 : i32
    %c0_i32_0 = arith.constant 0 : i32
    %c0_i32_1 = arith.constant 0 : i32
    return %c0_i32, %c0_i32_0 : i32, i32
  }
  func.func @transform_8(%arg0: i32) -> (i32, i32) {
    %c0_i32 = arith.constant 0 : i32
    %c0_i32_0 = arith.constant 0 : i32
    %c0_i32_1 = arith.constant 0 : i32
    return %c0_i32, %c0_i32_0 : i32, i32
  }
  func.func @transform_9(%arg0: i32) -> (i32, i32) {
    %c0_i32 = arith.constant 0 : i32
    %c0_i32_0 = arith.constant 0 : i32
    %c0_i32_1 = arith.constant 0 : i32
    return %c0_i32, %c0_i32_0 : i32, i32
  }
  func.func @transform_10(%arg0: i32) -> (i32, i32) {
    %c0_i32 = arith.constant 0 : i32
    %c0_i32_0 = arith.constant 0 : i32
    %c0_i32_1 = arith.constant 0 : i32
    return %c0_i32, %c0_i32_0 : i32, i32
  }
  func.func @transform_11(%arg0: i32) -> (i32, i32) {
    %c0_i32 = arith.constant 0 : i32
    %c0_i32_0 = arith.constant 0 : i32
    return %arg0, %c0_i32 : i32, i32
  }
}

</mosaic_0001>

<sc_bundles>
// kernel: kernel.6.cloned.1.call-start
scs
__scs_entry_jumppad:
0x0: {  	(pc) =	sbr.rel $0x88, $3  }
0x1: {  	(tag) =	ssettag $0x0;
	lr =	simm.s32 $0x1  }
0x2: {  	[smem:$0x3F97] =	sst lr;
	_ =	strace $0xD0000000  }
0x3: {  	_ = 	snop  }
0x4: {  	_ = 	snop  }
0x5: {  	_ = 	snop  }
0x6: {  	_ = 	snop  }
0x7: {  	_ = 	snop  }
__scs_overlays_trampoline_lowered:
0x8: {  	[smem:$0x3FA6] =	sst s0  }
0x9: {  	[smem:$0x3FA7] =	sst s1  }
0xa: {  	[smem:$0x3FA8] =	sst s2  }
0xb: {  	[smem:$0x3FA9] =	sst s3  }
0xc: {  	[smem:$0x3FAA] =	sst s4  }
0xd: {  	[smem:$0x3FAB] =	sst s5  }
0xe: {  	[smem:$0x3FAC] =	sst s6  }
0xf: {  	[smem:$0x3FAD] =	sst s7  }
0x10: {  	[smem:$0x3FAE] =	sst s8  }
0x11: {  	[smem:$0x3FAF] =	sst s9;
	s0 =	simm.s32 @!p0 $0x0  }
0x12: {  	s1 =	sld [smem:$0x3F95];
	s0 =	simm.s32 @p0 $0x1  }
0x13: {  	[smem:$0x3FB0] =	sst s0;
	s0 =	simm.s32 @!p1 $0x0  }
0x14: {  	s2 =	sld [smem:$0x3F94];
	s0 =	simm.s32 @p1 $0x1  }
0x15: {  	[smem:$0x3FB1] =	sst s0;
	s0 =	simm.s32 @!p2 $0x0  }
0x16: {  	s3 =	sld [smem:$0x3FDB];
	s0 =	simm.s32 @p2 $0x1  }
0x17: {  	s4 =	simm.s32 $0x1BF5;
	[smem:$0x3FB3] =	sst s0  }
0x18: {  	s0 =	sld [smem:$0x3F96];
	_ =	swait.ge [sflag:s4], $0x0  }
0x19: {  	s7 =	sld [smem:$0x3F97]  }
0x1a: {  	s8 =	sadd.s32 $0xFFFFE003, lr  }
0x1b: {  	s9 =	sadd.s32 $0xFFFFFEF7, lr;
	s5 =	simm.s32 $0xFFFFFFFF;
	p2 =	slt.u32 s8, $0xFFFFF086  }
0x1c: {  	p1 =	slt.u32 s9, $0xF7A;
	s5 =	simm.s32 @!p2 $0x0  }
0x1d: {  	s5 =	simm.s32 @p1 $0x1;
	p0 =	seq.s32 s7, s2  }
0x1e: {  	s7 =	smul.u32 @!p0 $0xF7A, s2;
	p2 =	seq.s32 @!p0 s5, $0x0  }
0x1f: {  	s9 =	smul.u32 $0xF7A, s1;
	s8 =	simm.s32 @!p0 $0x1BF5;
	p2 =	por !p2, p0  }
0x20: {  	[sflag:s8] =	ssyncset.s32 @!p0 $0xFFFFF086;
	s6 =	sadd.s32 @!p0 s3, s7;
	s7 =	simm.s32 @!p0 $0x108  }
0x21: {  	s3 =	sadd.s32 s3, s9;
	s6 =	sadd.s32 @!p0 $0x88, s6;
	s7 =	simm.s32 @p2 $0x1082  }
0x22: {  	[simem:s7], [sflag:s8] =	dma.local @!p0 [hbm:s6], $0xF7A  }
0x23: {  	s9 =	sor.u32 $0xD0000000, s2;
	s6 =	simm.s32 $0x108;
	_ =	swait.ge @!p0 [sflag:s8], $0x0  }
0x24: {  	s3 =	sadd.s32 $0x88, s3;
	s6 =	simm.s32 @!p1 $0x1082;
	[sflag:s4] =	ssyncset.s32 $0xFFFFF086  }
0x25: {  	[simem:s6], [sflag:s4] =	dma.local [hbm:s3], $0xF7A  }
0x26: {  	[smem:$0x3F97] =	sst s1;
	(tag) =	ssettag s2;
	_ =	strace s9  }
0x27: {  	s1 =	sld [smem:$0x3FA7]  }
0x28: {  	s2 =	sld [smem:$0x3FA8]  }
0x29: {  	s4 =	sld [smem:$0x3FAA]  }
0x2a: {  	p0 =	seq.s32 s5, $0x0;
	s5 =	sld [smem:$0x3FAB]  }
0x2b: {  	s6 =	sld [smem:$0x3FAC]  }
0x2c: {  	s7 =	sld [smem:$0x3FAD]  }
0x2d: {  	s3 =	simm.s32 $0x108;
	s8 =	sld [smem:$0x3FAE]  }
0x2e: {  	s3 =	simm.s32 @!p0 $0x1082;
	s9 =	sld [smem:$0x3FAF]  }
0x2f: {  	lr =	sadd.s32 s0, s3;
	s0 =	sld [smem:$0x3FA6]  }
0x30: {  	s3 =	sld [smem:$0x3FA9]  }
0x31: {  	[smem:$0x3FB2] =	sst s10  }
0x32: {  	s10 =	sld [smem:$0x3FB0];
	_ =	sdelay $0x3  }
0x33: {  	p0 =	seq.s32 s10, $0x1;
	s10 =	sld [smem:$0x3FB2];
	_ =	sdelay $0x3  }
0x34: {  	[smem:$0x3FB2] =	sst s10  }
0x35: {  	s10 =	sld [smem:$0x3FB1];
	_ =	sdelay $0x3  }
0x36: {  	p1 =	seq.s32 s10, $0x1;
	s10 =	sld [smem:$0x3FB2];
	_ =	sdelay $0x3  }
0x37: {  	[smem:$0x3FB2] =	sst s10  }
0x38: {  	s10 =	sld [smem:$0x3FB3]  }
0x39: {  	_ = 	snop;
	(pc) =	sbr.ind lr, $3  }
0x3a: {  	_ = 	snop  }
0x3b: {  	_ = 	snop  }
0x3c: {  	p2 =	seq.s32 s10, $0x1;
	s10 =	sld [smem:$0x3FB2]  }
0x3d: {  	_ =	shalt  }
0x3e: {  	_ =	shalt  }
0x3f: {  	_ =	shalt  }
0x40: {  	_ =	shalt  }
0x41: {  	_ =	shalt  }
0x42: {  	_ =	shalt  }
0x43: {  	_ =	shalt  }
0x44: {  	_ =	shalt  }
0x45: {  	_ =	shalt  }
0x46: {  	_ =	shalt  }
0x47: {  	_ =	shalt  }
0x48: {  	_ =	shalt  }
0x49: {  	_ =	shalt  }
0x4a: {  	_ =	shalt  }
0x4b: {  	_ =	shalt  }
0x4c: {  	_ =	shalt  }
0x4d: {  	_ =	shalt  }
0x4e: {  	_ =	shalt  }
0x4f: {  	_ =	shalt  }
0x50: {  	_ =	shalt  }
0x51: {  	_ =	shalt  }
0x52: {  	_ =	shalt  }
0x53: {  	_ =	shalt  }
0x54: {  	_ =	shalt  }
0x55: {  	_ =	shalt  }
0x56: {  	_ =	shalt  }
0x57: {  	_ =	shalt  }
0x58: {  	_ =	shalt  }
0x59: {  	_ =	shalt  }
0x5a: {  	_ =	shalt  }
0x5b: {  	_ =	shalt  }
0x5c: {  	_ =	shalt  }
0x5d: {  	_ =	shalt  }
0x5e: {  	_ =	shalt  }
0x5f: {  	_ =	shalt  }
0x60: {  	_ =	shalt  }
0x61: {  	_ =	shalt  }
0x62: {  	_ =	shalt  }
0x63: {  	_ =	shalt  }
0x64: {  	_ =	shalt  }
0x65: {  	_ =	shalt  }
0x66: {  	_ =	shalt  }
0x67: {  	_ =	shalt  }
0x68: {  	_ =	shalt  }
0x69: {  	_ =	shalt  }
0x6a: {  	_ =	shalt  }
0x6b: {  	_ =	shalt  }
0x6c: {  	_ =	shalt  }
0x6d: {  	_ =	shalt  }
0x6e: {  	_ =	shalt  }
0x6f: {  	_ =	shalt  }
0x70: {  	_ =	shalt  }
0x71: {  	_ =	shalt  }
0x72: {  	_ =	shalt  }
0x73: {  	_ =	shalt  }
0x74: {  	_ =	shalt  }
0x75: {  	_ =	shalt  }
0x76: {  	_ =	shalt  }
0x77: {  	_ =	shalt  }
0x78: {  	_ =	shalt  }
0x79: {  	_ =	shalt  }
0x7a: {  	_ =	shalt  }
0x7b: {  	_ =	shalt  }
0x7c: {  	_ =	shalt  }
0x7d: {  	_ =	shalt  }
0x7e: {  	_ =	shalt  }
0x7f: {  	_ =	shalt  }
0x80: {  	_ =	shalt  }
0x81: {  	_ =	shalt  }
0x82: {  	_ =	shalt  }
0x83: {  	_ =	shalt  }
0x84: {  	_ =	shalt  }
0x85: {  	_ =	shalt  }
0x86: {  	_ =	shalt  }
0x87: {  	_ =	shalt  }
.Lfunc_end0:
.L_simem_size_0:
called_computation_lowered:
.L_overlay_start_0:
0x88: {  	s2 =	sld [smem:$0x3FD9]  }
0x89: {  	s3 =	sld [smem:$0x3FFE];
	_ =	sdelay $0x1  }
0x8a: {  	s1 =	srdreg.scid  }
0x8b: {  	s0 =	sand.u32 $0x1, s1  }
0x8c: {  	s16 =	sshll.u32 s0, $0xA;
	s2 =	sadd.s32 s3, s2  }
0x8d: {  	s2 =	sadd.s32 s2, s16  }
0x8e: {  	[smem:$0x3FBE] =	sst s2  }
0x8f: {  	_ = 	snop  }
0x90: {  	(tm) =	ssettm $0x1  }
0x91: {  	s17 =	sld [smem:$0x3FFB];
	_ =	sdelay $0x3  }
0x92: {  	_ =	strace s17  }
0x93: {  	s2 =	sld [smem:$0x3FFC];
	_ =	sdelay $0x3  }
0x94: {  	_ =	strace s2  }
0x95: {  	s2 =	sld [smem:$0x3FFD];
	_ =	sdelay $0x3  }
0x96: {  	_ =	strace s2  }
0x97: {  	_ =	strace $0x8FFFFFFF  }
0x98: {  	s18 =	sld [smem:$0x3FDB];
	_ =	sdelay $0x1  }
0x99: {  	s19 =	simm.s32 $_scs_section_size  }
0x9a: {  	s4 =	simm.s32 $_size__tile_overlayer_lowered;
	s5 =	simm.s32 $_tile_overlayer_lowered  }
0x9b: {  	s22 =	simm.s32 $0x1BFF;
	s21 =	sshll.u32 s5, $0x1;
	s2 =	sadd.s32 s19, s18  }
0x9c: {  	s6 =	simm.s32 $0x0;
	s20 =	sshll.u32 s4, $0x1;
	s4 =	sadd.s32 s21, s2  }
0x9d: {  	[timem:s6], [sflag:s22] =	dma.local [hbm:s4], s20  }
0x9e: {  	_ =	swait.ge [sflag:s22], s20  }
0x9f: {  	s3 =	ssub.s32 $0x0, s20;
	[sflag:s22] =	ssyncset.done $0x0  }
0xa0: {  	[sflag:s22] =	ssyncadd.s32 s3;
	_ =	sdelay $0x1  }
0xa1: {  	s23 =	simm.s32 $0x1B8B  }
0xa2: {  	_ =	swait.ge [sflag:s23], $0x1  }
0xa3: {  	[sflag:s23] =	ssyncset.done $0x0  }
0xa4: {  	s25 =	simm.s32 $0x1B8E;
	s24 =	sld [smem:$0x3FFE];
	[sflag:s23] =	ssyncadd.s32 $0xFFFFFFFF  }
0xa5: {  	s26 =	simm.s32 $execute0_lowered;
	[smem:$0x3FD2] =	sst s25  }
0xa6: {  	s4 =	sshll.u32 s26, $0x1;
	_ =	strace $0x80000046;
	[dreg:$0x1] =	wrdreg $0xFFFFFFFF  }
0xa7: {  	s28 =	simm.s32 $_size_execute0_lowered;
	s2 =	sadd.s32 s2, s4;
	[dreg:$0x0] =	wrdreg $0x0  }
0xa8: {  	s4 =	sshll.u32 s28, $0x1;
	[dreg:$0x2] =	wrdreg s2  }
0xa9: {  	[dreg:$0x3] =	wrdreg s4  }
0xaa: {  	[dreg:$0x4] =	wrdreg $0xC0  }
0xab: {  	_ =	task [dreg:s6], $0x5FFFF  }
0xac: {  	[dreg:$0x1] =	wrdreg $0xFFFFFFFF  }
0xad: {  	[dreg:$0x0] =	wrdreg $0x60  }
0xae: {  	[dreg:$0x2] =	wrdreg s24  }
0xaf: {  	[dreg:$0x3] =	wrdreg $0x14000  }
0xb0: {  	[dreg:$0x4] =	wrdreg $0x9  }
0xb1: {  	_ =	task.clear_ibuf [dreg:s6], $0x5FFFF;
	_ =	strace $0x90000046  }
0xb2: {  	s29 =	simm.s32 $0x9;
	_ =	strace $0x80000048  }
0xb3: {  	_ =	swait.ge [sflag:s29], $0x1  }
0xb4: {  	[sflag:s29] =	ssyncadd.s32 $0xFFFFFFFF  }
0xb5: {  	_ =	strace $0x90000048  }
0xb6: {  	_ =	sfence  }
0xb7: {  	s30 =	sld [smem:$0x0];
	_ =	sdelay $0x2  }
0xb8: {  	s31 =	sshll.u32 s1, $0xD;
	s1 =	sshrl.u32 s1, $0x2  }
0xb9: {  	s3 =	sand.u32 $0x4000, s31;
	s1 =	sadd.s32 s1, s30  }
0xba: {  	s0 =	sor.u32 s3, s0;
	s1 =	sshll.u32 s1, $0x11  }
0xbb: {  	s0 =	sor.u32 s1, s0  }
0xbc: {  	s0 =	sadd.s32 $0x8F2B, s0  }
0xbd: {  	[sflag:s0] =	ssyncadd.remote.s32 $0x1  }
0xbe: {  	_ =	sfence.sel $0xFFFF  }
0xbf: {  	[dreg:$0x0] =	wrdreg $0xFFFFFFFF;
	(pc) =	sbr.abs _section_cstart, $3  }
0xc0: {  	[dreg:$0x1] =	wrdreg $0xFFFFFFFF  }
0xc1: {  	_ =	task.clear_ibuf [dreg:s6], $0x2FFFF;
	_ =	strace $0x9FFFFFFF  }
0xc2: {  	(tm) =	ssettm $0x7FFFFFFF  }
0xc3: {  	_ =	shalt  }
tec
execute0_lowered:
.L_overlay_start_1:
0x0: {  	(tag) =	ssettag $0x1  }
0x1: {  	s5 =	rddreg [dreg:$0x0]  }
0x2: {  	s1 =	rddreg [dreg:$0x1]  }
0x3: {  	s0 =	rddreg [dreg:$0x2];
	s2 =	simm.s32 $0x0;
	s3 =	srdreg.scid  }
0x4: {  	s12 =	simm.s32 $0x700;
	s13 =	simm.s32 $0x100;
	s14 =	simm.s32 $0x180  }
0x5: {  	s15 =	simm.s32 $0x200;
	s16 =	simm.s32 $0x280;
	s17 =	simm.s32 $0x300  }
0x6: {  	s18 =	simm.s32 $0x380;
	s19 =	simm.s32 $0x400;
	s20 =	simm.s32 $0x480  }
0x7: {  	s21 =	simm.s32 $0x500;
	s22 =	simm.s32 $0x580;
	s6 =	sand.u32 $0x1, s3  }
0x8: {  	s23 =	simm.s32 $0x600;
	s3 =	stileid.u32;
	s7 =	smul.u32 $0x1900, s6  }
0x9: {  	s26 =	simm.s32 $0x1;
	s28 =	simm.s32 $0x0;
	s8 =	smul.u32 $0xC80, s3  }
0xa: {  	[smem:$0x7FF] =	sst s2;
	s4 =	sadd.s32 $0xC00, s5;
	s10 =	smul.u32 $0x150, s3  }
0xb: {  	_ =	strace $0x80000047;
	s9 =	ssub.s32 $0x2, s6;
	s11 =	smul.u32 $0x1C0, s3  }
0xc: {  	p0 =	seq.s32 s6, $0x0;
	s6 =	simm.s32 $0x20;
	s31 =	sshrl.u32 s9, $0x1  }
0xd: {  	s6 =	simm.s32 @!p0 $0x18;
	s7 =	sadd.s32 s7, s5;
	s9 =	ssub.s32 s9, s31  }
0xe: {  	s10 =	sadd.s32 $0x1C00, s10;
	s5 =	sadd.s32 s8, s1;
	s25 =	sshrl.u32 s8, $0x3  }
0xf: {  	s10 =	smov.u32 @p0 s11;
	s24 =	sadd.s32 $0x31C00, s7;
	s7 =	smax.u32 s9, $0x1  }
0x10: {  	s9 =	simm.s32 $0x780;
	s11 =	simm.s32 $0x80;
	s8 =	sshll.u32 s10, $0x4  }
0x11: {  	v0 =	vimm.f32 $1.000000000e+00;
	v1 =	vimm.f32 $0.0e+00;
	s10 =	simm.s32 $0x2;
	s24 =	sadd.s32 s25, s24;
	s25 =	simm.s32 $0x680  }
.LBB2_1:
0x12: {  	[tilespmem:$0x700] =	vst v0  }
0x13: {  	[tilespmem:$0x710] =	vst v0  }
0x14: {  	[tilespmem:$0x720] =	vst v0  }
0x15: {  	[tilespmem:$0x730] =	vst v0  }
0x16: {  	[tilespmem:$0x740] =	vst v0  }
0x17: {  	[tilespmem:$0x750] =	vst v0  }
0x18: {  	[tilespmem:$0x760] =	vst v0  }
0x19: {  	[tilespmem:$0x770] =	vst v0;
	s29 =	simm.s32 $0x40;
	s30 =	simm.s32 $0x0  }
.LBB2_2:
0x1a: {  	p0 =	sne.s32 s29, $0x31C0;
	[tilespmem:s30+$0x780] =	vst v1;
	s30 =	smov.u32 s29;
	s29 =	sadd.s32 $0x40, s29  }
.Ltmp0:
0x1b: {  	(pc) =	sbr.rel @p0 .LBB2_2-.Ltmp0, $2  }
0x1c: {  	_ =	sdelay $0x2  }
0x1d: {  	s30 =	sshra.s32 s30, $0x2  }
0x1e: {  	[tilespmem:s30+$0x780] =	vst v1;
	p1 =	sne.s32 s6, $0x1  }
0x1f: {  	[spmem:s5] =	stream.linear.scatter [tilespmem:s9], [sflag:$0x2], $0xC80, $0x38;
	[tilespmem:$0x2080] =	vst v63  }
.Ltmp1:
0x20: {  	_ =	swait.ge [sflag:s10], $0xC80;
	(pc) =	sbr.rel @!p1 .LBB2_6-.Ltmp1, $4  }
0x21: {  	[sflag:s10] =	ssyncset.done $0x0  }
0x22: {  	[sflag:s10] =	ssyncadd.s32 $0xFFFFF380  }
0x23: {  	[bflag:$0x0] =	sbarrier.arrive $0xFFFF  }
0x24: {  	s29 =	sadd.s32 $0xFFFFFFFF, s6;
	s31 =	sand.u32 $0x1FFFFFE0, s8;
	p0 =	por $0x0, $0x0  }
0x25: {  	s30 =	sadd.s32 s4, s31  }
0x26: {  	[tilespmem:s2], [sflag:$0x2] =	stream.linear.gather [hbm4b:s30+s2], $0x700, $0x38;
	[tilespmem:$0x2080] =	vst v63  }
0x27: {  	_ =	swait.ge [sflag:s10], $0x700  }
0x28: {  	[sflag:s10] =	ssyncset.done $0x0  }
0x29: {  	[sflag:s10] =	ssyncadd.s32 $0xFFFFF900  }
0x2a: {  	[spmem:s1] =	stream.indirect.scatter.add.f32 [tilespmem:s12], [sflag:$0x1], $0x1, s2, s11, $0xb8;
	[tilespmem:$0x2080] =	vst v63  }
0x2b: {  	_ = 	snop  }
0x2c: {  	[spmem:s1] =	stream.indirect.scatter.add.f32 [tilespmem:s12], [sflag:$0x1], $0x1, s11, s11, $0xb8;
	[tilespmem:$0x2080] =	vst v63  }
0x2d: {  	_ = 	snop  }
0x2e: {  	[spmem:s1] =	stream.indirect.scatter.add.f32 [tilespmem:s12], [sflag:$0x1], $0x1, s13, s11, $0xb8;
	[tilespmem:$0x2080] =	vst v63  }
0x2f: {  	_ = 	snop  }
0x30: {  	[spmem:s1] =	stream.indirect.scatter.add.f32 [tilespmem:s12], [sflag:$0x1], $0x1, s14, s11, $0xb8;
	[tilespmem:$0x2080] =	vst v63  }
0x31: {  	_ = 	snop  }
0x32: {  	[spmem:s1] =	stream.indirect.scatter.add.f32 [tilespmem:s12], [sflag:$0x1], $0x1, s15, s11, $0xb8;
	[tilespmem:$0x2080] =	vst v63  }
0x33: {  	_ = 	snop  }
0x34: {  	[spmem:s1] =	stream.indirect.scatter.add.f32 [tilespmem:s12], [sflag:$0x1], $0x1, s16, s11, $0xb8;
	[tilespmem:$0x2080] =	vst v63  }
0x35: {  	_ = 	snop  }
0x36: {  	[spmem:s1] =	stream.indirect.scatter.add.f32 [tilespmem:s12], [sflag:$0x1], $0x1, s17, s11, $0xb8;
	[tilespmem:$0x2080] =	vst v63  }
0x37: {  	_ = 	snop  }
0x38: {  	[spmem:s1] =	stream.indirect.scatter.add.f32 [tilespmem:s12], [sflag:$0x1], $0x1, s18, s11, $0xb8;
	[tilespmem:$0x2080] =	vst v63  }
0x39: {  	_ = 	snop  }
0x3a: {  	[spmem:s1] =	stream.indirect.scatter.add.f32 [tilespmem:s12], [sflag:$0x1], $0x1, s19, s11, $0xb8;
	[tilespmem:$0x2080] =	vst v63  }
0x3b: {  	_ = 	snop  }
0x3c: {  	[spmem:s1] =	stream.indirect.scatter.add.f32 [tilespmem:s12], [sflag:$0x1], $0x1, s20, s11, $0xb8;
	[tilespmem:$0x2080] =	vst v63  }
0x3d: {  	_ = 	snop  }
0x3e: {  	[spmem:s1] =	stream.indirect.scatter.add.f32 [tilespmem:s12], [sflag:$0x1], $0x1, s21, s11, $0xb8;
	[tilespmem:$0x2080] =	vst v63  }
0x3f: {  	_ = 	snop  }
0x40: {  	[spmem:s1] =	stream.indirect.scatter.add.f32 [tilespmem:s12], [sflag:$0x1], $0x1, s22, s11, $0xb8;
	[tilespmem:$0x2080] =	vst v63  }
0x41: {  	_ = 	snop  }
0x42: {  	[spmem:s1] =	stream.indirect.scatter.add.f32 [tilespmem:s12], [sflag:$0x1], $0x1, s23, s11, $0xb8;
	[tilespmem:$0x2080] =	vst v63  }
0x43: {  	_ = 	snop  }
0x44: {  	[spmem:s1] =	stream.indirect.scatter.add.f32 [tilespmem:s12], [sflag:$0x1], $0x1, s25, s11, $0xb8;
	[tilespmem:$0x2080] =	vst v63  }
0x45: {  	_ =	swait.ge [sflag:s26], $0x80  }
0x46: {  	[sflag:s26] =	ssyncset.done $0x0  }
0x47: {  	[sflag:s26] =	ssyncadd.s32 $0xFFFFFF80  }
0x48: {  	_ =	swait.ge [sflag:s26], $0x80  }
0x49: {  	[sflag:s26] =	ssyncset.done $0x0  }
0x4a: {  	[sflag:s26] =	ssyncadd.s32 $0xFFFFFF80  }
0x4b: {  	_ =	swait.ge [sflag:s26], $0x80  }
0x4c: {  	[sflag:s26] =	ssyncset.done $0x0  }
0x4d: {  	[sflag:s26] =	ssyncadd.s32 $0xFFFFFF80  }
0x4e: {  	_ =	swait.ge [sflag:s26], $0x80  }
0x4f: {  	[sflag:s26] =	ssyncset.done $0x0  }
0x50: {  	[sflag:s26] =	ssyncadd.s32 $0xFFFFFF80  }
0x51: {  	_ =	swait.ge [sflag:s26], $0x80  }
0x52: {  	[sflag:s26] =	ssyncset.done $0x0  }
0x53: {  	[sflag:s26] =	ssyncadd.s32 $0xFFFFFF80  }
0x54: {  	_ =	swait.ge [sflag:s26], $0x80  }
0x55: {  	[sflag:s26] =	ssyncset.done $0x0  }
0x56: {  	[sflag:s26] =	ssyncadd.s32 $0xFFFFFF80  }
0x57: {  	_ =	swait.ge [sflag:s26], $0x80  }
0x58: {  	[sflag:s26] =	ssyncset.done $0x0  }
0x59: {  	[sflag:s26] =	ssyncadd.s32 $0xFFFFFF80  }
0x5a: {  	_ =	swait.ge [sflag:s26], $0x80  }
0x5b: {  	[sflag:s26] =	ssyncset.done $0x0  }
0x5c: {  	[sflag:s26] =	ssyncadd.s32 $0xFFFFFF80  }
0x5d: {  	_ =	swait.ge [sflag:s26], $0x80  }
0x5e: {  	[sflag:s26] =	ssyncset.done $0x0  }
0x5f: {  	[sflag:s26] =	ssyncadd.s32 $0xFFFFFF80  }
0x60: {  	_ =	swait.ge [sflag:s26], $0x80  }
0x61: {  	[sflag:s26] =	ssyncset.done $0x0  }
0x62: {  	[sflag:s26] =	ssyncadd.s32 $0xFFFFFF80  }
0x63: {  	_ =	swait.ge [sflag:s26], $0x80  }
0x64: {  	[sflag:s26] =	ssyncset.done $0x0  }
0x65: {  	[sflag:s26] =	ssyncadd.s32 $0xFFFFFF80  }
0x66: {  	_ =	swait.ge [sflag:s26], $0x80  }
0x67: {  	[sflag:s26] =	ssyncset.done $0x0  }
0x68: {  	p1 =	sne.s32 s29, $0x1;
	[sflag:s26] =	ssyncadd.s32 $0xFFFFFF80  }
.Ltmp2:
0x69: {  	_ =	swait.ge [sflag:s26], $0x80;
	(pc) =	sbr.rel @!p1 .LBB2_6-.Ltmp2, $4  }
0x6a: {  	[sflag:s26] =	ssyncset.done $0x0  }
0x6b: {  	[sflag:s26] =	ssyncadd.s32 $0xFFFFFF80  }
0x6c: {  	s29 =	sadd.s32 $0xFFFFFFFF, s29;
	s30 =	sadd.s32 $0xE0, s8;
	_ =	swait.ge [sflag:s26], $0x80  }
0x6d: {  	p0 =	por $0x1, $0x1;
	s31 =	sand.u32 $0x1FFFFFE0, s30;
	[sflag:s26] =	ssyncset.done $0x0  }
.LBB2_5:
0x6e: {  	p1 =	sne.s32 s29, $0x1;
	s31 =	sadd.s32 s4, s31;
	[sflag:s26] =	ssyncadd.s32 $0xFFFFFF80  }
0x6f: {  	[tilespmem:s2], [sflag:$0x2] =	stream.linear.gather [hbm4b:s31+s2], $0x700, $0x38;
	[tilespmem:$0x2080] =	vst v63  }
0x70: {  	s29 =	sadd.s32 $0xFFFFFFFF, s29;
	_ =	swait.ge [sflag:s10], $0x700  }
0x71: {  	[sflag:s10] =	ssyncset.done $0x0  }
0x72: {  	[sflag:s10] =	ssyncadd.s32 $0xFFFFF900  }
0x73: {  	[spmem:s1] =	stream.indirect.scatter.add.f32 [tilespmem:s12], [sflag:$0x1], $0x1, s2, s11, $0xb8;
	[tilespmem:$0x2080] =	vst v63  }
0x74: {  	_ = 	snop  }
0x75: {  	[spmem:s1] =	stream.indirect.scatter.add.f32 [tilespmem:s12], [sflag:$0x1], $0x1, s11, s11, $0xb8;
	[tilespmem:$0x2080] =	vst v63  }
0x76: {  	_ = 	snop  }
0x77: {  	[spmem:s1] =	stream.indirect.scatter.add.f32 [tilespmem:s12], [sflag:$0x1], $0x1, s13, s11, $0xb8;
	[tilespmem:$0x2080] =	vst v63  }
0x78: {  	_ = 	snop  }
0x79: {  	[spmem:s1] =	stream.indirect.scatter.add.f32 [tilespmem:s12], [sflag:$0x1], $0x1, s14, s11, $0xb8;
	[tilespmem:$0x2080] =	vst v63  }
0x7a: {  	_ = 	snop  }
0x7b: {  	[spmem:s1] =	stream.indirect.scatter.add.f32 [tilespmem:s12], [sflag:$0x1], $0x1, s15, s11, $0xb8;
	[tilespmem:$0x2080] =	vst v63  }
0x7c: {  	_ = 	snop  }
0x7d: {  	[spmem:s1] =	stream.indirect.scatter.add.f32 [tilespmem:s12], [sflag:$0x1], $0x1, s16, s11, $0xb8;
	[tilespmem:$0x2080] =	vst v63  }
0x7e: {  	_ = 	snop  }
0x7f: {  	[spmem:s1] =	stream.indirect.scatter.add.f32 [tilespmem:s12], [sflag:$0x1], $0x1, s17, s11, $0xb8;
	[tilespmem:$0x2080] =	vst v63  }
0x80: {  	_ = 	snop  }
0x81: {  	[spmem:s1] =	stream.indirect.scatter.add.f32 [tilespmem:s12], [sflag:$0x1], $0x1, s18, s11, $0xb8;
	[tilespmem:$0x2080] =	vst v63  }
0x82: {  	_ = 	snop  }
0x83: {  	[spmem:s1] =	stream.indirect.scatter.add.f32 [tilespmem:s12], [sflag:$0x1], $0x1, s19, s11, $0xb8;
	[tilespmem:$0x2080] =	vst v63  }
0x84: {  	_ = 	snop  }
0x85: {  	[spmem:s1] =	stream.indirect.scatter.add.f32 [tilespmem:s12], [sflag:$0x1], $0x1, s20, s11, $0xb8;
	[tilespmem:$0x2080] =	vst v63  }
0x86: {  	_ = 	snop  }
0x87: {  	[spmem:s1] =	stream.indirect.scatter.add.f32 [tilespmem:s12], [sflag:$0x1], $0x1, s21, s11, $0xb8;
	[tilespmem:$0x2080] =	vst v63  }
0x88: {  	_ = 	snop  }
0x89: {  	[spmem:s1] =	stream.indirect.scatter.add.f32 [tilespmem:s12], [sflag:$0x1], $0x1, s22, s11, $0xb8;
	[tilespmem:$0x2080] =	vst v63  }
0x8a: {  	_ = 	snop  }
0x8b: {  	[spmem:s1] =	stream.indirect.scatter.add.f32 [tilespmem:s12], [sflag:$0x1], $0x1, s23, s11, $0xb8;
	[tilespmem:$0x2080] =	vst v63  }
0x8c: {  	_ = 	snop  }
0x8d: {  	[spmem:s1] =	stream.indirect.scatter.add.f32 [tilespmem:s12], [sflag:$0x1], $0x1, s25, s11, $0xb8;
	[tilespmem:$0x2080] =	vst v63  }
0x8e: {  	_ =	swait.ge [sflag:s26], $0x80  }
0x8f: {  	[sflag:s26] =	ssyncset.done $0x0  }
0x90: {  	[sflag:s26] =	ssyncadd.s32 $0xFFFFFF80  }
0x91: {  	_ =	swait.ge [sflag:s26], $0x80  }
0x92: {  	[sflag:s26] =	ssyncset.done $0x0  }
0x93: {  	[sflag:s26] =	ssyncadd.s32 $0xFFFFFF80  }
0x94: {  	_ =	swait.ge [sflag:s26], $0x80  }
0x95: {  	[sflag:s26] =	ssyncset.done $0x0  }
0x96: {  	[sflag:s26] =	ssyncadd.s32 $0xFFFFFF80  }
0x97: {  	_ =	swait.ge [sflag:s26], $0x80  }
0x98: {  	[sflag:s26] =	ssyncset.done $0x0  }
0x99: {  	[sflag:s26] =	ssyncadd.s32 $0xFFFFFF80  }
0x9a: {  	_ =	swait.ge [sflag:s26], $0x80  }
0x9b: {  	[sflag:s26] =	ssyncset.done $0x0  }
0x9c: {  	[sflag:s26] =	ssyncadd.s32 $0xFFFFFF80  }
0x9d: {  	_ =	swait.ge [sflag:s26], $0x80  }
0x9e: {  	[sflag:s26] =	ssyncset.done $0x0  }
0x9f: {  	[sflag:s26] =	ssyncadd.s32 $0xFFFFFF80  }
0xa0: {  	_ =	swait.ge [sflag:s26], $0x80  }
0xa1: {  	[sflag:s26] =	ssyncset.done $0x0  }
0xa2: {  	[sflag:s26] =	ssyncadd.s32 $0xFFFFFF80  }
0xa3: {  	_ =	swait.ge [sflag:s26], $0x80  }
0xa4: {  	[sflag:s26] =	ssyncset.done $0x0  }
0xa5: {  	[sflag:s26] =	ssyncadd.s32 $0xFFFFFF80  }
0xa6: {  	_ =	swait.ge [sflag:s26], $0x80  }
0xa7: {  	[sflag:s26] =	ssyncset.done $0x0  }
0xa8: {  	[sflag:s26] =	ssyncadd.s32 $0xFFFFFF80  }
0xa9: {  	_ =	swait.ge [sflag:s26], $0x80  }
0xaa: {  	[sflag:s26] =	ssyncset.done $0x0  }
0xab: {  	[sflag:s26] =	ssyncadd.s32 $0xFFFFFF80  }
0xac: {  	_ =	swait.ge [sflag:s26], $0x80  }
0xad: {  	[sflag:s26] =	ssyncset.done $0x0  }
0xae: {  	[sflag:s26] =	ssyncadd.s32 $0xFFFFFF80  }
0xaf: {  	_ =	swait.ge [sflag:s26], $0x80  }
0xb0: {  	[sflag:s26] =	ssyncset.done $0x0  }
0xb1: {  	[sflag:s26] =	ssyncadd.s32 $0xFFFFFF80  }
.Ltmp3:
0xb2: {  	_ =	swait.ge [sflag:s26], $0x80;
	(pc) =	sbr.rel @p1 .LBB2_5-.Ltmp3, $4  }
0xb3: {  	[sflag:s26] =	ssyncset.done $0x0  }
0xb4: {  	[sflag:s26] =	ssyncadd.s32 $0xFFFFFF80  }
0xb5: {  	s30 =	sadd.s32 $0xE0, s30;
	_ =	swait.ge [sflag:s26], $0x80  }
0xb6: {  	s31 =	sand.u32 $0x1FFFFFE0, s30;
	[sflag:s26] =	ssyncset.done $0x0  }
.LBB2_6:
0xb7: {  	s29 =	sadd.s32 s4, s31;
	[sflag:s26] =	ssyncadd.s32 @p0 $0xFFFFFF80  }
0xb8: {  	[tilespmem:s2], [sflag:$0x2] =	stream.linear.gather [hbm4b:s29+s2], $0x700, $0x38;
	[tilespmem:$0x2080] =	vst v63  }
0xb9: {  	_ =	swait.ge [sflag:s10], $0x700  }
0xba: {  	[sflag:s10] =	ssyncset.done $0x0  }
0xbb: {  	[sflag:s10] =	ssyncadd.s32 $0xFFFFF900  }
0xbc: {  	[spmem:s1] =	stream.indirect.scatter.add.f32 [tilespmem:s12], [sflag:$0x1], $0x1, s2, s11, $0xb8;
	[tilespmem:$0x2080] =	vst v63  }
0xbd: {  	_ = 	snop  }
0xbe: {  	[spmem:s1] =	stream.indirect.scatter.add.f32 [tilespmem:s12], [sflag:$0x1], $0x1, s11, s11, $0xb8;
	[tilespmem:$0x2080] =	vst v63  }
0xbf: {  	_ = 	snop  }
0xc0: {  	[spmem:s1] =	stream.indirect.scatter.add.f32 [tilespmem:s12], [sflag:$0x1], $0x1, s13, s11, $0xb8;
	[tilespmem:$0x2080] =	vst v63  }
0xc1: {  	_ = 	snop  }
0xc2: {  	[spmem:s1] =	stream.indirect.scatter.add.f32 [tilespmem:s12], [sflag:$0x1], $0x1, s14, s11, $0xb8;
	[tilespmem:$0x2080] =	vst v63  }
0xc3: {  	_ = 	snop  }
0xc4: {  	[spmem:s1] =	stream.indirect.scatter.add.f32 [tilespmem:s12], [sflag:$0x1], $0x1, s15, s11, $0xb8;
	[tilespmem:$0x2080] =	vst v63  }
0xc5: {  	_ = 	snop  }
0xc6: {  	[spmem:s1] =	stream.indirect.scatter.add.f32 [tilespmem:s12], [sflag:$0x1], $0x1, s16, s11, $0xb8;
	[tilespmem:$0x2080] =	vst v63  }
0xc7: {  	_ = 	snop  }
0xc8: {  	[spmem:s1] =	stream.indirect.scatter.add.f32 [tilespmem:s12], [sflag:$0x1], $0x1, s17, s11, $0xb8;
	[tilespmem:$0x2080] =	vst v63  }
0xc9: {  	_ = 	snop  }
0xca: {  	[spmem:s1] =	stream.indirect.scatter.add.f32 [tilespmem:s12], [sflag:$0x1], $0x1, s18, s11, $0xb8;
	[tilespmem:$0x2080] =	vst v63  }
0xcb: {  	_ = 	snop  }
0xcc: {  	[spmem:s1] =	stream.indirect.scatter.add.f32 [tilespmem:s12], [sflag:$0x1], $0x1, s19, s11, $0xb8;
	[tilespmem:$0x2080] =	vst v63  }
0xcd: {  	_ = 	snop  }
0xce: {  	[spmem:s1] =	stream.indirect.scatter.add.f32 [tilespmem:s12], [sflag:$0x1], $0x1, s20, s11, $0xb8;
	[tilespmem:$0x2080] =	vst v63  }
0xcf: {  	_ = 	snop  }
0xd0: {  	[spmem:s1] =	stream.indirect.scatter.add.f32 [tilespmem:s12], [sflag:$0x1], $0x1, s21, s11, $0xb8;
	[tilespmem:$0x2080] =	vst v63  }
0xd1: {  	_ = 	snop  }
0xd2: {  	[spmem:s1] =	stream.indirect.scatter.add.f32 [tilespmem:s12], [sflag:$0x1], $0x1, s22, s11, $0xb8;
	[tilespmem:$0x2080] =	vst v63  }
0xd3: {  	_ = 	snop  }
0xd4: {  	[spmem:s1] =	stream.indirect.scatter.add.f32 [tilespmem:s12], [sflag:$0x1], $0x1, s23, s11, $0xb8;
	[tilespmem:$0x2080] =	vst v63  }
0xd5: {  	_ = 	snop  }
0xd6: {  	[spmem:s1] =	stream.indirect.scatter.add.f32 [tilespmem:s12], [sflag:$0x1], $0x1, s25, s11, $0xb8;
	[tilespmem:$0x2080] =	vst v63  }
0xd7: {  	_ =	swait.ge [sflag:s26], $0x80  }
0xd8: {  	[sflag:s26] =	ssyncset.done $0x0  }
0xd9: {  	[sflag:s26] =	ssyncadd.s32 $0xFFFFFF80  }
0xda: {  	_ =	swait.ge [sflag:s26], $0x80  }
0xdb: {  	[sflag:s26] =	ssyncset.done $0x0  }
0xdc: {  	[sflag:s26] =	ssyncadd.s32 $0xFFFFFF80  }
0xdd: {  	_ =	swait.ge [sflag:s26], $0x80  }
0xde: {  	[sflag:s26] =	ssyncset.done $0x0  }
0xdf: {  	[sflag:s26] =	ssyncadd.s32 $0xFFFFFF80  }
0xe0: {  	_ =	swait.ge [sflag:s26], $0x80  }
0xe1: {  	[sflag:s26] =	ssyncset.done $0x0  }
0xe2: {  	[sflag:s26] =	ssyncadd.s32 $0xFFFFFF80  }
0xe3: {  	_ =	swait.ge [sflag:s26], $0x80  }
0xe4: {  	[sflag:s26] =	ssyncset.done $0x0  }
0xe5: {  	[sflag:s26] =	ssyncadd.s32 $0xFFFFFF80  }
0xe6: {  	_ =	swait.ge [sflag:s26], $0x80  }
0xe7: {  	[sflag:s26] =	ssyncset.done $0x0  }
0xe8: {  	[sflag:s26] =	ssyncadd.s32 $0xFFFFFF80  }
0xe9: {  	_ =	swait.ge [sflag:s26], $0x80  }
0xea: {  	[sflag:s26] =	ssyncset.done $0x0  }
0xeb: {  	[sflag:s26] =	ssyncadd.s32 $0xFFFFFF80  }
0xec: {  	_ =	swait.ge [sflag:s26], $0x80  }
0xed: {  	[sflag:s26] =	ssyncset.done $0x0  }
0xee: {  	[sflag:s26] =	ssyncadd.s32 $0xFFFFFF80  }
0xef: {  	_ =	swait.ge [sflag:s26], $0x80  }
0xf0: {  	[sflag:s26] =	ssyncset.done $0x0  }
0xf1: {  	[sflag:s26] =	ssyncadd.s32 $0xFFFFFF80  }
0xf2: {  	_ =	swait.ge [sflag:s26], $0x80  }
0xf3: {  	[sflag:s26] =	ssyncset.done $0x0  }
0xf4: {  	[sflag:s26] =	ssyncadd.s32 $0xFFFFFF80  }
0xf5: {  	_ =	swait.ge [sflag:s26], $0x80  }
0xf6: {  	[sflag:s26] =	ssyncset.done $0x0  }
0xf7: {  	[sflag:s26] =	ssyncadd.s32 $0xFFFFFF80  }
0xf8: {  	_ =	swait.ge [sflag:s26], $0x80  }
0xf9: {  	[sflag:s26] =	ssyncset.done $0x0  }
0xfa: {  	[sflag:s26] =	ssyncadd.s32 $0xFFFFFF80  }
0xfb: {  	_ =	swait.ge [sflag:s26], $0x80  }
0xfc: {  	[sflag:s26] =	ssyncset.done $0x0  }
0xfd: {  	[sflag:s26] =	ssyncadd.s32 $0xFFFFFF80  }
0xfe: {  	_ =	swait.ge [sflag:s26], $0x80  }
0xff: {  	[sflag:s26] =	ssyncset.done $0x0  }
0x100: {  	[sflag:s26] =	ssyncadd.s32 $0xFFFFFF80  }
0x101: {  	[bflag:$0x0] =	sbarrier.arrive $0xFFFF  }
0x102: {  	[tilespmem:s9], [sflag:$0x2] =	stream.linear.gather [spmem:s5], $0xC80, $0x38;
	[tilespmem:$0x2080] =	vst v63  }
0x103: {  	s28 =	sadd.s32 $0x1, s28;
	_ =	swait.ge [sflag:s10], $0xC80  }
0x104: {  	p0 =	sne.s32 s28, s7;
	[sflag:s10] =	ssyncset.done $0x0  }
.Ltmp4:
0x105: {  	[sflag:s10] =	ssyncadd.s32 $0xFFFFF380;
	(pc) =	sbr.rel @p0 .LBB2_1-.Ltmp4, $4  }
0x106: {  	[hbm4b:s24+s2] =	stream.linear.scatter [tilespmem:s9], [sflag:$0x2], $0xC80, $0x38;
	[tilespmem:$0x2080] =	vst v63  }
0x107: {  	_ =	swait.ge [sflag:s10], $0xC80  }
0x108: {  	[sflag:s10] =	ssyncset.done $0x0  }
0x109: {  	[sflag:s10] =	ssyncadd.s32 $0xFFFFF380  }
0x10a: {  	_ =	sfence.sel $0x180000  }
0x10b: {  	[bflag:$0x0] =	sbarrier.arrive $0xFFFF  }
0x10c: {  	p0 =	sne.s32 s3, $0x0;
	_ =	strace $0x90000047  }
0x10d: {  	s0 =	sadd.s32 @!p0 $0x100000, s0;
	[bflag:$0x2] =	sbarrier.arrive $0xFFFF  }
0x10e: {  	[sflag:s0] =	ssyncadd.tile.s32 @!p0 $0x1;
	_ =	shalt  }
.Lfunc_end2:
_tile_overlayer_lowered:
.L_overlay_start_2:
0x10f: {  	(tag) =	ssettag $0x2  }
0x110: {  	s0 =	rddreg [dreg:$0x0];
	s2 =	stileid.u32  }
0x111: {  	s1 =	rddreg [dreg:$0x1];
	p0 =	sne.s32 s2, $0x0  }
0x112: {  	s3 =	rddreg [dreg:$0x2];
	[bflag:$0x3] =	sbarrier.arrive $0xFFFF;
	s2 =	simm.s32 @!p0 $0x1C02  }
0x113: {  	[timem:s3], [sflag:s2] =	dma.local @!p0 [hbm:s0], s1  }
0x114: {  	s0 =	simm.s32 @!p0 $0x2  }
0x115: {  	_ =	swait.ge @!p0 [sflag:s0], s1  }
0x116: {  	s1 =	ssub.s32 @!p0 $0x0, s1;
	[sflag:s0] =	ssyncset.done @!p0 $0x0  }
0x117: {  	[sflag:s0] =	ssyncadd.s32 @!p0 s1  }
0x118: {  	[bflag:$0x3] =	sbarrier.arrive $0xFFFF  }
0x119: {  	_ =	shalt  }

// kernel: kernel.9.cloned.1.call-start
scs
__scs_entry_jumppad:
0x0: {  	(pc) =	sbr.rel $0x88, $3  }
0x1: {  	(tag) =	ssettag $0x0;
	lr =	simm.s32 $0x1  }
0x2: {  	[smem:$0x3F97] =	sst lr;
	_ =	strace $0xD0000000  }
0x3: {  	_ = 	snop  }
0x4: {  	_ = 	snop  }
0x5: {  	_ = 	snop  }
0x6: {  	_ = 	snop  }
0x7: {  	_ = 	snop  }
__scs_overlays_trampoline_lowered:
0x8: {  	[smem:$0x3FA6] =	sst s0  }
0x9: {  	[smem:$0x3FA7] =	sst s1  }
0xa: {  	[smem:$0x3FA8] =	sst s2  }
0xb: {  	[smem:$0x3FA9] =	sst s3  }
0xc: {  	[smem:$0x3FAA] =	sst s4  }
0xd: {  	[smem:$0x3FAB] =	sst s5  }
0xe: {  	[smem:$0x3FAC] =	sst s6  }
0xf: {  	[smem:$0x3FAD] =	sst s7  }
0x10: {  	[smem:$0x3FAE] =	sst s8  }
0x11: {  	[smem:$0x3FAF] =	sst s9;
	s0 =	simm.s32 @!p0 $0x0  }
0x12: {  	s1 =	sld [smem:$0x3F95];
	s0 =	simm.s32 @p0 $0x1  }
0x13: {  	[smem:$0x3FB0] =	sst s0;
	s0 =	simm.s32 @!p1 $0x0  }
0x14: {  	s2 =	sld [smem:$0x3F94];
	s0 =	simm.s32 @p1 $0x1  }
0x15: {  	[smem:$0x3FB1] =	sst s0;
	s0 =	simm.s32 @!p2 $0x0  }
0x16: {  	s3 =	sld [smem:$0x3FDB];
	s0 =	simm.s32 @p2 $0x1  }
0x17: {  	s4 =	simm.s32 $0x1BF5;
	[smem:$0x3FB3] =	sst s0  }
0x18: {  	s0 =	sld [smem:$0x3F96];
	_ =	swait.ge [sflag:s4], $0x0  }
0x19: {  	s7 =	sld [smem:$0x3F97]  }
0x1a: {  	s8 =	sadd.s32 $0xFFFFE003, lr  }
0x1b: {  	s9 =	sadd.s32 $0xFFFFFEF7, lr;
	s5 =	simm.s32 $0xFFFFFFFF;
	p2 =	slt.u32 s8, $0xFFFFF086  }
0x1c: {  	p1 =	slt.u32 s9, $0xF7A;
	s5 =	simm.s32 @!p2 $0x0  }
0x1d: {  	s5 =	simm.s32 @p1 $0x1;
	p0 =	seq.s32 s7, s2  }
0x1e: {  	s7 =	smul.u32 @!p0 $0xF7A, s2;
	p2 =	seq.s32 @!p0 s5, $0x0  }
0x1f: {  	s9 =	smul.u32 $0xF7A, s1;
	s8 =	simm.s32 @!p0 $0x1BF5;
	p2 =	por !p2, p0  }
0x20: {  	[sflag:s8] =	ssyncset.s32 @!p0 $0xFFFFF086;
	s6 =	sadd.s32 @!p0 s3, s7;
	s7 =	simm.s32 @!p0 $0x108  }
0x21: {  	s3 =	sadd.s32 s3, s9;
	s6 =	sadd.s32 @!p0 $0x88, s6;
	s7 =	simm.s32 @p2 $0x1082  }
0x22: {  	[simem:s7], [sflag:s8] =	dma.local @!p0 [hbm:s6], $0xF7A  }
0x23: {  	s9 =	sor.u32 $0xD0000000, s2;
	s6 =	simm.s32 $0x108;
	_ =	swait.ge @!p0 [sflag:s8], $0x0  }
0x24: {  	s3 =	sadd.s32 $0x88, s3;
	s6 =	simm.s32 @!p1 $0x1082;
	[sflag:s4] =	ssyncset.s32 $0xFFFFF086  }
0x25: {  	[simem:s6], [sflag:s4] =	dma.local [hbm:s3], $0xF7A  }
0x26: {  	[smem:$0x3F97] =	sst s1;
	(tag) =	ssettag s2;
	_ =	strace s9  }
0x27: {  	s1 =	sld [smem:$0x3FA7]  }
0x28: {  	s2 =	sld [smem:$0x3FA8]  }
0x29: {  	s4 =	sld [smem:$0x3FAA]  }
0x2a: {  	p0 =	seq.s32 s5, $0x0;
	s5 =	sld [smem:$0x3FAB]  }
0x2b: {  	s6 =	sld [smem:$0x3FAC]  }
0x2c: {  	s7 =	sld [smem:$0x3FAD]  }
0x2d: {  	s3 =	simm.s32 $0x108;
	s8 =	sld [smem:$0x3FAE]  }
0x2e: {  	s3 =	simm.s32 @!p0 $0x1082;
	s9 =	sld [smem:$0x3FAF]  }
0x2f: {  	lr =	sadd.s32 s0, s3;
	s0 =	sld [smem:$0x3FA6]  }
0x30: {  	s3 =	sld [smem:$0x3FA9]  }
0x31: {  	[smem:$0x3FB2] =	sst s10  }
0x32: {  	s10 =	sld [smem:$0x3FB0];
	_ =	sdelay $0x3  }
0x33: {  	p0 =	seq.s32 s10, $0x1;
	s10 =	sld [smem:$0x3FB2];
	_ =	sdelay $0x3  }
0x34: {  	[smem:$0x3FB2] =	sst s10  }
0x35: {  	s10 =	sld [smem:$0x3FB1];
	_ =	sdelay $0x3  }
0x36: {  	p1 =	seq.s32 s10, $0x1;
	s10 =	sld [smem:$0x3FB2];
	_ =	sdelay $0x3  }
0x37: {  	[smem:$0x3FB2] =	sst s10  }
0x38: {  	s10 =	sld [smem:$0x3FB3]  }
0x39: {  	_ = 	snop;
	(pc) =	sbr.ind lr, $3  }
0x3a: {  	_ = 	snop  }
0x3b: {  	_ = 	snop  }
0x3c: {  	p2 =	seq.s32 s10, $0x1;
	s10 =	sld [smem:$0x3FB2]  }
0x3d: {  	_ =	shalt  }
0x3e: {  	_ =	shalt  }
0x3f: {  	_ =	shalt  }
0x40: {  	_ =	shalt  }
0x41: {  	_ =	shalt  }
0x42: {  	_ =	shalt  }
0x43: {  	_ =	shalt  }
0x44: {  	_ =	shalt  }
0x45: {  	_ =	shalt  }
0x46: {  	_ =	shalt  }
0x47: {  	_ =	shalt  }
0x48: {  	_ =	shalt  }
0x49: {  	_ =	shalt  }
0x4a: {  	_ =	shalt  }
0x4b: {  	_ =	shalt  }
0x4c: {  	_ =	shalt  }
0x4d: {  	_ =	shalt  }
0x4e: {  	_ =	shalt  }
0x4f: {  	_ =	shalt  }
0x50: {  	_ =	shalt  }
0x51: {  	_ =	shalt  }
0x52: {  	_ =	shalt  }
0x53: {  	_ =	shalt  }
0x54: {  	_ =	shalt  }
0x55: {  	_ =	shalt  }
0x56: {  	_ =	shalt  }
0x57: {  	_ =	shalt  }
0x58: {  	_ =	shalt  }
0x59: {  	_ =	shalt  }
0x5a: {  	_ =	shalt  }
0x5b: {  	_ =	shalt  }
0x5c: {  	_ =	shalt  }
0x5d: {  	_ =	shalt  }
0x5e: {  	_ =	shalt  }
0x5f: {  	_ =	shalt  }
0x60: {  	_ =	shalt  }
0x61: {  	_ =	shalt  }
0x62: {  	_ =	shalt  }
0x63: {  	_ =	shalt  }
0x64: {  	_ =	shalt  }
0x65: {  	_ =	shalt  }
0x66: {  	_ =	shalt  }
0x67: {  	_ =	shalt  }
0x68: {  	_ =	shalt  }
0x69: {  	_ =	shalt  }
0x6a: {  	_ =	shalt  }
0x6b: {  	_ =	shalt  }
0x6c: {  	_ =	shalt  }
0x6d: {  	_ =	shalt  }
0x6e: {  	_ =	shalt  }
0x6f: {  	_ =	shalt  }
0x70: {  	_ =	shalt  }
0x71: {  	_ =	shalt  }
0x72: {  	_ =	shalt  }
0x73: {  	_ =	shalt  }
0x74: {  	_ =	shalt  }
0x75: {  	_ =	shalt  }
0x76: {  	_ =	shalt  }
0x77: {  	_ =	shalt  }
0x78: {  	_ =	shalt  }
0x79: {  	_ =	shalt  }
0x7a: {  	_ =	shalt  }
0x7b: {  	_ =	shalt  }
0x7c: {  	_ =	shalt  }
0x7d: {  	_ =	shalt  }
0x7e: {  	_ =	shalt  }
0x7f: {  	_ =	shalt  }
0x80: {  	_ =	shalt  }
0x81: {  	_ =	shalt  }
0x82: {  	_ =	shalt  }
0x83: {  	_ =	shalt  }
0x84: {  	_ =	shalt  }
0x85: {  	_ =	shalt  }
0x86: {  	_ =	shalt  }
0x87: {  	_ =	shalt  }
.Lfunc_end0:
.L_simem_size_0:
called_computation.1_lowered:
.L_overlay_start_0:
0x88: {  	s2 =	sld [smem:$0x3FD9]  }
0x89: {  	s3 =	sld [smem:$0x3FFE];
	_ =	sdelay $0x1  }
0x8a: {  	s1 =	srdreg.scid  }
0x8b: {  	s0 =	sand.u32 $0x1, s1  }
0x8c: {  	s16 =	sshll.u32 s0, $0xA;
	s2 =	sadd.s32 s3, s2  }
0x8d: {  	s2 =	sadd.s32 s2, s16  }
0x8e: {  	[smem:$0x3FBE] =	sst s2  }
0x8f: {  	_ = 	snop  }
0x90: {  	(tm) =	ssettm $0x1  }
0x91: {  	s17 =	sld [smem:$0x3FFB];
	_ =	sdelay $0x3  }
0x92: {  	_ =	strace s17  }
0x93: {  	s2 =	sld [smem:$0x3FFC];
	_ =	sdelay $0x3  }
0x94: {  	_ =	strace s2  }
0x95: {  	s2 =	sld [smem:$0x3FFD];
	_ =	sdelay $0x3  }
0x96: {  	_ =	strace s2  }
0x97: {  	_ =	strace $0x8FFFFFFF  }
0x98: {  	s18 =	sld [smem:$0x3FDB];
	_ =	sdelay $0x1  }
0x99: {  	s19 =	simm.s32 $_scs_section_size  }
0x9a: {  	s4 =	simm.s32 $_size__tile_overlayer_lowered;
	s5 =	simm.s32 $_tile_overlayer_lowered  }
0x9b: {  	s22 =	simm.s32 $0x1BFF;
	s21 =	sshll.u32 s5, $0x1;
	s2 =	sadd.s32 s19, s18  }
0x9c: {  	s6 =	simm.s32 $0x0;
	s20 =	sshll.u32 s4, $0x1;
	s4 =	sadd.s32 s21, s2  }
0x9d: {  	[timem:s6], [sflag:s22] =	dma.local [hbm:s4], s20  }
0x9e: {  	_ =	swait.ge [sflag:s22], s20  }
0x9f: {  	s3 =	ssub.s32 $0x0, s20;
	[sflag:s22] =	ssyncset.done $0x0  }
0xa0: {  	[sflag:s22] =	ssyncadd.s32 s3;
	_ =	sdelay $0x1  }
0xa1: {  	s23 =	simm.s32 $0x1B8B  }
0xa2: {  	_ =	swait.ge [sflag:s23], $0x1  }
0xa3: {  	[sflag:s23] =	ssyncset.done $0x0  }
0xa4: {  	s25 =	simm.s32 $0x1B8E;
	s24 =	sld [smem:$0x3FFE];
	[sflag:s23] =	ssyncadd.s32 $0xFFFFFFFF  }
0xa5: {  	s26 =	simm.s32 $execute0_lowered;
	[smem:$0x3FD2] =	sst s25  }
0xa6: {  	s4 =	sshll.u32 s26, $0x1;
	_ =	strace $0x80000049;
	[dreg:$0x1] =	wrdreg $0xFFFFFFFF  }
0xa7: {  	s28 =	simm.s32 $_size_execute0_lowered;
	s2 =	sadd.s32 s2, s4;
	[dreg:$0x0] =	wrdreg $0x0  }
0xa8: {  	s4 =	sshll.u32 s28, $0x1;
	[dreg:$0x2] =	wrdreg s2  }
0xa9: {  	[dreg:$0x3] =	wrdreg s4  }
0xaa: {  	[dreg:$0x4] =	wrdreg $0xC0  }
0xab: {  	_ =	task [dreg:s6], $0x5FFFF  }
0xac: {  	[dreg:$0x1] =	wrdreg $0xFFFFFFFF  }
0xad: {  	[dreg:$0x0] =	wrdreg $0x60  }
0xae: {  	[dreg:$0x2] =	wrdreg s24  }
0xaf: {  	[dreg:$0x3] =	wrdreg $0x11E000  }
0xb0: {  	[dreg:$0x4] =	wrdreg $0x9  }
0xb1: {  	_ =	task.clear_ibuf [dreg:s6], $0x5FFFF;
	_ =	strace $0x90000049  }
0xb2: {  	s29 =	simm.s32 $0x9;
	_ =	strace $0x8000004B  }
0xb3: {  	_ =	swait.ge [sflag:s29], $0x1  }
0xb4: {  	[sflag:s29] =	ssyncadd.s32 $0xFFFFFFFF  }
0xb5: {  	_ =	strace $0x9000004B  }
0xb6: {  	_ =	sfence  }
0xb7: {  	s30 =	sld [smem:$0x0];
	_ =	sdelay $0x2  }
0xb8: {  	s31 =	sshll.u32 s1, $0xD;
	s1 =	sshrl.u32 s1, $0x2  }
0xb9: {  	s3 =	sand.u32 $0x4000, s31;
	s1 =	sadd.s32 s1, s30  }
0xba: {  	s0 =	sor.u32 s3, s0;
	s1 =	sshll.u32 s1, $0x11  }
0xbb: {  	s0 =	sor.u32 s1, s0  }
0xbc: {  	s0 =	sadd.s32 $0x8F2B, s0  }
0xbd: {  	[sflag:s0] =	ssyncadd.remote.s32 $0x1  }
0xbe: {  	_ =	sfence.sel $0xFFFF  }
0xbf: {  	[dreg:$0x0] =	wrdreg $0xFFFFFFFF;
	(pc) =	sbr.abs _section_cstart, $3  }
0xc0: {  	[dreg:$0x1] =	wrdreg $0xFFFFFFFF  }
0xc1: {  	_ =	task.clear_ibuf [dreg:s6], $0x2FFFF;
	_ =	strace $0x9FFFFFFF  }
0xc2: {  	(tm) =	ssettm $0x7FFFFFFF  }
0xc3: {  	_ =	shalt  }
tec
execute0_lowered:
.L_overlay_start_1:
0x0: {  	(tag) =	ssettag $0x1  }
0x1: {  	s0 =	rddreg [dreg:$0x0]  }
0x2: {  	s1 =	rddreg [dreg:$0x1];
	s17 =	simm.s32 $0x0  }
0x3: {  	s2 =	srdreg.scid;
	s16 =	stileid.u32;
	s28 =	simm.s32 $0xFA00  }
0x4: {  	s30 =	simm.s32 $0x10200;
	[smem:$0x7FF] =	sst s17;
	s7 =	smul.u32 $0x150, s16  }
0x5: {  	s4 =	sadd.s32 $0xC69E00, s0;
	s5 =	sadd.s32 $0xC00, s0;
	s8 =	smul.u32 $0x1C0, s16  }
0x6: {  	s6 =	sadd.s32 $0x31C00, s0;
	s0 =	sadd.s32 $0x156C00, s0;
	s14 =	smul.u32 $0x32000, s16  }
0x7: {  	s2 =	sand.u32 $0x1, s2;
	s15 =	smul.u32 $0xC80, s16;
	_ =	strace $0x8000004A  }
0x8: {  	s3 =	ssub.s32 $0x2, s2;
	[dreg:$0x4] =	wrdreg s0;
	p0 =	seq.s32 s2, $0x0  }
0x9: {  	s2 =	smul.u32 $0x19000, s2;
	s13 =	sshrl.u32 s3, $0x1;
	s18 =	sadd.s32 $0x1C00, s7  }
0xa: {  	s7 =	sshrl.u32 s14, $0x2;
	s19 =	sadd.s32 $0x780, s15;
	s24 =	sadd.s32 $0x8C0, s15  }
0xb: {  	s25 =	sadd.s32 $0xA00, s15;
	s0 =	ssub.s32 s3, s13;
	s18 =	smov.u32 @p0 s8  }
0xc: {  	s3 =	simm.s32 $0x10;
	[dreg:$0x7] =	wrdreg s2;
	s26 =	sadd.s32 s7, s1  }
0xd: {  	s2 =	sadd.s32 $0x280, s15;
	s7 =	sadd.s32 $0x3C0, s15;
	s13 =	sshll.u32 s19, $0x4  }
0xe: {  	s14 =	sshll.u32 s25, $0x4;
	s19 =	sshll.u32 s19, $0x1;
	[dreg:$0x9] =	wrdreg s26  }
0xf: {  	s3 =	simm.s32 @!p0 $0xC;
	s0 =	smax.u32 s0, $0x1;
	[dreg:$0x18] =	wrdreg s19  }
0x10: {  	s9 =	sshll.u32 s2, $0x4;
	s10 =	sshll.u32 s7, $0x4;
	[dreg:$0x5] =	wrdreg s18  }
0x11: {  	s23 =	sadd.s32 s13, s1;
	s14 =	sadd.s32 s14, s1;
	[dreg:$0x6] =	wrdreg s3  }
0x12: {  	s2 =	sshll.u32 s2, $0x1;
	s7 =	sshll.u32 s7, $0x1;
	[dreg:$0x8] =	wrdreg s0  }
0x13: {  	s0 =	sadd.s32 $0x140, s15;
	s22 =	sadd.s32 s9, s1;
	[dreg:$0xf] =	wrdreg s23  }
0x14: {  	s26 =	sadd.s32 s10, s1;
	s9 =	sadd.s32 $0x500, s15;
	[dreg:$0x14] =	wrdreg s2  }
0x15: {  	s10 =	sadd.s32 $0x640, s15;
	s3 =	sadd.s32 $0xB40, s15;
	[dreg:$0x15] =	wrdreg s7  }
0x16: {  	s23 =	sshll.u32 s25, $0x1;
	s25 =	sor.u32 $0xE, s18;
	[dreg:$0x11] =	wrdreg s14  }
0x17: {  	s7 =	simm.s32 $0xE200;
	s29 =	sshll.u32 s0, $0x4;
	[dreg:$0x1a] =	wrdreg s23  }
0x18: {  	s11 =	sshll.u32 s9, $0x4;
	s12 =	sshll.u32 s10, $0x4;
	[dreg:$0x1c] =	wrdreg s25  }
0x19: {  	s15 =	sshll.u32 s3, $0x4;
	s0 =	sshll.u32 s0, $0x1;
	[dreg:$0xb] =	wrdreg s22  }
0x1a: {  	s8 =	sshll.u32 s9, $0x1;
	s9 =	simm.s32 $0xD200;
	[dreg:$0xc] =	wrdreg s26  }
0x1b: {  	s23 =	simm.s32 $0xEA00;
	s25 =	simm.s32 $0xF200;
	[dreg:$0x13] =	wrdreg s0  }
0x1c: {  	s21 =	sadd.s32 s29, s1;
	s20 =	sadd.s32 s12, s1;
	[dreg:$0x16] =	wrdreg s8  }
0x1d: {  	s31 =	sadd.s32 s11, s1;
	s29 =	sshll.u32 s24, $0x4;
	[dreg:$0xe] =	wrdreg s20  }
0x1e: {  	s12 =	simm.s32 $0xC200;
	s8 =	simm.s32 $0xCA00;
	[dreg:$0xa] =	wrdreg s21  }
0x1f: {  	s0 =	simm.s32 $0xDA00;
	s13 =	sadd.s32 s29, s1;
	[dreg:$0xd] =	wrdreg s31  }
0x20: {  	s11 =	simm.s32 $0x1;
	s20 =	sshll.u32 s24, $0x1;
	[dreg:$0x10] =	wrdreg s13  }
0x21: {  	s24 =	sshll.u32 s3, $0x1;
	s29 =	smul.u32 $0x1900, s16;
	[dreg:$0x19] =	wrdreg s20  }
0x22: {  	s13 =	sadd.s32 s15, s1;
	s15 =	sshll.u32 s10, $0x1;
	[dreg:$0x1b] =	wrdreg s24  }
0x23: {  	s3 =	simm.s32 $0x4;
	s10 =	simm.s32 $0x80;
	[dreg:$0x17] =	wrdreg s15  }
0x24: {  	s20 =	simm.s32 $0xBA00;
	[dreg:$0x1d] =	wrdreg s29;
	s16 =	smov.u32 s13  }
0x25: {  	v0 =	vimm.f32 $0.0e+00;
	s13 =	simm.s32 $0x2;
	s15 =	simm.s32 $0x3;
	[dreg:$0x12] =	wrdreg s16  }
.LBB2_1:
0x26: {  	[dreg:$0x3] =	wrdreg s17;
	s17 =	simm.s32 $0x40;
	s19 =	simm.s32 $0x0  }
.LBB2_2:
0x27: {  	p0 =	sne.s32 s17, $0x4FC0;
	[tilespmem:s19+$0x10A00] =	vst v0;
	s19 =	smov.u32 s17;
	s17 =	sadd.s32 $0x40, s17  }
.Ltmp0:
0x28: {  	(pc) =	sbr.rel @p0 .LBB2_2-.Ltmp0, $2  }
0x29: {  	_ =	sdelay $0x2  }
0x2a: {  	s19 =	sshra.s32 s19, $0x2  }
0x2b: {  	s18 =	rddreg [dreg:$0xe]  }
0x2c: {  	s2 =	rddreg [dreg:$0xf]  }
0x2d: {  	s29 =	rddreg [dreg:$0x10]  }
0x2e: {  	[tilespmem:s19+$0x10A00] =	vst v0;
	s19 =	simm.s32 $0x0;
	s24 =	rddreg [dreg:$0x9]  }
.LBB2_4:
0x2f: {  	s17 =	simm.s32 $0x10A00  }
0x30: {  	[spmem:s24] =	stream.linear.scatter [tilespmem:s17], [sflag:$0x4], $0x1400, $0x38;
	[tilespmem:$0x1E600] =	vst v63  }
0x31: {  	_ =	swait.ge [sflag:s3], $0x1400  }
0x32: {  	[sflag:s3] =	ssyncset.done $0x0  }
0x33: {  	[sflag:s3] =	ssyncadd.s32 $0xFFFFEC00  }
0x34: {  	[spmem:s21] =	stream.linear.scatter [tilespmem:s17], [sflag:$0x4], $0x1400, $0x38;
	[tilespmem:$0x1E600] =	vst v63  }
0x35: {  	_ =	swait.ge [sflag:s3], $0x1400  }
0x36: {  	[sflag:s3] =	ssyncset.done $0x0  }
0x37: {  	[sflag:s3] =	ssyncadd.s32 $0xFFFFEC00  }
0x38: {  	[spmem:s22] =	stream.linear.scatter [tilespmem:s17], [sflag:$0x4], $0x1400, $0x38;
	[tilespmem:$0x1E600] =	vst v63  }
0x39: {  	_ =	swait.ge [sflag:s3], $0x1400  }
0x3a: {  	[sflag:s3] =	ssyncset.done $0x0  }
0x3b: {  	[sflag:s3] =	ssyncadd.s32 $0xFFFFEC00  }
0x3c: {  	[spmem:s26] =	stream.linear.scatter [tilespmem:s17], [sflag:$0x4], $0x1400, $0x38;
	[tilespmem:$0x1E600] =	vst v63  }
0x3d: {  	_ =	swait.ge [sflag:s3], $0x1400  }
0x3e: {  	[sflag:s3] =	ssyncset.done $0x0  }
0x3f: {  	[sflag:s3] =	ssyncadd.s32 $0xFFFFEC00  }
0x40: {  	[spmem:s31] =	stream.linear.scatter [tilespmem:s17], [sflag:$0x4], $0x1400, $0x38;
	[tilespmem:$0x1E600] =	vst v63  }
0x41: {  	_ =	swait.ge [sflag:s3], $0x1400  }
0x42: {  	[sflag:s3] =	ssyncset.done $0x0  }
0x43: {  	[sflag:s3] =	ssyncadd.s32 $0xFFFFEC00  }
0x44: {  	[spmem:s18] =	stream.linear.scatter [tilespmem:s17], [sflag:$0x4], $0x1400, $0x38;
	[tilespmem:$0x1E600] =	vst v63  }
0x45: {  	_ =	swait.ge [sflag:s3], $0x1400  }
0x46: {  	[sflag:s3] =	ssyncset.done $0x0  }
0x47: {  	[sflag:s3] =	ssyncadd.s32 $0xFFFFEC00  }
0x48: {  	[spmem:s2] =	stream.linear.scatter [tilespmem:s17], [sflag:$0x4], $0x1400, $0x38;
	[tilespmem:$0x1E600] =	vst v63  }
0x49: {  	_ =	swait.ge [sflag:s3], $0x1400  }
0x4a: {  	[sflag:s3] =	ssyncset.done $0x0  }
0x4b: {  	[sflag:s3] =	ssyncadd.s32 $0xFFFFEC00  }
0x4c: {  	[spmem:s29] =	stream.linear.scatter [tilespmem:s17], [sflag:$0x4], $0x1400, $0x38;
	[tilespmem:$0x1E600] =	vst v63  }
0x4d: {  	_ =	swait.ge [sflag:s3], $0x1400  }
0x4e: {  	[sflag:s3] =	ssyncset.done $0x0  }
0x4f: {  	[sflag:s3] =	ssyncadd.s32 $0xFFFFEC00  }
0x50: {  	[spmem:s14] =	stream.linear.scatter [tilespmem:s17], [sflag:$0x4], $0x1400, $0x38;
	[tilespmem:$0x1E600] =	vst v63  }
0x51: {  	_ =	swait.ge [sflag:s3], $0x1400  }
0x52: {  	[sflag:s3] =	ssyncset.done $0x0  }
0x53: {  	[sflag:s3] =	ssyncadd.s32 $0xFFFFEC00  }
0x54: {  	[spmem:s16] =	stream.linear.scatter [tilespmem:s17], [sflag:$0x4], $0x1400, $0x38;
	[tilespmem:$0x1E600] =	vst v63  }
0x55: {  	_ =	swait.ge [sflag:s3], $0x1400  }
0x56: {  	[sflag:s3] =	ssyncset.done $0x0  }
0x57: {  	[sflag:s3] =	ssyncadd.s32 $0xFFFFEC00  }
0x58: {  	s24 =	simm.s32 $0xB200;
	s31 =	simm.s32 $0x1D00;
	[bflag:$0x0] =	sbarrier.arrive $0xFFFF  }
0x59: {  	s18 =	simm.s32 $0x1500;
	s29 =	simm.s32 $0xE80;
	[dreg:$0x1e] =	wrdreg s19  }
0x5a: {  	v1 =	vmov s19;
	s14 =	simm.s32 $0x700;
	s17 =	simm.s32 $0x0;
	s2 =	rddreg [dreg:$0x1c]  }
.LBB2_5:
0x5b: {  	s19 =	smul.u32 $0x1C, s17  }
0x5c: {  	s21 =	rddreg [dreg:$0x5]  }
0x5d: {  	s21 =	sadd.s32 s21, s19  }
0x5e: {  	s21 =	sshll.u32 s21, $0x4  }
0x5f: {  	s21 =	sand.u32 $0x1FFFFFC0, s21  }
0x60: {  	s26 =	simm.s32 $0x0;
	s22 =	sadd.s32 s4, s21  }
0x61: {  	[tilespmem:s26], [sflag:$0x4] =	stream.linear.gather [hbm4b:s22+s26], $0x700, $0x38;
	[tilespmem:$0x1E600] =	vst v63  }
0x62: {  	_ =	swait.ge [sflag:s3], $0x700  }
0x63: {  	[sflag:s3] =	ssyncset.done $0x0  }
0x64: {  	s21 =	sadd.s32 s5, s21;
	[sflag:s3] =	ssyncadd.s32 $0xFFFFF900  }
0x65: {  	[tilespmem:s14], [sflag:$0x4] =	stream.linear.gather [hbm4b:s21+s26], $0x700, $0x38;
	[tilespmem:$0x1E600] =	vst v63  }
0x66: {  	_ =	swait.ge [sflag:s3], $0x700  }
0x67: {  	[sflag:s3] =	ssyncset.done $0x0  }
0x68: {  	s22 =	simm.s32 $0x0;
	[sflag:s3] =	ssyncadd.s32 $0xFFFFF900  }
0x69: {  	v2 =	vld [tilespmem:s22+$0x70]  }
0x6a: {  	v4 =	vld [tilespmem:s22+$0x0]  }
0x6b: {  	v7 =	vld [tilespmem:s22+$0x10]  }
0x6c: {  	v6 =	vld [tilespmem:s22+$0x20]  }
0x6d: {  	v5 =	vld [tilespmem:s22+$0x30]  }
0x6e: {  	v3 =	vld [tilespmem:s22+$0x40];
	v9 =	vmul.u32 $0xC, v2  }
0x6f: {  	v2 =	vld [tilespmem:s22+$0x50];
	v8 =	vmul.u32 $0xC, v4  }
0x70: {  	s21 =	simm.s32 $0x80;
	s26 =	simm.s32 $0x400;
	v7 =	vmul.u32 $0xC, v7;
	v4 =	vld [tilespmem:s22+$0x60];
	v9 =	vadd.s32 v1, v9  }
.LBB2_6:
0x71: {  	p0 =	sne.s32 s26, $0x1A00;
	v10 =	vld [tilespmem:s21+$0x70];
	v8 =	vadd.s32 v1, v8;
	v6 =	vmul.u32 $0xC, v6;
	[tilespmem:s22+$0xE70] =	vst v9  }
0x72: {  	v9 =	vld [tilespmem:s21+$0x0];
	[tilespmem:s22+$0xE00] =	vst v8;
	v7 =	vadd.s32 v1, v7;
	v5 =	vmul.u32 $0xC, v5  }
0x73: {  	v11 =	vld [tilespmem:s21+$0x10];
	[tilespmem:s22+$0xE10] =	vst v7;
	v7 =	vadd.s32 v1, v6;
	v3 =	vmul.u32 $0xC, v3  }
.Ltmp1:
0x74: {  	v6 =	vld [tilespmem:s21+$0x20];
	[tilespmem:s22+$0xE20] =	vst v7;
	v7 =	vadd.s32 v1, v5;
	v2 =	vmul.u32 $0xC, v2;
	(pc) =	sbr.rel @p0 .LBB2_6-.Ltmp1, $4  }
0x75: {  	v5 =	vld [tilespmem:s21+$0x30];
	[tilespmem:s22+$0xE30] =	vst v7;
	v7 =	vadd.s32 v1, v3;
	v4 =	vmul.u32 $0xC, v4  }
0x76: {  	v3 =	vld [tilespmem:s21+$0x40];
	v10 =	vmul.u32 $0xC, v10;
	[tilespmem:s22+$0xE40] =	vst v7;
	v7 =	vadd.s32 v1, v2  }
0x77: {  	v8 =	vmul.u32 $0xC, v9;
	v2 =	vld [tilespmem:s21+$0x50];
	[tilespmem:s22+$0xE50] =	vst v7;
	v12 =	vadd.s32 v1, v4  }
0x78: {  	v7 =	vmul.u32 $0xC, v11;
	v4 =	vld [tilespmem:s21+$0x60];
	v9 =	vadd.s32 v1, v10;
	[tilespmem:s22+$0xE60] =	vst v12;
	s22 =	smov.u32 s21;
	s21 =	sshra.s32 s26, $0x2;
	s26 =	sadd.s32 $0x200, s26  }
0x79: {  	v10 =	vld [tilespmem:s21+$0x70];
	[tilespmem:s22+$0xE70] =	vst v9;
	v8 =	vadd.s32 v1, v8;
	v6 =	vmul.u32 $0xC, v6  }
0x7a: {  	v9 =	vld [tilespmem:s21+$0x0];
	[tilespmem:s22+$0xE00] =	vst v8;
	v7 =	vadd.s32 v1, v7;
	v5 =	vmul.u32 $0xC, v5  }
0x7b: {  	v8 =	vld [tilespmem:s21+$0x10];
	[tilespmem:s22+$0xE10] =	vst v7;
	v6 =	vadd.s32 v1, v6;
	v3 =	vmul.u32 $0xC, v3  }
0x7c: {  	v7 =	vld [tilespmem:s21+$0x20];
	[tilespmem:s22+$0xE20] =	vst v6;
	v5 =	vadd.s32 v1, v5  }
0x7d: {  	v2 =	vmul.u32 $0xC, v2;
	v6 =	vld [tilespmem:s21+$0x30];
	[tilespmem:s22+$0xE30] =	vst v5;
	v3 =	vadd.s32 v1, v3  }
0x7e: {  	v5 =	vld [tilespmem:s21+$0x40];
	[tilespmem:s22+$0xE40] =	vst v3;
	v3 =	vmul.u32 $0xC, v4  }
0x7f: {  	v2 =	vadd.s32 v1, v2;
	v10 =	vmul.u32 $0xC, v10  }
0x80: {  	v4 =	vld [tilespmem:s21+$0x50];
	[tilespmem:s22+$0xE50] =	vst v2;
	v2 =	vmul.u32 $0xC, v9;
	v3 =	vadd.s32 v1, v3  }
0x81: {  	v9 =	vld [tilespmem:s21+$0x60];
	v8 =	vmul.u32 $0xC, v8;
	v10 =	vadd.s32 v1, v10;
	[tilespmem:s22+$0xE60] =	vst v3  }
0x82: {  	v2 =	vadd.s32 v1, v2;
	v3 =	vmul.u32 $0xC, v7;
	[tilespmem:s21+$0xE70] =	vst v10  }
0x83: {  	[tilespmem:s21+$0xE00] =	vst v2;
	v2 =	vadd.s32 v1, v8;
	v6 =	vmul.u32 $0xC, v6  }
0x84: {  	[tilespmem:s21+$0xE10] =	vst v2;
	v2 =	vadd.s32 v1, v3;
	v3 =	vmul.u32 $0xC, v5  }
0x85: {  	[tilespmem:s21+$0xE20] =	vst v2;
	v2 =	vadd.s32 v1, v6;
	v4 =	vmul.u32 $0xC, v4  }
0x86: {  	[tilespmem:s21+$0xE30] =	vst v2;
	v2 =	vadd.s32 v1, v3;
	v3 =	vmul.u32 $0xC, v9  }
0x87: {  	[tilespmem:s21+$0xE40] =	vst v2;
	v2 =	vadd.s32 v1, v4  }
0x88: {  	[tilespmem:s21+$0xE50] =	vst v2;
	v2 =	vadd.s32 v1, v3  }
0x89: {  	s16 =	simm.s32 $0xE00;
	[tilespmem:s21+$0xE60] =	vst v2  }
0x8a: {  	[tilespmem:s18], [sflag:$0x1] =	stream.indirect.gather [hbm4b:s6+s10], $0x10, s16, s10, $0xb8;
	[tilespmem:$0x1E600] =	vst v63  }
0x8b: {  	_ = 	snop  }
0x8c: {  	[tilespmem:s31], [sflag:$0x1] =	stream.indirect.gather [hbm4b:s6+s10], $0x10, s29, s10, $0xb8;
	[tilespmem:$0x1E600] =	vst v63  }
0x8d: {  	s26 =	simm.s32 $0xF00;
	s16 =	simm.s32 $0x2500  }
0x8e: {  	[tilespmem:s16], [sflag:$0x1] =	stream.indirect.gather [hbm4b:s6+s10], $0x10, s26, s10, $0xb8;
	[tilespmem:$0x1E600] =	vst v63  }
0x8f: {  	s26 =	simm.s32 $0xF80;
	s16 =	simm.s32 $0x2D00  }
0x90: {  	[tilespmem:s16], [sflag:$0x1] =	stream.indirect.gather [hbm4b:s6+s10], $0x10, s26, s10, $0xb8;
	[tilespmem:$0x1E600] =	vst v63  }
0x91: {  	s26 =	simm.s32 $0x1000;
	s16 =	simm.s32 $0x3500  }
0x92: {  	[tilespmem:s16], [sflag:$0x1] =	stream.indirect.gather [hbm4b:s6+s10], $0x10, s26, s10, $0xb8;
	[tilespmem:$0x1E600] =	vst v63  }
0x93: {  	s26 =	simm.s32 $0x1080;
	s16 =	simm.s32 $0x3D00  }
0x94: {  	[tilespmem:s16], [sflag:$0x1] =	stream.indirect.gather [hbm4b:s6+s10], $0x10, s26, s10, $0xb8;
	[tilespmem:$0x1E600] =	vst v63  }
0x95: {  	s26 =	simm.s32 $0x1100;
	s16 =	simm.s32 $0x4500  }
0x96: {  	[tilespmem:s16], [sflag:$0x1] =	stream.indirect.gather [hbm4b:s6+s10], $0x10, s26, s10, $0xb8;
	[tilespmem:$0x1E600] =	vst v63  }
0x97: {  	s26 =	simm.s32 $0x1180;
	s16 =	simm.s32 $0x4D00  }
0x98: {  	[tilespmem:s16], [sflag:$0x1] =	stream.indirect.gather [hbm4b:s6+s10], $0x10, s26, s10, $0xb8;
	[tilespmem:$0x1E600] =	vst v63  }
0x99: {  	s26 =	simm.s32 $0x1200;
	s16 =	simm.s32 $0x5500  }
0x9a: {  	[tilespmem:s16], [sflag:$0x1] =	stream.indirect.gather [hbm4b:s6+s10], $0x10, s26, s10, $0xb8;
	[tilespmem:$0x1E600] =	vst v63  }
0x9b: {  	s26 =	simm.s32 $0x1280;
	s16 =	simm.s32 $0x5D00  }
0x9c: {  	[tilespmem:s16], [sflag:$0x1] =	stream.indirect.gather [hbm4b:s6+s10], $0x10, s26, s10, $0xb8;
	[tilespmem:$0x1E600] =	vst v63  }
0x9d: {  	s26 =	simm.s32 $0x1300;
	s16 =	simm.s32 $0x6500  }
0x9e: {  	[tilespmem:s16], [sflag:$0x1] =	stream.indirect.gather [hbm4b:s6+s10], $0x10, s26, s10, $0xb8;
	[tilespmem:$0x1E600] =	vst v63  }
0x9f: {  	s26 =	simm.s32 $0x1380;
	s16 =	simm.s32 $0x6D00  }
0xa0: {  	[tilespmem:s16], [sflag:$0x1] =	stream.indirect.gather [hbm4b:s6+s10], $0x10, s26, s10, $0xb8;
	[tilespmem:$0x1E600] =	vst v63  }
0xa1: {  	s19 =	sadd.s32 s19, s2;
	s26 =	simm.s32 $0x1400;
	s16 =	simm.s32 $0x7500  }
0xa2: {  	[tilespmem:s16], [sflag:$0x1] =	stream.indirect.gather [hbm4b:s6+s10], $0x10, s26, s10, $0xb8;
	[tilespmem:$0x1E600] =	vst v63  }
0xa3: {  	s19 =	sshll.u32 s19, $0x4;
	s26 =	simm.s32 $0x1480;
	s16 =	simm.s32 $0x7D00  }
0xa4: {  	[tilespmem:s16], [sflag:$0x1] =	stream.indirect.gather [hbm4b:s6+s10], $0x10, s26, s10, $0xb8;
	[tilespmem:$0x1E600] =	vst v63  }
0xa5: {  	s22 =	sadd.s32 s4, s19;
	s16 =	simm.s32 $0x0;
	s26 =	simm.s32 $0x8500  }
0xa6: {  	[tilespmem:s26], [sflag:$0x4] =	stream.linear.gather [hbm4b:s22+s16], $0x700, $0x38;
	[tilespmem:$0x1E600] =	vst v63  }
0xa7: {  	_ =	swait.ge [sflag:s3], $0x700  }
0xa8: {  	[sflag:s3] =	ssyncset.done $0x0  }
0xa9: {  	s19 =	sadd.s32 s5, s19;
	s26 =	simm.s32 $0x8C00;
	[sflag:s3] =	ssyncadd.s32 $0xFFFFF900  }
0xaa: {  	[tilespmem:s26], [sflag:$0x4] =	stream.linear.gather [hbm4b:s19+s16], $0x700, $0x38;
	[tilespmem:$0x1E600] =	vst v63  }
0xab: {  	_ =	swait.ge [sflag:s3], $0x700  }
0xac: {  	[sflag:s3] =	ssyncset.done $0x0  }
0xad: {  	s21 =	simm.s32 $0x0;
	[sflag:s3] =	ssyncadd.s32 $0xFFFFF900  }
0xae: {  	v2 =	vld [tilespmem:s21+$0x8570]  }
0xaf: {  	v4 =	vld [tilespmem:s21+$0x8500]  }
0xb0: {  	v7 =	vld [tilespmem:s21+$0x8510]  }
0xb1: {  	v6 =	vld [tilespmem:s21+$0x8520]  }
0xb2: {  	v5 =	vld [tilespmem:s21+$0x8530]  }
0xb3: {  	v3 =	vld [tilespmem:s21+$0x8540];
	v9 =	vmul.u32 $0xC, v2  }
0xb4: {  	v2 =	vld [tilespmem:s21+$0x8550];
	v8 =	vmul.u32 $0xC, v4  }
0xb5: {  	s22 =	simm.s32 $0x400;
	s19 =	simm.s32 $0x80;
	v7 =	vmul.u32 $0xC, v7;
	v4 =	vld [tilespmem:s21+$0x8560];
	v9 =	vadd.s32 v1, v9  }
.LBB2_8:
0xb6: {  	p0 =	sne.s32 s22, $0x1A00;
	v10 =	vld [tilespmem:s19+$0x8570];
	v8 =	vadd.s32 v1, v8;
	v6 =	vmul.u32 $0xC, v6;
	[tilespmem:s21+$0x9370] =	vst v9  }
0xb7: {  	v9 =	vld [tilespmem:s19+$0x8500];
	[tilespmem:s21+$0x9300] =	vst v8;
	v7 =	vadd.s32 v1, v7;
	v5 =	vmul.u32 $0xC, v5  }
0xb8: {  	v11 =	vld [tilespmem:s19+$0x8510];
	[tilespmem:s21+$0x9310] =	vst v7;
	v7 =	vadd.s32 v1, v6;
	v3 =	vmul.u32 $0xC, v3  }
.Ltmp2:
0xb9: {  	v6 =	vld [tilespmem:s19+$0x8520];
	[tilespmem:s21+$0x9320] =	vst v7;
	v7 =	vadd.s32 v1, v5;
	v2 =	vmul.u32 $0xC, v2;
	(pc) =	sbr.rel @p0 .LBB2_8-.Ltmp2, $4  }
0xba: {  	v5 =	vld [tilespmem:s19+$0x8530];
	[tilespmem:s21+$0x9330] =	vst v7;
	v7 =	vadd.s32 v1, v3;
	v4 =	vmul.u32 $0xC, v4  }
0xbb: {  	v3 =	vld [tilespmem:s19+$0x8540];
	v10 =	vmul.u32 $0xC, v10;
	[tilespmem:s21+$0x9340] =	vst v7;
	v7 =	vadd.s32 v1, v2  }
0xbc: {  	v8 =	vmul.u32 $0xC, v9;
	v2 =	vld [tilespmem:s19+$0x8550];
	[tilespmem:s21+$0x9350] =	vst v7;
	v12 =	vadd.s32 v1, v4  }
0xbd: {  	v7 =	vmul.u32 $0xC, v11;
	v4 =	vld [tilespmem:s19+$0x8560];
	v9 =	vadd.s32 v1, v10;
	[tilespmem:s21+$0x9360] =	vst v12;
	s21 =	smov.u32 s19;
	s19 =	sshra.s32 s22, $0x2;
	s22 =	sadd.s32 $0x200, s22  }
0xbe: {  	v10 =	vld [tilespmem:s19+$0x8570];
	[tilespmem:s21+$0x9370] =	vst v9;
	v8 =	vadd.s32 v1, v8;
	v6 =	vmul.u32 $0xC, v6  }
0xbf: {  	v9 =	vld [tilespmem:s19+$0x8500];
	[tilespmem:s21+$0x9300] =	vst v8;
	v7 =	vadd.s32 v1, v7;
	v5 =	vmul.u32 $0xC, v5  }
0xc0: {  	v8 =	vld [tilespmem:s19+$0x8510];
	[tilespmem:s21+$0x9310] =	vst v7;
	v6 =	vadd.s32 v1, v6;
	v3 =	vmul.u32 $0xC, v3  }
0xc1: {  	v7 =	vld [tilespmem:s19+$0x8520];
	[tilespmem:s21+$0x9320] =	vst v6;
	v5 =	vadd.s32 v1, v5  }
0xc2: {  	v2 =	vmul.u32 $0xC, v2;
	v6 =	vld [tilespmem:s19+$0x8530];
	[tilespmem:s21+$0x9330] =	vst v5;
	v3 =	vadd.s32 v1, v3  }
0xc3: {  	v5 =	vld [tilespmem:s19+$0x8540];
	[tilespmem:s21+$0x9340] =	vst v3;
	v3 =	vmul.u32 $0xC, v4  }
0xc4: {  	v2 =	vadd.s32 v1, v2;
	v10 =	vmul.u32 $0xC, v10  }
0xc5: {  	v60 =	vld [tilespmem:s19+$0x8550];
	[tilespmem:s21+$0x9350] =	vst v2;
	v2 =	vmul.u32 $0xC, v9;
	v3 =	vadd.s32 v1, v3  }
0xc6: {  	v61 =	vld [tilespmem:s19+$0x8560];
	v62 =	vadd.s32 v1, v10;
	[tilespmem:s21+$0x9360] =	vst v3;
	v3 =	vmul.u32 $0xC, v8  }
0xc7: {  	v2 =	vadd.s32 v1, v2;
	v7 =	vmul.u32 $0xC, v7;
	[tilespmem:s19+$0x9370] =	vst v62  }
0xc8: {  	[tilespmem:s19+$0x9300] =	vst v2;
	v2 =	vadd.s32 v1, v3;
	v3 =	vmul.u32 $0xC, v6  }
0xc9: {  	v5 =	vmul.u32 $0xC, v5;
	[tilespmem:s19+$0x9310] =	vst v2;
	v2 =	vadd.s32 v1, v7  }
0xca: {  	[tilespmem:s19+$0x9320] =	vst v2;
	v2 =	vadd.s32 v1, v3;
	v3 =	vmul.u32 $0xC, v60  }
0xcb: {  	v63 =	vmul.u32 $0xC, v61;
	[tilespmem:s19+$0x9330] =	vst v2;
	v2 =	vadd.s32 v1, v5  }
0xcc: {  	[tilespmem:s19+$0x9340] =	vst v2;
	v2 =	vadd.s32 v1, v3  }
0xcd: {  	[tilespmem:s19+$0x9350] =	vst v2;
	v2 =	vadd.s32 v1, v63  }
0xce: {  	s22 =	simm.s32 $0x9300;
	s21 =	simm.s32 $0x9A00;
	[tilespmem:s19+$0x9360] =	vst v2  }
0xcf: {  	[tilespmem:s21], [sflag:$0x2] =	stream.indirect.gather [hbm4b:s6+s10], $0x10, s22, s10, $0xb8;
	[tilespmem:$0x1E600] =	vst v63  }
0xd0: {  	s26 =	simm.s32 $0x9380;
	s22 =	simm.s32 $0xA200  }
0xd1: {  	[tilespmem:s22], [sflag:$0x2] =	stream.indirect.gather [hbm4b:s6+s10], $0x10, s26, s10, $0xb8;
	[tilespmem:$0x1E600] =	vst v63  }
0xd2: {  	s16 =	simm.s32 $0x9400;
	s26 =	simm.s32 $0xAA00  }
0xd3: {  	[tilespmem:s26], [sflag:$0x2] =	stream.indirect.gather [hbm4b:s6+s10], $0x10, s16, s10, $0xb8;
	[tilespmem:$0x1E600] =	vst v63  }
0xd4: {  	s16 =	simm.s32 $0x9480  }
0xd5: {  	[tilespmem:s24], [sflag:$0x2] =	stream.indirect.gather [hbm4b:s6+s10], $0x10, s16, s10, $0xb8;
	[tilespmem:$0x1E600] =	vst v63  }
0xd6: {  	s16 =	simm.s32 $0x9500  }
0xd7: {  	[tilespmem:s20], [sflag:$0x2] =	stream.indirect.gather [hbm4b:s6+s10], $0x10, s16, s10, $0xb8;
	[tilespmem:$0x1E600] =	vst v63  }
0xd8: {  	s16 =	simm.s32 $0x9580  }
0xd9: {  	[tilespmem:s12], [sflag:$0x2] =	stream.indirect.gather [hbm4b:s6+s10], $0x10, s16, s10, $0xb8;
	[tilespmem:$0x1E600] =	vst v63  }
0xda: {  	s16 =	simm.s32 $0x9600  }
0xdb: {  	[tilespmem:s8], [sflag:$0x2] =	stream.indirect.gather [hbm4b:s6+s10], $0x10, s16, s10, $0xb8;
	[tilespmem:$0x1E600] =	vst v63  }
0xdc: {  	s16 =	simm.s32 $0x9680  }
0xdd: {  	[tilespmem:s9], [sflag:$0x2] =	stream.indirect.gather [hbm4b:s6+s10], $0x10, s16, s10, $0xb8;
	[tilespmem:$0x1E600] =	vst v63  }
0xde: {  	s16 =	simm.s32 $0x9700  }
0xdf: {  	[tilespmem:s0], [sflag:$0x2] =	stream.indirect.gather [hbm4b:s6+s10], $0x10, s16, s10, $0xb8;
	[tilespmem:$0x1E600] =	vst v63  }
0xe0: {  	s16 =	simm.s32 $0x9780  }
0xe1: {  	[tilespmem:s7], [sflag:$0x2] =	stream.indirect.gather [hbm4b:s6+s10], $0x10, s16, s10, $0xb8;
	[tilespmem:$0x1E600] =	vst v63  }
0xe2: {  	s16 =	simm.s32 $0x9800  }
0xe3: {  	[tilespmem:s23], [sflag:$0x2] =	stream.indirect.gather [hbm4b:s6+s10], $0x10, s16, s10, $0xb8;
	[tilespmem:$0x1E600] =	vst v63  }
0xe4: {  	s16 =	simm.s32 $0x9880  }
0xe5: {  	[tilespmem:s25], [sflag:$0x2] =	stream.indirect.gather [hbm4b:s6+s10], $0x10, s16, s10, $0xb8;
	[tilespmem:$0x1E600] =	vst v63  }
0xe6: {  	s16 =	simm.s32 $0x9900  }
0xe7: {  	[tilespmem:s28], [sflag:$0x2] =	stream.indirect.gather [hbm4b:s6+s10], $0x10, s16, s10, $0xb8;
	[tilespmem:$0x1E600] =	vst v63  }
0xe8: {  	s16 =	simm.s32 $0x9980  }
0xe9: {  	[tilespmem:s30], [sflag:$0x2] =	stream.indirect.gather [hbm4b:s6+s10], $0x10, s16, s10, $0xb8;
	[tilespmem:$0x1E600] =	vst v63  }
0xea: {  	_ =	swait.ge [sflag:s11], $0x800  }
0xeb: {  	[sflag:s11] =	ssyncset.done $0x0  }
0xec: {  	[sflag:s11] =	ssyncadd.s32 $0xFFFFF800  }
0xed: {  	_ =	swait.ge [sflag:s11], $0x800  }
0xee: {  	[sflag:s11] =	ssyncset.done $0x0  }
0xef: {  	[sflag:s11] =	ssyncadd.s32 $0xFFFFF800  }
0xf0: {  	_ =	swait.ge [sflag:s11], $0x800  }
0xf1: {  	[sflag:s11] =	ssyncset.done $0x0  }
0xf2: {  	[sflag:s11] =	ssyncadd.s32 $0xFFFFF800  }
0xf3: {  	_ =	swait.ge [sflag:s11], $0x800  }
0xf4: {  	[sflag:s11] =	ssyncset.done $0x0  }
0xf5: {  	[sflag:s11] =	ssyncadd.s32 $0xFFFFF800  }
0xf6: {  	_ =	swait.ge [sflag:s11], $0x800  }
0xf7: {  	[sflag:s11] =	ssyncset.done $0x0  }
0xf8: {  	[sflag:s11] =	ssyncadd.s32 $0xFFFFF800  }
0xf9: {  	_ =	swait.ge [sflag:s11], $0x800  }
0xfa: {  	[sflag:s11] =	ssyncset.done $0x0  }
0xfb: {  	[sflag:s11] =	ssyncadd.s32 $0xFFFFF800  }
0xfc: {  	_ =	swait.ge [sflag:s11], $0x800  }
0xfd: {  	[sflag:s11] =	ssyncset.done $0x0  }
0xfe: {  	[sflag:s11] =	ssyncadd.s32 $0xFFFFF800  }
0xff: {  	_ =	swait.ge [sflag:s11], $0x800  }
0x100: {  	[sflag:s11] =	ssyncset.done $0x0  }
0x101: {  	[sflag:s11] =	ssyncadd.s32 $0xFFFFF800  }
0x102: {  	_ =	swait.ge [sflag:s11], $0x800  }
0x103: {  	[sflag:s11] =	ssyncset.done $0x0  }
0x104: {  	[sflag:s11] =	ssyncadd.s32 $0xFFFFF800  }
0x105: {  	_ =	swait.ge [sflag:s11], $0x800  }
0x106: {  	[sflag:s11] =	ssyncset.done $0x0  }
0x107: {  	[sflag:s11] =	ssyncadd.s32 $0xFFFFF800  }
0x108: {  	_ =	swait.ge [sflag:s11], $0x800  }
0x109: {  	[sflag:s11] =	ssyncset.done $0x0  }
0x10a: {  	[sflag:s11] =	ssyncadd.s32 $0xFFFFF800  }
0x10b: {  	_ =	swait.ge [sflag:s11], $0x800  }
0x10c: {  	[sflag:s11] =	ssyncset.done $0x0  }
0x10d: {  	[sflag:s11] =	ssyncadd.s32 $0xFFFFF800  }
0x10e: {  	_ =	swait.ge [sflag:s11], $0x800  }
0x10f: {  	[sflag:s11] =	ssyncset.done $0x0  }
0x110: {  	[sflag:s11] =	ssyncadd.s32 $0xFFFFF800  }
0x111: {  	_ =	swait.ge [sflag:s11], $0x800  }
0x112: {  	[sflag:s11] =	ssyncset.done $0x0  }
0x113: {  	[sflag:s11] =	ssyncadd.s32 $0xFFFFF800  }
0x114: {  	[spmem:s1] =	stream.indirect.scatter.add.f32 [tilespmem:s18], [sflag:$0x3], $0x10, s14, s10, $0xb8;
	[tilespmem:$0x1E600] =	vst v63  }
0x115: {  	s16 =	simm.s32 $0x780  }
0x116: {  	[spmem:s1] =	stream.indirect.scatter.add.f32 [tilespmem:s31], [sflag:$0x3], $0x10, s16, s10, $0xb8;
	[tilespmem:$0x1E600] =	vst v63  }
0x117: {  	s19 =	simm.s32 $0x2500;
	s16 =	simm.s32 $0x800  }
0x118: {  	[spmem:s1] =	stream.indirect.scatter.add.f32 [tilespmem:s19], [sflag:$0x3], $0x10, s16, s10, $0xb8;
	[tilespmem:$0x1E600] =	vst v63  }
0x119: {  	s19 =	simm.s32 $0x2D00;
	s16 =	simm.s32 $0x880  }
0x11a: {  	[spmem:s1] =	stream.indirect.scatter.add.f32 [tilespmem:s19], [sflag:$0x3], $0x10, s16, s10, $0xb8;
	[tilespmem:$0x1E600] =	vst v63  }
0x11b: {  	s19 =	simm.s32 $0x3500;
	s16 =	simm.s32 $0x900  }
0x11c: {  	[spmem:s1] =	stream.indirect.scatter.add.f32 [tilespmem:s19], [sflag:$0x3], $0x10, s16, s10, $0xb8;
	[tilespmem:$0x1E600] =	vst v63  }
0x11d: {  	s19 =	simm.s32 $0x3D00;
	s16 =	simm.s32 $0x980  }
0x11e: {  	[spmem:s1] =	stream.indirect.scatter.add.f32 [tilespmem:s19], [sflag:$0x3], $0x10, s16, s10, $0xb8;
	[tilespmem:$0x1E600] =	vst v63  }
0x11f: {  	s19 =	simm.s32 $0x4500;
	s16 =	simm.s32 $0xA00  }
0x120: {  	[spmem:s1] =	stream.indirect.scatter.add.f32 [tilespmem:s19], [sflag:$0x3], $0x10, s16, s10, $0xb8;
	[tilespmem:$0x1E600] =	vst v63  }
0x121: {  	s19 =	simm.s32 $0x4D00;
	s16 =	simm.s32 $0xA80  }
0x122: {  	[spmem:s1] =	stream.indirect.scatter.add.f32 [tilespmem:s19], [sflag:$0x3], $0x10, s16, s10, $0xb8;
	[tilespmem:$0x1E600] =	vst v63  }
0x123: {  	s19 =	simm.s32 $0x5500;
	s16 =	simm.s32 $0xB00  }
0x124: {  	[spmem:s1] =	stream.indirect.scatter.add.f32 [tilespmem:s19], [sflag:$0x3], $0x10, s16, s10, $0xb8;
	[tilespmem:$0x1E600] =	vst v63  }
0x125: {  	s19 =	simm.s32 $0x5D00;
	s16 =	simm.s32 $0xB80  }
0x126: {  	[spmem:s1] =	stream.indirect.scatter.add.f32 [tilespmem:s19], [sflag:$0x3], $0x10, s16, s10, $0xb8;
	[tilespmem:$0x1E600] =	vst v63  }
0x127: {  	s19 =	simm.s32 $0x6500;
	s16 =	simm.s32 $0xC00  }
0x128: {  	[spmem:s1] =	stream.indirect.scatter.add.f32 [tilespmem:s19], [sflag:$0x3], $0x10, s16, s10, $0xb8;
	[tilespmem:$0x1E600] =	vst v63  }
0x129: {  	s19 =	simm.s32 $0x6D00;
	s16 =	simm.s32 $0xC80  }
0x12a: {  	[spmem:s1] =	stream.indirect.scatter.add.f32 [tilespmem:s19], [sflag:$0x3], $0x10, s16, s10, $0xb8;
	[tilespmem:$0x1E600] =	vst v63  }
0x12b: {  	s19 =	simm.s32 $0x7500;
	s16 =	simm.s32 $0xD00  }
0x12c: {  	[spmem:s1] =	stream.indirect.scatter.add.f32 [tilespmem:s19], [sflag:$0x3], $0x10, s16, s10, $0xb8;
	[tilespmem:$0x1E600] =	vst v63  }
0x12d: {  	s19 =	simm.s32 $0x7D00;
	s16 =	simm.s32 $0xD80  }
0x12e: {  	[spmem:s1] =	stream.indirect.scatter.add.f32 [tilespmem:s19], [sflag:$0x3], $0x10, s16, s10, $0xb8;
	[tilespmem:$0x1E600] =	vst v63  }
0x12f: {  	_ =	swait.ge [sflag:s13], $0x800  }
0x130: {  	[sflag:s13] =	ssyncset.done $0x0  }
0x131: {  	[sflag:s13] =	ssyncadd.s32 $0xFFFFF800  }
0x132: {  	_ =	swait.ge [sflag:s13], $0x800  }
0x133: {  	[sflag:s13] =	ssyncset.done $0x0  }
0x134: {  	[sflag:s13] =	ssyncadd.s32 $0xFFFFF800  }
0x135: {  	_ =	swait.ge [sflag:s13], $0x800  }
0x136: {  	[sflag:s13] =	ssyncset.done $0x0  }
0x137: {  	[sflag:s13] =	ssyncadd.s32 $0xFFFFF800  }
0x138: {  	_ =	swait.ge [sflag:s13], $0x800  }
0x139: {  	[sflag:s13] =	ssyncset.done $0x0  }
0x13a: {  	[sflag:s13] =	ssyncadd.s32 $0xFFFFF800  }
0x13b: {  	_ =	swait.ge [sflag:s13], $0x800  }
0x13c: {  	[sflag:s13] =	ssyncset.done $0x0  }
0x13d: {  	[sflag:s13] =	ssyncadd.s32 $0xFFFFF800  }
0x13e: {  	_ =	swait.ge [sflag:s13], $0x800  }
0x13f: {  	[sflag:s13] =	ssyncset.done $0x0  }
0x140: {  	[sflag:s13] =	ssyncadd.s32 $0xFFFFF800  }
0x141: {  	_ =	swait.ge [sflag:s13], $0x800  }
0x142: {  	[sflag:s13] =	ssyncset.done $0x0  }
0x143: {  	[sflag:s13] =	ssyncadd.s32 $0xFFFFF800  }
0x144: {  	_ =	swait.ge [sflag:s13], $0x800  }
0x145: {  	[sflag:s13] =	ssyncset.done $0x0  }
0x146: {  	[sflag:s13] =	ssyncadd.s32 $0xFFFFF800  }
0x147: {  	_ =	swait.ge [sflag:s13], $0x800  }
0x148: {  	[sflag:s13] =	ssyncset.done $0x0  }
0x149: {  	[sflag:s13] =	ssyncadd.s32 $0xFFFFF800  }
0x14a: {  	_ =	swait.ge [sflag:s13], $0x800  }
0x14b: {  	[sflag:s13] =	ssyncset.done $0x0  }
0x14c: {  	[sflag:s13] =	ssyncadd.s32 $0xFFFFF800  }
0x14d: {  	_ =	swait.ge [sflag:s13], $0x800  }
0x14e: {  	[sflag:s13] =	ssyncset.done $0x0  }
0x14f: {  	[sflag:s13] =	ssyncadd.s32 $0xFFFFF800  }
0x150: {  	_ =	swait.ge [sflag:s13], $0x800  }
0x151: {  	[sflag:s13] =	ssyncset.done $0x0  }
0x152: {  	[sflag:s13] =	ssyncadd.s32 $0xFFFFF800  }
0x153: {  	_ =	swait.ge [sflag:s13], $0x800  }
0x154: {  	[sflag:s13] =	ssyncset.done $0x0  }
0x155: {  	[sflag:s13] =	ssyncadd.s32 $0xFFFFF800  }
0x156: {  	_ =	swait.ge [sflag:s13], $0x800  }
0x157: {  	[sflag:s13] =	ssyncset.done $0x0  }
0x158: {  	s16 =	simm.s32 $0x8C00;
	[sflag:s13] =	ssyncadd.s32 $0xFFFFF800  }
0x159: {  	[spmem:s1] =	stream.indirect.scatter.add.f32 [tilespmem:s21], [sflag:$0x3], $0x10, s16, s10, $0xb8;
	[tilespmem:$0x1E600] =	vst v63  }
0x15a: {  	s21 =	simm.s32 $0x8C80  }
0x15b: {  	[spmem:s1] =	stream.indirect.scatter.add.f32 [tilespmem:s22], [sflag:$0x3], $0x10, s21, s10, $0xb8;
	[tilespmem:$0x1E600] =	vst v63  }
0x15c: {  	s22 =	simm.s32 $0x8D00  }
0x15d: {  	[spmem:s1] =	stream.indirect.scatter.add.f32 [tilespmem:s26], [sflag:$0x3], $0x10, s22, s10, $0xb8;
	[tilespmem:$0x1E600] =	vst v63  }
0x15e: {  	s19 =	simm.s32 $0x8D80  }
0x15f: {  	[spmem:s1] =	stream.indirect.scatter.add.f32 [tilespmem:s24], [sflag:$0x3], $0x10, s19, s10, $0xb8;
	[tilespmem:$0x1E600] =	vst v63  }
0x160: {  	s21 =	simm.s32 $0x8E00  }
0x161: {  	[spmem:s1] =	stream.indirect.scatter.add.f32 [tilespmem:s20], [sflag:$0x3], $0x10, s21, s10, $0xb8;
	[tilespmem:$0x1E600] =	vst v63  }
0x162: {  	s22 =	simm.s32 $0x8E80  }
0x163: {  	[spmem:s1] =	stream.indirect.scatter.add.f32 [tilespmem:s12], [sflag:$0x3], $0x10, s22, s10, $0xb8;
	[tilespmem:$0x1E600] =	vst v63  }
0x164: {  	s26 =	simm.s32 $0x8F00  }
0x165: {  	[spmem:s1] =	stream.indirect.scatter.add.f32 [tilespmem:s8], [sflag:$0x3], $0x10, s26, s10, $0xb8;
	[tilespmem:$0x1E600] =	vst v63  }
0x166: {  	s19 =	simm.s32 $0x8F80  }
0x167: {  	[spmem:s1] =	stream.indirect.scatter.add.f32 [tilespmem:s9], [sflag:$0x3], $0x10, s19, s10, $0xb8;
	[tilespmem:$0x1E600] =	vst v63  }
0x168: {  	s21 =	simm.s32 $0x9000  }
0x169: {  	[spmem:s1] =	stream.indirect.scatter.add.f32 [tilespmem:s0], [sflag:$0x3], $0x10, s21, s10, $0xb8;
	[tilespmem:$0x1E600] =	vst v63  }
0x16a: {  	s22 =	simm.s32 $0x9080  }
0x16b: {  	[spmem:s1] =	stream.indirect.scatter.add.f32 [tilespmem:s7], [sflag:$0x3], $0x10, s22, s10, $0xb8;
	[tilespmem:$0x1E600] =	vst v63  }
0x16c: {  	s26 =	simm.s32 $0x9100  }
0x16d: {  	[spmem:s1] =	stream.indirect.scatter.add.f32 [tilespmem:s23], [sflag:$0x3], $0x10, s26, s10, $0xb8;
	[tilespmem:$0x1E600] =	vst v63  }
0x16e: {  	s19 =	simm.s32 $0x9180  }
0x16f: {  	[spmem:s1] =	stream.indirect.scatter.add.f32 [tilespmem:s25], [sflag:$0x3], $0x10, s19, s10, $0xb8;
	[tilespmem:$0x1E600] =	vst v63  }
0x170: {  	s21 =	simm.s32 $0x9200  }
0x171: {  	[spmem:s1] =	stream.indirect.scatter.add.f32 [tilespmem:s28], [sflag:$0x3], $0x10, s21, s10, $0xb8;
	[tilespmem:$0x1E600] =	vst v63  }
0x172: {  	s22 =	simm.s32 $0x9280  }
0x173: {  	[spmem:s1] =	stream.indirect.scatter.add.f32 [tilespmem:s30], [sflag:$0x3], $0x10, s22, s10, $0xb8;
	[tilespmem:$0x1E600] =	vst v63  }
0x174: {  	_ =	swait.ge [sflag:s15], $0x800  }
0x175: {  	[sflag:s15] =	ssyncset.done $0x0  }
0x176: {  	[sflag:s15] =	ssyncadd.s32 $0xFFFFF800  }
0x177: {  	_ =	swait.ge [sflag:s15], $0x800  }
0x178: {  	[sflag:s15] =	ssyncset.done $0x0  }
0x179: {  	[sflag:s15] =	ssyncadd.s32 $0xFFFFF800  }
0x17a: {  	_ =	swait.ge [sflag:s15], $0x800  }
0x17b: {  	[sflag:s15] =	ssyncset.done $0x0  }
0x17c: {  	[sflag:s15] =	ssyncadd.s32 $0xFFFFF800  }
0x17d: {  	_ =	swait.ge [sflag:s15], $0x800  }
0x17e: {  	[sflag:s15] =	ssyncset.done $0x0  }
0x17f: {  	[sflag:s15] =	ssyncadd.s32 $0xFFFFF800  }
0x180: {  	_ =	swait.ge [sflag:s15], $0x800  }
0x181: {  	[sflag:s15] =	ssyncset.done $0x0  }
0x182: {  	[sflag:s15] =	ssyncadd.s32 $0xFFFFF800  }
0x183: {  	_ =	swait.ge [sflag:s15], $0x800  }
0x184: {  	[sflag:s15] =	ssyncset.done $0x0  }
0x185: {  	[sflag:s15] =	ssyncadd.s32 $0xFFFFF800  }
0x186: {  	_ =	swait.ge [sflag:s15], $0x800  }
0x187: {  	[sflag:s15] =	ssyncset.done $0x0  }
0x188: {  	[sflag:s15] =	ssyncadd.s32 $0xFFFFF800  }
0x189: {  	_ =	swait.ge [sflag:s15], $0x800  }
0x18a: {  	[sflag:s15] =	ssyncset.done $0x0  }
0x18b: {  	[sflag:s15] =	ssyncadd.s32 $0xFFFFF800  }
0x18c: {  	_ =	swait.ge [sflag:s15], $0x800  }
0x18d: {  	[sflag:s15] =	ssyncset.done $0x0  }
0x18e: {  	[sflag:s15] =	ssyncadd.s32 $0xFFFFF800  }
0x18f: {  	_ =	swait.ge [sflag:s15], $0x800  }
0x190: {  	[sflag:s15] =	ssyncset.done $0x0  }
0x191: {  	[sflag:s15] =	ssyncadd.s32 $0xFFFFF800  }
0x192: {  	_ =	swait.ge [sflag:s15], $0x800  }
0x193: {  	[sflag:s15] =	ssyncset.done $0x0  }
0x194: {  	[sflag:s15] =	ssyncadd.s32 $0xFFFFF800  }
0x195: {  	_ =	swait.ge [sflag:s15], $0x800  }
0x196: {  	[sflag:s15] =	ssyncset.done $0x0  }
0x197: {  	[sflag:s15] =	ssyncadd.s32 $0xFFFFF800  }
0x198: {  	_ =	swait.ge [sflag:s15], $0x800  }
0x199: {  	[sflag:s15] =	ssyncset.done $0x0  }
0x19a: {  	[sflag:s15] =	ssyncadd.s32 $0xFFFFF800  }
0x19b: {  	_ =	swait.ge [sflag:s15], $0x800  }
0x19c: {  	[sflag:s15] =	ssyncset.done $0x0  }
0x19d: {  	[sflag:s15] =	ssyncadd.s32 $0xFFFFF800  }
0x19e: {  	_ =	swait.ge [sflag:s15], $0x800  }
0x19f: {  	[sflag:s15] =	ssyncset.done $0x0  }
0x1a0: {  	[sflag:s15] =	ssyncadd.s32 $0xFFFFF800  }
0x1a1: {  	_ =	swait.ge [sflag:s15], $0x800  }
0x1a2: {  	[sflag:s15] =	ssyncset.done $0x0  }
0x1a3: {  	[sflag:s15] =	ssyncadd.s32 $0xFFFFF800  }
0x1a4: {  	_ =	swait.ge [sflag:s15], $0x800  }
0x1a5: {  	[sflag:s15] =	ssyncset.done $0x0  }
0x1a6: {  	[sflag:s15] =	ssyncadd.s32 $0xFFFFF800  }
0x1a7: {  	_ =	swait.ge [sflag:s15], $0x800  }
0x1a8: {  	[sflag:s15] =	ssyncset.done $0x0  }
0x1a9: {  	[sflag:s15] =	ssyncadd.s32 $0xFFFFF800  }
0x1aa: {  	_ =	swait.ge [sflag:s15], $0x800  }
0x1ab: {  	[sflag:s15] =	ssyncset.done $0x0  }
0x1ac: {  	[sflag:s15] =	ssyncadd.s32 $0xFFFFF800  }
0x1ad: {  	_ =	swait.ge [sflag:s15], $0x800  }
0x1ae: {  	[sflag:s15] =	ssyncset.done $0x0  }
0x1af: {  	[sflag:s15] =	ssyncadd.s32 $0xFFFFF800  }
0x1b0: {  	_ =	swait.ge [sflag:s15], $0x800  }
0x1b1: {  	[sflag:s15] =	ssyncset.done $0x0  }
0x1b2: {  	[sflag:s15] =	ssyncadd.s32 $0xFFFFF800  }
0x1b3: {  	_ =	swait.ge [sflag:s15], $0x800  }
0x1b4: {  	[sflag:s15] =	ssyncset.done $0x0  }
0x1b5: {  	[sflag:s15] =	ssyncadd.s32 $0xFFFFF800  }
0x1b6: {  	_ =	swait.ge [sflag:s15], $0x800  }
0x1b7: {  	[sflag:s15] =	ssyncset.done $0x0  }
0x1b8: {  	[sflag:s15] =	ssyncadd.s32 $0xFFFFF800  }
0x1b9: {  	_ =	swait.ge [sflag:s15], $0x800  }
0x1ba: {  	[sflag:s15] =	ssyncset.done $0x0  }
0x1bb: {  	[sflag:s15] =	ssyncadd.s32 $0xFFFFF800  }
0x1bc: {  	_ =	swait.ge [sflag:s15], $0x800  }
0x1bd: {  	[sflag:s15] =	ssyncset.done $0x0  }
0x1be: {  	[sflag:s15] =	ssyncadd.s32 $0xFFFFF800  }
0x1bf: {  	_ =	swait.ge [sflag:s15], $0x800  }
0x1c0: {  	[sflag:s15] =	ssyncset.done $0x0  }
0x1c1: {  	[sflag:s15] =	ssyncadd.s32 $0xFFFFF800  }
0x1c2: {  	_ =	swait.ge [sflag:s15], $0x800  }
0x1c3: {  	[sflag:s15] =	ssyncset.done $0x0  }
0x1c4: {  	[sflag:s15] =	ssyncadd.s32 $0xFFFFF800  }
0x1c5: {  	_ =	swait.ge [sflag:s15], $0x800  }
0x1c6: {  	s17 =	sadd.s32 $0x1, s17;
	s26 =	rddreg [dreg:$0x6]  }
0x1c7: {  	p0 =	sne.s32 s17, s26  }
.Ltmp3:
0x1c8: {  	_ = 	snop;
	(pc) =	sbr.rel @p0 .LBB2_5-.Ltmp3, $3  }
0x1c9: {  	_ =	sdelay $0x1  }
0x1ca: {  	[sflag:s15] =	ssyncset.done $0x0  }
0x1cb: {  	[sflag:s15] =	ssyncadd.s32 $0xFFFFF800  }
0x1cc: {  	s2 =	rddreg [dreg:$0x1e]  }
0x1cd: {  	s17 =	smul.u32 $0x32000, s2  }
0x1ce: {  	s19 =	rddreg [dreg:$0x4];
	[bflag:$0x0] =	sbarrier.arrive $0xFFFF  }
0x1cf: {  	s21 =	rddreg [dreg:$0x7];
	s17 =	sadd.s32 s19, s17  }
0x1d0: {  	s22 =	stileid.u32;
	s24 =	rddreg [dreg:$0x1d];
	s17 =	sadd.s32 s21, s17  }
0x1d1: {  	s19 =	sshll.u32 s22, $0x6;
	s21 =	sadd.s32 s24, s17;
	s24 =	rddreg [dreg:$0x9]  }
0x1d2: {  	s19 =	sor.u32 $0x1C04, s19;
	s22 =	sshrl.u32 s24, $0x3  }
0x1d3: {  	[hbm:s21], [sflag:s19] =	dma.local [spmem:s22], $0x280  }
0x1d4: {  	_ =	swait.ge [sflag:s3], $0x280  }
0x1d5: {  	s26 =	rddreg [dreg:$0x13]  }
0x1d6: {  	[sflag:s3] =	ssyncset.done $0x0;
	s16 =	rddreg [dreg:$0xa]  }
0x1d7: {  	[sflag:s3] =	ssyncadd.s32 $0xFFFFFD80;
	s14 =	sadd.s32 s26, s17;
	s18 =	sshrl.u32 s16, $0x3  }
0x1d8: {  	[hbm:s14], [sflag:s19] =	dma.local [spmem:s18], $0x280  }
0x1d9: {  	_ =	swait.ge [sflag:s3], $0x280  }
0x1da: {  	s26 =	rddreg [dreg:$0x14]  }
0x1db: {  	[sflag:s3] =	ssyncset.done $0x0;
	s16 =	rddreg [dreg:$0xb]  }
0x1dc: {  	[sflag:s3] =	ssyncadd.s32 $0xFFFFFD80;
	s14 =	sadd.s32 s26, s17;
	s18 =	sshrl.u32 s16, $0x3  }
0x1dd: {  	[hbm:s14], [sflag:s19] =	dma.local [spmem:s18], $0x280  }
0x1de: {  	_ =	swait.ge [sflag:s3], $0x280  }
0x1df: {  	s26 =	rddreg [dreg:$0x15]  }
0x1e0: {  	[sflag:s3] =	ssyncset.done $0x0;
	s14 =	sadd.s32 s26, s17;
	s26 =	rddreg [dreg:$0xc]  }
0x1e1: {  	[sflag:s3] =	ssyncadd.s32 $0xFFFFFD80;
	s18 =	sshrl.u32 s26, $0x3  }
0x1e2: {  	[hbm:s14], [sflag:s19] =	dma.local [spmem:s18], $0x280  }
0x1e3: {  	_ =	swait.ge [sflag:s3], $0x280  }
0x1e4: {  	s22 =	rddreg [dreg:$0x16]  }
0x1e5: {  	[sflag:s3] =	ssyncset.done $0x0;
	s31 =	rddreg [dreg:$0xd]  }
0x1e6: {  	[sflag:s3] =	ssyncadd.s32 $0xFFFFFD80;
	s14 =	sadd.s32 s22, s17;
	s18 =	sshrl.u32 s31, $0x3  }
0x1e7: {  	[hbm:s14], [sflag:s19] =	dma.local [spmem:s18], $0x280  }
0x1e8: {  	_ =	swait.ge [sflag:s3], $0x280  }
0x1e9: {  	s22 =	rddreg [dreg:$0x17]  }
0x1ea: {  	[sflag:s3] =	ssyncset.done $0x0;
	s18 =	rddreg [dreg:$0xe]  }
0x1eb: {  	[sflag:s3] =	ssyncadd.s32 $0xFFFFFD80;
	s2 =	sadd.s32 s22, s17;
	s14 =	sshrl.u32 s18, $0x3  }
0x1ec: {  	[hbm:s2], [sflag:s19] =	dma.local [spmem:s14], $0x280  }
0x1ed: {  	_ =	swait.ge [sflag:s3], $0x280  }
0x1ee: {  	s21 =	rddreg [dreg:$0x18]  }
0x1ef: {  	[sflag:s3] =	ssyncset.done $0x0;
	s2 =	rddreg [dreg:$0xf]  }
0x1f0: {  	[sflag:s3] =	ssyncadd.s32 $0xFFFFFD80;
	s22 =	sadd.s32 s21, s17;
	s14 =	sshrl.u32 s2, $0x3  }
0x1f1: {  	[hbm:s22], [sflag:s19] =	dma.local [spmem:s14], $0x280  }
0x1f2: {  	_ =	swait.ge [sflag:s3], $0x280  }
0x1f3: {  	s14 =	rddreg [dreg:$0x19]  }
0x1f4: {  	[sflag:s3] =	ssyncset.done $0x0;
	s29 =	rddreg [dreg:$0x10]  }
0x1f5: {  	[sflag:s3] =	ssyncadd.s32 $0xFFFFFD80;
	s22 =	sadd.s32 s14, s17;
	s14 =	sshrl.u32 s29, $0x3  }
0x1f6: {  	[hbm:s22], [sflag:s19] =	dma.local [spmem:s14], $0x280  }
0x1f7: {  	_ =	swait.ge [sflag:s3], $0x280  }
0x1f8: {  	s22 =	rddreg [dreg:$0x1a]  }
0x1f9: {  	[sflag:s3] =	ssyncset.done $0x0;
	s14 =	rddreg [dreg:$0x11]  }
0x1fa: {  	[sflag:s3] =	ssyncadd.s32 $0xFFFFFD80;
	s21 =	sadd.s32 s22, s17;
	s22 =	sshrl.u32 s14, $0x3  }
0x1fb: {  	[hbm:s21], [sflag:s19] =	dma.local [spmem:s22], $0x280  }
0x1fc: {  	_ =	swait.ge [sflag:s3], $0x280  }
0x1fd: {  	s21 =	rddreg [dreg:$0x1b]  }
0x1fe: {  	s22 =	smov.u32 s16;
	[sflag:s3] =	ssyncset.done $0x0;
	s16 =	rddreg [dreg:$0x12]  }
0x1ff: {  	[sflag:s3] =	ssyncadd.s32 $0xFFFFFD80;
	s17 =	sadd.s32 s21, s17;
	s21 =	sshrl.u32 s16, $0x3  }
0x200: {  	[hbm:s17], [sflag:s19] =	dma.local [spmem:s21], $0x280  }
0x201: {  	s19 =	rddreg [dreg:$0x1e]  }
0x202: {  	s19 =	sadd.s32 $0x1, s19  }
0x203: {  	p0 =	sne.s32 s19, $0xC  }
.Ltmp4:
0x204: {  	_ = 	snop;
	(pc) =	sbr.rel @p0 .LBB2_4-.Ltmp4, $4  }
0x205: {  	_ = 	snop  }
0x206: {  	s21 =	rddreg [dreg:$0xa];
	_ =	swait.ge [sflag:s3], $0x280  }
0x207: {  	[sflag:s3] =	ssyncset.done $0x0  }
0x208: {  	[sflag:s3] =	ssyncadd.s32 $0xFFFFFD80  }
0x209: {  	s17 =	rddreg [dreg:$0x3]  }
0x20a: {  	s19 =	rddreg [dreg:$0x8];
	s17 =	sadd.s32 $0x1, s17  }
0x20b: {  	p0 =	sne.s32 s17, s19  }
.Ltmp5:
0x20c: {  	_ = 	snop;
	(pc) =	sbr.rel @p0 .LBB2_1-.Ltmp5, $1  }
0x20d: {  	_ =	sdelay $0x3  }
0x20e: {  	_ =	sfence.sel $0x180000  }
0x20f: {  	[bflag:$0x0] =	sbarrier.arrive $0xFFFF  }
0x210: {  	_ =	strace $0x9000004A  }
0x211: {  	s0 =	stileid.u32;
	[bflag:$0x2] =	sbarrier.arrive $0xFFFF  }
0x212: {  	p0 =	sne.s32 s0, $0x0;
	s0 =	rddreg [dreg:$0x2]  }
0x213: {  	s0 =	sadd.s32 @!p0 $0x100000, s0  }
0x214: {  	[sflag:s0] =	ssyncadd.tile.s32 @!p0 $0x1;
	_ =	shalt  }
.Lfunc_end2:
_tile_overlayer_lowered:
.L_overlay_start_2:
0x215: {  	(tag) =	ssettag $0x2  }
0x216: {  	s0 =	rddreg [dreg:$0x0];
	s2 =	stileid.u32  }
0x217: {  	s1 =	rddreg [dreg:$0x1];
	p0 =	sne.s32 s2, $0x0  }
0x218: {  	s3 =	rddreg [dreg:$0x2];
	[bflag:$0x3] =	sbarrier.arrive $0xFFFF;
	s2 =	simm.s32 @!p0 $0x1C04  }
0x219: {  	[timem:s3], [sflag:s2] =	dma.local @!p0 [hbm:s0], s1  }
0x21a: {  	s0 =	simm.s32 @!p0 $0x4  }
0x21b: {  	_ =	swait.ge @!p0 [sflag:s0], s1  }
0x21c: {  	s1 =	ssub.s32 @!p0 $0x0, s1;
	[sflag:s0] =	ssyncset.done @!p0 $0x0  }
0x21d: {  	[sflag:s0] =	ssyncadd.s32 @!p0 s1  }
0x21e: {  	[bflag:$0x3] =	sbarrier.arrive $0xFFFF  }
0x21f: {  	_ =	shalt  }

</sc_bundles>
